<compile_context>
chip_gen: v7x
topology: tpu7x:2x2x1
jax: 0.10.2.dev20260603
libtpu: 0.0.44.dev20260713+nightly
codegen_flags: <defaults>
</compile_context>

<pallas_src>
import functools

import jax
import jax.numpy as jnp
from jax import lax
from jax.experimental import pallas as pl
from jax.experimental.pallas import tpu as pltpu
from jax.experimental.pallas import tpu_sc as plsc

_N_CLS = 1000
_N_PAD = 1024
_FEAT = 128
_BATCH = 4096
_M = 0.95
_TEMP = 0.1

_NSC = 2
_NTILE = 16
_CHUNK = _BATCH // _NTILE
_CLS_PER_TILE = _N_PAD // (_NSC * _NTILE)
_WIN = 128


def _lshuf(v, idx):
    return v.at[idx].get(mode="promise_in_bounds")


def _cumsum16(v, iota16):
    for d in (1, 2, 4, 8):
        sh = _lshuf(v, jnp.maximum(iota16 - d, 0))
        v = v + jnp.where(iota16 >= d, sh, 0)
    return v


def _allsum16(v, iota16):
    for d in (1, 2, 4, 8):
        v = v + _lshuf(v, iota16 ^ d)
    return v


def _sget(ref, idx):
    return ref[pl.ds(idx, 16)][0]


def _sc_body(feat_hbm, lbl_hbm, prot_hbm, out_hbm,
             counts_sh, sortedidx_sh,
             lbl_v, cnt_v, rank_v, all16_v, base_v, excl_v, tot_v,
             pos_v, val_v, idxwin_v, featwin_v, prot_v, zero_v, sem):
    core = lax.axis_index("c")
    s = lax.axis_index("s")
    zeros16i = jnp.zeros((16,), jnp.int32)

    pltpu.sync_copy(lbl_hbm.at[pl.ds(s * _CHUNK, _CHUNK)],
                    lbl_v.at[pl.ds(0, _CHUNK)])

    def zero_body(i, c):
        cnt_v[pl.ds(i * 16, 16)] = zeros16i
        return c
    lax.fori_loop(0, (_N_PAD + 128) // 16, zero_body, 0)

    iota16 = lax.iota(jnp.int32, 16)

    def hist_one(i, acc):
        l = _sget(lbl_v, i)
        b = (l // 16) * 16
        msk = iota16 == jnp.full((16,), l - b, jnp.int32)
        v = cnt_v[pl.ds(b, 16)]
        rvec = _allsum16(jnp.where(msk, v, 0), iota16)
        cnt_v[pl.ds(b, 16)] = jnp.where(msk, v + 1, v)
        return jnp.where(iota16 == jnp.full((16,), i % 16, jnp.int32),
                         rvec, acc)

    def hist_body(ii, acc):
        acc = hist_one(2 * ii, acc)
        acc = hist_one(2 * ii + 1, acc)

        @pl.when(ii % 8 == 7)
        def _():
            rank_v[pl.ds((ii // 8) * 16, 16)] = acc
        return acc
    lax.fori_loop(0, _CHUNK // 2, hist_body, zeros16i)
    pltpu.sync_copy(cnt_v.at[pl.ds(0, _N_PAD)], counts_sh.at[s])

    @pl.when(s == 0)
    def _():
        for k in range(_WIN // 16):
            zero_v[pl.ds(k * 16, 16)] = zeros16i
        pltpu.sync_copy(zero_v, sortedidx_sh.at[pl.ds(_BATCH, _WIN)])

    plsc.subcore_barrier()

    pltpu.sync_copy(counts_sh, all16_v)

    def chunk_body(k, carry):
        tot = zeros16i
        below = zeros16i
        for w in range(_NTILE):
            v = all16_v[w, pl.ds(k * 16, 16)]
            tot = tot + v
            ind = jnp.where(w < s, 1, 0)
            below = below + v * jnp.full((16,), ind, jnp.int32)
        cs = _cumsum16(tot, iota16)
        excl = cs - tot + jnp.full((16,), carry, jnp.int32)
        base_v[pl.ds(k * 16, 16)] = excl + below
        excl_v[pl.ds(k * 16, 16)] = excl
        tot_v[pl.ds(k * 16, 16)] = tot
        return carry + cs[15]
    lax.fori_loop(0, _N_PAD // 16, chunk_body, jnp.int32(0))

    def pos_body(g, c):
        posv = zeros16i
        for j in range(16):
            i = g * 16 + j
            l = _sget(lbl_v, i)
            pz = _sget(base_v, l) + _sget(rank_v, i)
            posv = jnp.where(iota16 == j, jnp.full((16,), pz, jnp.int32),
                             posv)
        pos_v[g // 8, pl.ds((g % 8) * 16, 16)] = posv
        return c
    lax.fori_loop(0, _CHUNK // 16, pos_body, 0)

    for j in range(_CHUNK // 128):
        for k in range(8):
            val_v[j, pl.ds(k * 16, 16)] = (
                lax.iota(jnp.int32, 16) + (s * _CHUNK + j * 128 + k * 16))
    for j in range(_CHUNK // 128):
        pltpu.sync_copy(val_v.at[j], sortedidx_sh.at[pos_v.at[j]])

    plsc.subcore_barrier()

    cbase = core * (_N_PAD // _NSC) + s * _CLS_PER_TILE
    ntail = _N_CLS - (_N_PAD - _CLS_PER_TILE)

    @pl.when(cbase != _N_PAD - _CLS_PER_TILE)
    def _():
        pltpu.sync_copy(prot_hbm.at[pl.ds(cbase, _CLS_PER_TILE)], prot_v)

    @pl.when(cbase == _N_PAD - _CLS_PER_TILE)
    def _():
        pltpu.sync_copy(prot_hbm.at[pl.ds(_N_PAD - _CLS_PER_TILE, ntail)],
                        prot_v.at[pl.ds(0, ntail)])

    def class_body(cl, win_lo):
        c = cbase + cl
        n_c = _sget(tot_v, c)
        start_c = _sget(excl_v, c)
        p = tuple(prot_v[cl, pl.ds(k * 16, 16)] for k in range(8))

        def samp_body(j, carry):
            wlo = carry[0]
            pk = carry[1:]
            row = start_c + j

            def reload(_):
                nl = (row // _WIN) * _WIN
                pltpu.sync_copy(sortedidx_sh.at[pl.ds(nl, _WIN)], idxwin_v)
                pltpu.async_copy(feat_hbm.at[idxwin_v], featwin_v, sem).wait()
                return nl

            wlo = lax.cond(row >= wlo + _WIN, reload, lambda _: wlo, 0)
            off = row - wlo
            f = tuple(featwin_v[off, pl.ds(k * 16, 16)] for k in range(8))
            new = tuple(pk[k] * _M + f[k] * (1.0 - _M) for k in range(8))
            acc = new[0] * new[0]
            for k in range(1, 8):
                acc = acc + new[k] * new[k]
            ss = jnp.maximum(_allsum16(acc, iota16)[0], jnp.float32(1e-24))
            yi = jnp.int32(0x5F3759DF) - lax.shift_right_logical(
                lax.bitcast_convert_type(ss, jnp.int32), 1)
            y = lax.bitcast_convert_type(yi, jnp.float32)
            for _ in range(3):
                y = y * (1.5 - 0.5 * ss * y * y)
            y = jnp.minimum(y, jnp.float32(1e12))
            yv = jnp.full((16,), y, jnp.float32)
            new = tuple(n * yv for n in new)
            return (wlo,) + new

        carry = lax.fori_loop(0, n_c, samp_body, (win_lo,) + p)
        for k in range(8):
            prot_v[cl, pl.ds(k * 16, 16)] = carry[1 + k]
        return carry[0]

    lax.fori_loop(0, _CLS_PER_TILE, class_body, jnp.int32(-(2 ** 30)))

    @pl.when(cbase != _N_PAD - _CLS_PER_TILE)
    def _():
        pltpu.sync_copy(prot_v, out_hbm.at[pl.ds(cbase, _CLS_PER_TILE)])

    @pl.when(cbase == _N_PAD - _CLS_PER_TILE)
    def _():
        pltpu.sync_copy(prot_v.at[pl.ds(0, ntail)],
                        out_hbm.at[pl.ds(_N_PAD - _CLS_PER_TILE, ntail)])


@functools.partial(
    pl.kernel,
    out_type=jax.ShapeDtypeStruct((_N_CLS, _FEAT), jnp.float32),
    mesh=plsc.VectorSubcoreMesh(core_axis_name="c", subcore_axis_name="s",
                                num_cores=_NSC, num_subcores=_NTILE),
    scratch_types=[
        pltpu.VMEM_SHARED((_NTILE, _N_PAD), jnp.int32),
        pltpu.VMEM_SHARED((_BATCH + _WIN,), jnp.int32),
        pltpu.VMEM((_CHUNK + 128,), jnp.int32),
        pltpu.VMEM((_N_PAD + 128,), jnp.int32),
        pltpu.VMEM((_CHUNK + 128,), jnp.int32),
        pltpu.VMEM((_NTILE, _N_PAD), jnp.int32),
        pltpu.VMEM((_N_PAD + 128,), jnp.int32),
        pltpu.VMEM((_N_PAD + 128,), jnp.int32),
        pltpu.VMEM((_N_PAD + 128,), jnp.int32),
        pltpu.VMEM((_CHUNK // 128, 128), jnp.int32),
        pltpu.VMEM((_CHUNK // 128, 128), jnp.int32),
        pltpu.VMEM((_WIN,), jnp.int32),
        pltpu.VMEM((_WIN, _FEAT), jnp.float32),
        pltpu.VMEM((_CLS_PER_TILE, _FEAT), jnp.float32),
        pltpu.VMEM((_WIN,), jnp.int32),
        pltpu.SemaphoreType.DMA,
    ],
)
def _sc_update(feat_hbm, lbl_hbm, prot_hbm, out_hbm, *scratch):
    _sc_body(feat_hbm, lbl_hbm, prot_hbm, out_hbm, *scratch)


def _loss_body(proto_ref, out_ref):
    p = proto_ref[...]
    logits = jax.lax.dot_general(
        p, p, (((1,), (1,)), ((), ())),
        preferred_element_type=jnp.float32) * (1.0 / _TEMP)
    row = jax.lax.broadcasted_iota(jnp.int32, (_N_CLS, _N_CLS), 0)
    col = jax.lax.broadcasted_iota(jnp.int32, (_N_CLS, _N_CLS), 1)
    offdiag = (row != col).astype(jnp.float32)
    num = jnp.sum(jnp.exp(logits) * offdiag, axis=1)
    mean_prob_neg = jnp.log(num * (1.0 / (_N_CLS - 1)))
    out_ref[0, 0] = jnp.sum(mean_prob_neg) * (1.0 / _N_CLS)


def kernel(features, labels, prototypes):
    updated = _sc_update(features, labels.astype(jnp.int32), prototypes)

    loss = pl.pallas_call(
        _loss_body,
        out_shape=jax.ShapeDtypeStruct((1, 1), jnp.float32),
        in_specs=[pl.BlockSpec(memory_space=pltpu.VMEM)],
        out_specs=pl.BlockSpec(memory_space=pltpu.SMEM),
    )(updated)
    return loss[0, 0]

# --- scband reference (transcript-rebuilt; emitter-appended) ---
"""Pipeline reference for scband-disp-loss-22265110462933 (READ-ONLY COPY).

The authoritative reference and input builder live on the scoring server;
editing this copy changes nothing except your own understanding.
"""

import jax, jax.numpy as jnp
import numpy as np

N_CLS = 1000
FEAT_DIM = 128
PROTO_M = 0.95
TEMPERATURE = 0.1
BASE_TEMPERATURE = 0.1
BATCH = 4096


def setup_inputs(seed: int = 0) -> dict:
    key = jax.random.key(seed)
    k1, k2, k3 = jax.random.split(key, 3)
    features = jax.random.normal(k1, (BATCH, FEAT_DIM), dtype=jnp.float32)
    labels = jax.random.randint(k2, (BATCH,), 0, N_CLS)
    prototypes = jax.random.normal(k3, (N_CLS, FEAT_DIM), dtype=jnp.float32)
    # init_class_prototypes ends with F.normalize(prototypes, dim=1)
    prototypes = prototypes / jnp.maximum(
        jnp.linalg.norm(prototypes, axis=1, keepdims=True), 1e-12)
    return {"features": features, "labels": labels, "prototypes": prototypes}


def reference(features, labels, prototypes):
    # Sequential EMA scatter updates into the prototype memory (order matters
    # when the same label appears multiple times), matching the python loop.
    def step(protos, inp):
        f, lbl = inp
        new = protos[lbl] * PROTO_M + f * (1.0 - PROTO_M)
        new = new / jnp.maximum(jnp.linalg.norm(new), 1e-12)  # F.normalize dim=0
        return protos.at[lbl].set(new), None

    protos, _ = jax.lax.scan(step, prototypes, (features, labels))

    num_cls = protos.shape[0]
    lbl = jnp.arange(num_cls).reshape(-1, 1)
    mask = (1.0 - (lbl == lbl.T).astype(jnp.float32))
    logits = (protos @ protos.T) / TEMPERATURE
    diag = jnp.arange(num_cls)
    logits_mask = jnp.ones((num_cls, num_cls), jnp.float32).at[diag, diag].set(0.0)
    mask = mask * logits_mask
    denom = mask.sum(1)
    num = (mask * jnp.exp(logits)).sum(1)
    safe_denom = jnp.where(denom > 0, denom, 1.0)
    ratio = num / safe_denom
    mean_prob_neg = jnp.log(jnp.where(denom > 0, ratio, 1.0))
    valid = denom > 0  # rows that would be NaN in torch are filtered out
    loss = (TEMPERATURE / BASE_TEMPERATURE) * (
        jnp.sum(jnp.where(valid, mean_prob_neg, 0.0))
        / jnp.maximum(jnp.sum(valid), 1))
    return loss

if __name__ == "__main__":
    import jax
    _d = setup_inputs()
    print(jax.jit(kernel)(*tuple(_d.values())))

</pallas_src>

<mosaic_0001>
#map = affine_map<(d0, d1) -> (0, 0)>
#map1 = affine_map<(d0, d1) -> (0)>
module attributes {stable_mosaic.version = 14 : i64} {
  func.func @_sc_update(%arg0: i32, %arg1: i32, %arg2: memref<4096x128xf32, #tpu.memory_space<hbm>>, %arg3: memref<4096xi32, #tpu.memory_space<hbm>>, %arg4: memref<1000x128xf32, #tpu.memory_space<hbm>>, %arg5: memref<1000x128xf32, #tpu.memory_space<hbm>>, %arg6: memref<16x1024xi32, #tpu.memory_space<vmem_shared>>, %arg7: memref<4224xi32, #tpu.memory_space<vmem_shared>>, %arg8: memref<384xi32, #tpu.memory_space<vmem>>, %arg9: memref<1152xi32, #tpu.memory_space<vmem>>, %arg10: memref<384xi32, #tpu.memory_space<vmem>>, %arg11: memref<16x1024xi32, #tpu.memory_space<vmem>>, %arg12: memref<1152xi32, #tpu.memory_space<vmem>>, %arg13: memref<1152xi32, #tpu.memory_space<vmem>>, %arg14: memref<1152xi32, #tpu.memory_space<vmem>>, %arg15: memref<2x128xi32, #tpu.memory_space<vmem>>, %arg16: memref<2x128xi32, #tpu.memory_space<vmem>>, %arg17: memref<128xi32, #tpu.memory_space<vmem>>, %arg18: memref<128x128xf32, #tpu.memory_space<vmem>>, %arg19: memref<32x128xf32, #tpu.memory_space<vmem>>, %arg20: memref<128xi32, #tpu.memory_space<vmem>>, %arg21: memref<!tpu.dma_semaphore, #tpu.memory_space<semaphore_mem>>) attributes {dimension_semantics = [#tpu.dimension_semantics<core_parallel>, #tpu.dimension_semantics<subcore_parallel>], iteration_bounds = array<i64: 2, 16>, scalar_prefetch = 0 : i64, scratch_operands = 16 : i64, tpu.core_type = #tpu.core_type<sc_vector_subcore>, window_params = [{transform_indices = #map}, {transform_indices = #map1}, {transform_indices = #map}, {transform_indices = #map}]} {
    %broadcast_in_dim3A = arith.constant 0 : i32
    %broadcast_in_dim3A_0 = vector.broadcast %broadcast_in_dim3A : i32 to vector<16xi32>
    %mul3A = arith.constant 256 : i32
    %mul3A_1 = arith.muli %arg1, %mul3A : i32
    "tpu.region"() ({
      %run_scoped3A_301 = tpu.sem_alloc : memref<!tpu.dma_semaphore, #tpu.memory_space<semaphore_mem>>
      %dma_start3A = arith.constant 0 : i32
      %dma_start3A_302 = tpu.memref_slice %arg8[%dma_start3A] : memref<384xi32, #tpu.memory_space<vmem>> -> memref<256xi32, #tpu.memory_space<vmem>>
      %dma_start3A_303 = tpu.memref_slice %arg3[%mul3A_1] : memref<4096xi32, #tpu.memory_space<hbm>> -> memref<256xi32, #tpu.memory_space<hbm>>
      %dma_start3A_304 = arith.constant 0 : i32
      %dma_start3A_305 = tpu.memref_slice %arg8[%dma_start3A_304] : memref<384xi32, #tpu.memory_space<vmem>> -> memref<256xi32, #tpu.memory_space<vmem>>
      %dma_start3A_306 = tpu.memref_slice %arg3[%mul3A_1] : memref<4096xi32, #tpu.memory_space<hbm>> -> memref<256xi32, #tpu.memory_space<hbm>>
      tpu.enqueue_dma source(%dma_start3A_306 : memref<256xi32, #tpu.memory_space<hbm>>) target(%dma_start3A_305 : memref<256xi32, #tpu.memory_space<vmem>>) target_semaphore(%run_scoped3A_301 : memref<!tpu.dma_semaphore, #tpu.memory_space<semaphore_mem>>)
      %dma_wait3A = arith.constant 0 : i32
      %dma_wait3A_307 = tpu.memref_slice %arg8[%dma_wait3A] : memref<384xi32, #tpu.memory_space<vmem>> -> memref<256xi32, #tpu.memory_space<vmem>>
      %dma_wait3A_308 = tpu.memref_slice %arg3[%mul3A_1] : memref<4096xi32, #tpu.memory_space<hbm>> -> memref<256xi32, #tpu.memory_space<hbm>>
      %dma_wait3A_309 = arith.constant 0 : i32
      %dma_wait3A_310 = tpu.memref_slice %arg8[%dma_wait3A_309] : memref<384xi32, #tpu.memory_space<vmem>> -> memref<256xi32, #tpu.memory_space<vmem>>
      %dma_wait3A_311 = tpu.memref_slice %arg3[%mul3A_1] : memref<4096xi32, #tpu.memory_space<hbm>> -> memref<256xi32, #tpu.memory_space<hbm>>
      tpu.wait_dma2 semaphore(%run_scoped3A_301 : memref<!tpu.dma_semaphore, #tpu.memory_space<semaphore_mem>>) src(%dma_wait3A_311 : memref<256xi32, #tpu.memory_space<hbm>>) dst(%dma_wait3A_310 : memref<256xi32, #tpu.memory_space<vmem>>)
      tpu.yield
    }) : () -> ()
    %scan3A = arith.constant 0 : i32
    %scan3A_2 = arith.constant 0 : i32
    %scan3A_3 = arith.constant 72 : i32
    %scan3A_4 = arith.addi %scan3A_2, %scan3A_3 : i32
    %scan3A_5 = arith.constant 1 : i32
    scf.for %scan3A_301 = %scan3A_2 to %scan3A_4 step %scan3A_5  : i32 {
      %mul3A_302 = arith.constant 16 : i32
      %mul3A_303 = arith.muli %scan3A_301, %mul3A_302 : i32
      %swap3A_304 = arith.index_cast %mul3A_303 : i32 to index
      %swap3A_305 = tpu.vector_load %arg9[%swap3A_304] {strides = array<i32>} : memref<1152xi32, #tpu.memory_space<vmem>>, vector<16xi32>,
      %swap3A_306 = vector.shape_cast %swap3A_305 : vector<16xi32> to vector<16xi32>
      %swap3A_307 = vector.shape_cast %broadcast_in_dim3A_0 : vector<16xi32> to vector<16xi32>
      tpu.vector_store %arg9[%swap3A_304], %swap3A_307 {strides = array<i32>} : memref<1152xi32, #tpu.memory_space<vmem>>, vector<16xi32>,
    }
    %scan3A_6 = arith.constant 72 : i32
    %iota3A = tpu.iota {dimensions = array<i32: 0>} : vector<16xi32>
    %scan3A_7 = arith.constant 0 : i32
    %scan3A_8 = arith.constant 128 : i32
    %scan3A_9 = arith.addi %scan3A_7, %scan3A_8 : i32
    %scan3A_10 = arith.constant 1 : i32
    %scan3A_11 = scf.for %scan3A_301 = %scan3A_7 to %scan3A_9 step %scan3A_10 iter_args(%scan3A_302 = %broadcast_in_dim3A_0) -> (vector<16xi32>)  : i32 {
      %mul3A_303 = arith.constant 2 : i32
      %mul3A_304 = arith.muli %mul3A_303, %scan3A_301 : i32
      %get3A = arith.index_cast %mul3A_304 : i32 to index
      %get3A_305 = tpu.vector_load %arg8[%get3A] {strides = array<i32>} : memref<384xi32, #tpu.memory_space<vmem>>, vector<16xi32>,
      %get3A_306 = vector.shape_cast %get3A_305 : vector<16xi32> to vector<16xi32>
      %slice3A = vector.extract_strided_slice %get3A_306 {offsets = [0], sizes = [1], strides = [1]} : vector<16xi32> to vector<1xi32>
      %squeeze3A = vector.extract %slice3A[0] : i32 from vector<1xi32>
      %jit3A = arith.constant 16 : i32
      %div3A = arith.divsi %squeeze3A, %jit3A : i32
      %sign3A = arith.constant 0 : i32
      %sign3A_307 = arith.cmpi sgt, %squeeze3A, %sign3A : i32
      %sign3A_308 = arith.extui %sign3A_307 : i1 to i32
      %sign3A_309 = arith.constant 0 : i32
      %sign3A_310 = arith.cmpi slt, %squeeze3A, %sign3A_309 : i32
      %sign3A_311 = arith.extui %sign3A_310 : i1 to i32
      %sign3A_312 = arith.subi %sign3A_308, %sign3A_311 : i32
      %sign3A_313 = arith.constant 0 : i32
      %sign3A_314 = arith.cmpi sgt, %jit3A, %sign3A_313 : i32
      %sign3A_315 = arith.extui %sign3A_314 : i1 to i32
      %sign3A_316 = arith.constant 0 : i32
      %sign3A_317 = arith.cmpi slt, %jit3A, %sign3A_316 : i32
      %sign3A_318 = arith.extui %sign3A_317 : i1 to i32
      %sign3A_319 = arith.subi %sign3A_315, %sign3A_318 : i32
      %ne3A_320 = arith.cmpi ne, %sign3A_312, %sign3A_319 : i32
      %rem3A = arith.remsi %squeeze3A, %jit3A : i32
      %ne3A_321 = arith.constant 0 : i32
      %ne3A_322 = arith.cmpi ne, %rem3A, %ne3A_321 : i32
      %and3A = arith.andi %ne3A_320, %ne3A_322 : i1
      %sub3A = arith.constant 1 : i32
      %sub3A_323 = arith.subi %div3A, %sub3A : i32
      %select_n3A = arith.select %and3A, %sub3A_323, %div3A : i32
      %mul3A_324 = arith.constant 16 : i32
      %mul3A_325 = arith.muli %select_n3A, %mul3A_324 : i32
      %sub3A_326 = arith.subi %squeeze3A, %mul3A_325 : i32
      %broadcast_in_dim3A_327 = vector.broadcast %sub3A_326 : i32 to vector<16xi32>
      %eq3A_328 = arith.cmpi eq, %iota3A, %broadcast_in_dim3A_327 : vector<16xi32>
      %get3A_329 = arith.index_cast %mul3A_325 : i32 to index
      %get3A_330 = tpu.vector_load %arg9[%get3A_329] {strides = array<i32>} : memref<1152xi32, #tpu.memory_space<vmem>>, vector<16xi32>,
      %get3A_331 = vector.shape_cast %get3A_330 : vector<16xi32> to vector<16xi32>
      %jit3A_332 = arith.constant 0 : i32
      %broadcast_in_dim3A_333 = vector.broadcast %jit3A_332 : i32 to vector<16xi32>
      %select_n3A_334 = arith.select %eq3A_328, %get3A_331, %broadcast_in_dim3A_333 : vector<16xi1>, vector<16xi32>
      %xor3A = arith.constant 1 : i32
      %xor3A_335 = vector.broadcast %xor3A : i32 to vector<16xi32>
      %xor3A_336 = arith.xori %iota3A, %xor3A_335 : vector<16xi32>
      %lt3A = arith.constant 0 : i32
      %lt3A_337 = vector.broadcast %lt3A : i32 to vector<16xi32>
      %lt3A_338 = arith.cmpi slt, %xor3A_336, %lt3A_337 : vector<16xi32>
      %add3A_339 = arith.constant 16 : i32
      %add3A_340 = vector.broadcast %add3A_339 : i32 to vector<16xi32>
      %add3A_341 = arith.addi %xor3A_336, %add3A_340 : vector<16xi32>
      %select_n3A_342 = arith.select %lt3A_338, %add3A_341, %xor3A_336 : vector<16xi1>, vector<16xi32>
      %broadcast_in_dim3A_343 = vector.shape_cast %select_n3A_342 : vector<16xi32> to vector<16x1xi32>
      %gather3A = vector.shape_cast %broadcast_in_dim3A_343 : vector<16x1xi32> to vector<16xi32>
      %gather3A_344 = tpu.dynamic_gather %select_n3A_334[%gather3A] in [0] : vector<16xi32>, vector<16xi32> -> vector<16xi32>
      %add3A_345 = arith.addi %select_n3A_334, %gather3A_344 : vector<16xi32>
      %xor3A_346 = arith.constant 2 : i32
      %xor3A_347 = vector.broadcast %xor3A_346 : i32 to vector<16xi32>
      %xor3A_348 = arith.xori %iota3A, %xor3A_347 : vector<16xi32>
      %lt3A_349 = arith.constant 0 : i32
      %lt3A_350 = vector.broadcast %lt3A_349 : i32 to vector<16xi32>
      %lt3A_351 = arith.cmpi slt, %xor3A_348, %lt3A_350 : vector<16xi32>
      %add3A_352 = arith.constant 16 : i32
      %add3A_353 = vector.broadcast %add3A_352 : i32 to vector<16xi32>
      %add3A_354 = arith.addi %xor3A_348, %add3A_353 : vector<16xi32>
      %select_n3A_355 = arith.select %lt3A_351, %add3A_354, %xor3A_348 : vector<16xi1>, vector<16xi32>
      %broadcast_in_dim3A_356 = vector.shape_cast %select_n3A_355 : vector<16xi32> to vector<16x1xi32>
      %gather3A_357 = vector.shape_cast %broadcast_in_dim3A_356 : vector<16x1xi32> to vector<16xi32>
      %gather3A_358 = tpu.dynamic_gather %add3A_345[%gather3A_357] in [0] : vector<16xi32>, vector<16xi32> -> vector<16xi32>
      %add3A_359 = arith.addi %add3A_345, %gather3A_358 : vector<16xi32>
      %xor3A_360 = arith.constant 4 : i32
      %xor3A_361 = vector.broadcast %xor3A_360 : i32 to vector<16xi32>
      %xor3A_362 = arith.xori %iota3A, %xor3A_361 : vector<16xi32>
      %lt3A_363 = arith.constant 0 : i32
      %lt3A_364 = vector.broadcast %lt3A_363 : i32 to vector<16xi32>
      %lt3A_365 = arith.cmpi slt, %xor3A_362, %lt3A_364 : vector<16xi32>
      %add3A_366 = arith.constant 16 : i32
      %add3A_367 = vector.broadcast %add3A_366 : i32 to vector<16xi32>
      %add3A_368 = arith.addi %xor3A_362, %add3A_367 : vector<16xi32>
      %select_n3A_369 = arith.select %lt3A_365, %add3A_368, %xor3A_362 : vector<16xi1>, vector<16xi32>
      %broadcast_in_dim3A_370 = vector.shape_cast %select_n3A_369 : vector<16xi32> to vector<16x1xi32>
      %gather3A_371 = vector.shape_cast %broadcast_in_dim3A_370 : vector<16x1xi32> to vector<16xi32>
      %gather3A_372 = tpu.dynamic_gather %add3A_359[%gather3A_371] in [0] : vector<16xi32>, vector<16xi32> -> vector<16xi32>
      %add3A_373 = arith.addi %add3A_359, %gather3A_372 : vector<16xi32>
      %xor3A_374 = arith.constant 8 : i32
      %xor3A_375 = vector.broadcast %xor3A_374 : i32 to vector<16xi32>
      %xor3A_376 = arith.xori %iota3A, %xor3A_375 : vector<16xi32>
      %lt3A_377 = arith.constant 0 : i32
      %lt3A_378 = vector.broadcast %lt3A_377 : i32 to vector<16xi32>
      %lt3A_379 = arith.cmpi slt, %xor3A_376, %lt3A_378 : vector<16xi32>
      %add3A_380 = arith.constant 16 : i32
      %add3A_381 = vector.broadcast %add3A_380 : i32 to vector<16xi32>
      %add3A_382 = arith.addi %xor3A_376, %add3A_381 : vector<16xi32>
      %select_n3A_383 = arith.select %lt3A_379, %add3A_382, %xor3A_376 : vector<16xi1>, vector<16xi32>
      %broadcast_in_dim3A_384 = vector.shape_cast %select_n3A_383 : vector<16xi32> to vector<16x1xi32>
      %gather3A_385 = vector.shape_cast %broadcast_in_dim3A_384 : vector<16x1xi32> to vector<16xi32>
      %gather3A_386 = tpu.dynamic_gather %add3A_373[%gather3A_385] in [0] : vector<16xi32>, vector<16xi32> -> vector<16xi32>
      %add3A_387 = arith.addi %add3A_373, %gather3A_386 : vector<16xi32>
      %add3A_388 = arith.constant 1 : i32
      %add3A_389 = vector.broadcast %add3A_388 : i32 to vector<16xi32>
      %add3A_390 = arith.addi %get3A_331, %add3A_389 : vector<16xi32>
      %select_n3A_391 = arith.select %eq3A_328, %add3A_390, %get3A_331 : vector<16xi1>, vector<16xi32>
      %swap3A_392 = arith.index_cast %mul3A_325 : i32 to index
      %swap3A_393 = tpu.vector_load %arg9[%swap3A_392] {strides = array<i32>} : memref<1152xi32, #tpu.memory_space<vmem>>, vector<16xi32>,
      %swap3A_394 = vector.shape_cast %swap3A_393 : vector<16xi32> to vector<16xi32>
      %swap3A_395 = vector.shape_cast %select_n3A_391 : vector<16xi32> to vector<16xi32>
      tpu.vector_store %arg9[%swap3A_392], %swap3A_395 {strides = array<i32>} : memref<1152xi32, #tpu.memory_space<vmem>>, vector<16xi32>,
      %jit3A_396 = arith.constant 16 : i32
      %eq3A_397 = arith.constant 0 : i32
      %eq3A_398 = arith.cmpi eq, %jit3A_396, %eq3A_397 : i32
      %jit3A_399 = arith.constant 1 : i32
      %select_n3A_400 = arith.select %eq3A_398, %jit3A_399, %jit3A_396 : i32
      %rem3A_401 = arith.remsi %mul3A_304, %select_n3A_400 : i32
      %ne3A_402 = arith.constant 0 : i32
      %ne3A_403 = arith.cmpi ne, %rem3A_401, %ne3A_402 : i32
      %lt3A_404 = arith.constant 0 : i32
      %lt3A_405 = arith.cmpi slt, %rem3A_401, %lt3A_404 : i32
      %lt3A_406 = arith.constant 0 : i32
      %lt3A_407 = arith.cmpi slt, %select_n3A_400, %lt3A_406 : i32
      %ne3A_408 = arith.xori %lt3A_405, %lt3A_407 : i1
      %and3A_409 = arith.andi %ne3A_408, %ne3A_403 : i1
      %add3A_410 = arith.addi %rem3A_401, %select_n3A_400 : i32
      %select_n3A_411 = arith.select %and3A_409, %add3A_410, %rem3A_401 : i32
      %broadcast_in_dim3A_412 = vector.broadcast %select_n3A_411 : i32 to vector<16xi32>
      %eq3A_413 = arith.cmpi eq, %iota3A, %broadcast_in_dim3A_412 : vector<16xi32>
      %select_n3A_414 = arith.select %eq3A_413, %add3A_387, %scan3A_302 : vector<16xi1>, vector<16xi32>
      %mul3A_415 = arith.constant 2 : i32
      %mul3A_416 = arith.muli %mul3A_415, %scan3A_301 : i32
      %add3A_417 = arith.constant 1 : i32
      %add3A_418 = arith.addi %mul3A_416, %add3A_417 : i32
      %get3A_419 = arith.index_cast %add3A_418 : i32 to index
      %get3A_420 = tpu.vector_load %arg8[%get3A_419] {strides = array<i32>} : memref<384xi32, #tpu.memory_space<vmem>>, vector<16xi32>,
      %get3A_421 = vector.shape_cast %get3A_420 : vector<16xi32> to vector<16xi32>
      %slice3A_422 = vector.extract_strided_slice %get3A_421 {offsets = [0], sizes = [1], strides = [1]} : vector<16xi32> to vector<1xi32>
      %squeeze3A_423 = vector.extract %slice3A_422[0] : i32 from vector<1xi32>
      %jit3A_424 = arith.constant 16 : i32
      %div3A_425 = arith.divsi %squeeze3A_423, %jit3A_424 : i32
      %sign3A_426 = arith.constant 0 : i32
      %sign3A_427 = arith.cmpi sgt, %squeeze3A_423, %sign3A_426 : i32
      %sign3A_428 = arith.extui %sign3A_427 : i1 to i32
      %sign3A_429 = arith.constant 0 : i32
      %sign3A_430 = arith.cmpi slt, %squeeze3A_423, %sign3A_429 : i32
      %sign3A_431 = arith.extui %sign3A_430 : i1 to i32
      %sign3A_432 = arith.subi %sign3A_428, %sign3A_431 : i32
      %sign3A_433 = arith.constant 0 : i32
      %sign3A_434 = arith.cmpi sgt, %jit3A_424, %sign3A_433 : i32
      %sign3A_435 = arith.extui %sign3A_434 : i1 to i32
      %sign3A_436 = arith.constant 0 : i32
      %sign3A_437 = arith.cmpi slt, %jit3A_424, %sign3A_436 : i32
      %sign3A_438 = arith.extui %sign3A_437 : i1 to i32
      %sign3A_439 = arith.subi %sign3A_435, %sign3A_438 : i32
      %ne3A_440 = arith.cmpi ne, %sign3A_432, %sign3A_439 : i32
      %rem3A_441 = arith.remsi %squeeze3A_423, %jit3A_424 : i32
      %ne3A_442 = arith.constant 0 : i32
      %ne3A_443 = arith.cmpi ne, %rem3A_441, %ne3A_442 : i32
      %and3A_444 = arith.andi %ne3A_440, %ne3A_443 : i1
      %sub3A_445 = arith.constant 1 : i32
      %sub3A_446 = arith.subi %div3A_425, %sub3A_445 : i32
      %select_n3A_447 = arith.select %and3A_444, %sub3A_446, %div3A_425 : i32
      %mul3A_448 = arith.constant 16 : i32
      %mul3A_449 = arith.muli %select_n3A_447, %mul3A_448 : i32
      %sub3A_450 = arith.subi %squeeze3A_423, %mul3A_449 : i32
      %broadcast_in_dim3A_451 = vector.broadcast %sub3A_450 : i32 to vector<16xi32>
      %eq3A_452 = arith.cmpi eq, %iota3A, %broadcast_in_dim3A_451 : vector<16xi32>
      %get3A_453 = arith.index_cast %mul3A_449 : i32 to index
      %get3A_454 = tpu.vector_load %arg9[%get3A_453] {strides = array<i32>} : memref<1152xi32, #tpu.memory_space<vmem>>, vector<16xi32>,
      %get3A_455 = vector.shape_cast %get3A_454 : vector<16xi32> to vector<16xi32>
      %jit3A_456 = arith.constant 0 : i32
      %broadcast_in_dim3A_457 = vector.broadcast %jit3A_456 : i32 to vector<16xi32>
      %select_n3A_458 = arith.select %eq3A_452, %get3A_455, %broadcast_in_dim3A_457 : vector<16xi1>, vector<16xi32>
      %xor3A_459 = arith.constant 1 : i32
      %xor3A_460 = vector.broadcast %xor3A_459 : i32 to vector<16xi32>
      %xor3A_461 = arith.xori %iota3A, %xor3A_460 : vector<16xi32>
      %lt3A_462 = arith.constant 0 : i32
      %lt3A_463 = vector.broadcast %lt3A_462 : i32 to vector<16xi32>
      %lt3A_464 = arith.cmpi slt, %xor3A_461, %lt3A_463 : vector<16xi32>
      %add3A_465 = arith.constant 16 : i32
      %add3A_466 = vector.broadcast %add3A_465 : i32 to vector<16xi32>
      %add3A_467 = arith.addi %xor3A_461, %add3A_466 : vector<16xi32>
      %select_n3A_468 = arith.select %lt3A_464, %add3A_467, %xor3A_461 : vector<16xi1>, vector<16xi32>
      %broadcast_in_dim3A_469 = vector.shape_cast %select_n3A_468 : vector<16xi32> to vector<16x1xi32>
      %gather3A_470 = vector.shape_cast %broadcast_in_dim3A_469 : vector<16x1xi32> to vector<16xi32>
      %gather3A_471 = tpu.dynamic_gather %select_n3A_458[%gather3A_470] in [0] : vector<16xi32>, vector<16xi32> -> vector<16xi32>
      %add3A_472 = arith.addi %select_n3A_458, %gather3A_471 : vector<16xi32>
      %xor3A_473 = arith.constant 2 : i32
      %xor3A_474 = vector.broadcast %xor3A_473 : i32 to vector<16xi32>
      %xor3A_475 = arith.xori %iota3A, %xor3A_474 : vector<16xi32>
      %lt3A_476 = arith.constant 0 : i32
      %lt3A_477 = vector.broadcast %lt3A_476 : i32 to vector<16xi32>
      %lt3A_478 = arith.cmpi slt, %xor3A_475, %lt3A_477 : vector<16xi32>
      %add3A_479 = arith.constant 16 : i32
      %add3A_480 = vector.broadcast %add3A_479 : i32 to vector<16xi32>
      %add3A_481 = arith.addi %xor3A_475, %add3A_480 : vector<16xi32>
      %select_n3A_482 = arith.select %lt3A_478, %add3A_481, %xor3A_475 : vector<16xi1>, vector<16xi32>
      %broadcast_in_dim3A_483 = vector.shape_cast %select_n3A_482 : vector<16xi32> to vector<16x1xi32>
      %gather3A_484 = vector.shape_cast %broadcast_in_dim3A_483 : vector<16x1xi32> to vector<16xi32>
      %gather3A_485 = tpu.dynamic_gather %add3A_472[%gather3A_484] in [0] : vector<16xi32>, vector<16xi32> -> vector<16xi32>
      %add3A_486 = arith.addi %add3A_472, %gather3A_485 : vector<16xi32>
      %xor3A_487 = arith.constant 4 : i32
      %xor3A_488 = vector.broadcast %xor3A_487 : i32 to vector<16xi32>
      %xor3A_489 = arith.xori %iota3A, %xor3A_488 : vector<16xi32>
      %lt3A_490 = arith.constant 0 : i32
      %lt3A_491 = vector.broadcast %lt3A_490 : i32 to vector<16xi32>
      %lt3A_492 = arith.cmpi slt, %xor3A_489, %lt3A_491 : vector<16xi32>
      %add3A_493 = arith.constant 16 : i32
      %add3A_494 = vector.broadcast %add3A_493 : i32 to vector<16xi32>
      %add3A_495 = arith.addi %xor3A_489, %add3A_494 : vector<16xi32>
      %select_n3A_496 = arith.select %lt3A_492, %add3A_495, %xor3A_489 : vector<16xi1>, vector<16xi32>
      %broadcast_in_dim3A_497 = vector.shape_cast %select_n3A_496 : vector<16xi32> to vector<16x1xi32>
      %gather3A_498 = vector.shape_cast %broadcast_in_dim3A_497 : vector<16x1xi32> to vector<16xi32>
      %gather3A_499 = tpu.dynamic_gather %add3A_486[%gather3A_498] in [0] : vector<16xi32>, vector<16xi32> -> vector<16xi32>
      %add3A_500 = arith.addi %add3A_486, %gather3A_499 : vector<16xi32>
      %xor3A_501 = arith.constant 8 : i32
      %xor3A_502 = vector.broadcast %xor3A_501 : i32 to vector<16xi32>
      %xor3A_503 = arith.xori %iota3A, %xor3A_502 : vector<16xi32>
      %lt3A_504 = arith.constant 0 : i32
      %lt3A_505 = vector.broadcast %lt3A_504 : i32 to vector<16xi32>
      %lt3A_506 = arith.cmpi slt, %xor3A_503, %lt3A_505 : vector<16xi32>
      %add3A_507 = arith.constant 16 : i32
      %add3A_508 = vector.broadcast %add3A_507 : i32 to vector<16xi32>
      %add3A_509 = arith.addi %xor3A_503, %add3A_508 : vector<16xi32>
      %select_n3A_510 = arith.select %lt3A_506, %add3A_509, %xor3A_503 : vector<16xi1>, vector<16xi32>
      %broadcast_in_dim3A_511 = vector.shape_cast %select_n3A_510 : vector<16xi32> to vector<16x1xi32>
      %gather3A_512 = vector.shape_cast %broadcast_in_dim3A_511 : vector<16x1xi32> to vector<16xi32>
      %gather3A_513 = tpu.dynamic_gather %add3A_500[%gather3A_512] in [0] : vector<16xi32>, vector<16xi32> -> vector<16xi32>
      %add3A_514 = arith.addi %add3A_500, %gather3A_513 : vector<16xi32>
      %add3A_515 = arith.constant 1 : i32
      %add3A_516 = vector.broadcast %add3A_515 : i32 to vector<16xi32>
      %add3A_517 = arith.addi %get3A_455, %add3A_516 : vector<16xi32>
      %select_n3A_518 = arith.select %eq3A_452, %add3A_517, %get3A_455 : vector<16xi1>, vector<16xi32>
      %swap3A_519 = arith.index_cast %mul3A_449 : i32 to index
      %swap3A_520 = tpu.vector_load %arg9[%swap3A_519] {strides = array<i32>} : memref<1152xi32, #tpu.memory_space<vmem>>, vector<16xi32>,
      %swap3A_521 = vector.shape_cast %swap3A_520 : vector<16xi32> to vector<16xi32>
      %swap3A_522 = vector.shape_cast %select_n3A_518 : vector<16xi32> to vector<16xi32>
      tpu.vector_store %arg9[%swap3A_519], %swap3A_522 {strides = array<i32>} : memref<1152xi32, #tpu.memory_space<vmem>>, vector<16xi32>,
      %jit3A_523 = arith.constant 16 : i32
      %eq3A_524 = arith.constant 0 : i32
      %eq3A_525 = arith.cmpi eq, %jit3A_523, %eq3A_524 : i32
      %jit3A_526 = arith.constant 1 : i32
      %select_n3A_527 = arith.select %eq3A_525, %jit3A_526, %jit3A_523 : i32
      %rem3A_528 = arith.remsi %add3A_418, %select_n3A_527 : i32
      %ne3A_529 = arith.constant 0 : i32
      %ne3A_530 = arith.cmpi ne, %rem3A_528, %ne3A_529 : i32
      %lt3A_531 = arith.constant 0 : i32
      %lt3A_532 = arith.cmpi slt, %rem3A_528, %lt3A_531 : i32
      %lt3A_533 = arith.constant 0 : i32
      %lt3A_534 = arith.cmpi slt, %select_n3A_527, %lt3A_533 : i32
      %ne3A_535 = arith.xori %lt3A_532, %lt3A_534 : i1
      %and3A_536 = arith.andi %ne3A_535, %ne3A_530 : i1
      %add3A_537 = arith.addi %rem3A_528, %select_n3A_527 : i32
      %select_n3A_538 = arith.select %and3A_536, %add3A_537, %rem3A_528 : i32
      %broadcast_in_dim3A_539 = vector.broadcast %select_n3A_538 : i32 to vector<16xi32>
      %eq3A_540 = arith.cmpi eq, %iota3A, %broadcast_in_dim3A_539 : vector<16xi32>
      %select_n3A_541 = arith.select %eq3A_540, %add3A_514, %select_n3A_414 : vector<16xi1>, vector<16xi32>
      %jit3A_542 = arith.constant 8 : i32
      %eq3A_543 = arith.constant 0 : i32
      %eq3A_544 = arith.cmpi eq, %jit3A_542, %eq3A_543 : i32
      %jit3A_545 = arith.constant 1 : i32
      %select_n3A_546 = arith.select %eq3A_544, %jit3A_545, %jit3A_542 : i32
      %rem3A_547 = arith.remsi %scan3A_301, %select_n3A_546 : i32
      %ne3A_548 = arith.constant 0 : i32
      %ne3A_549 = arith.cmpi ne, %rem3A_547, %ne3A_548 : i32
      %lt3A_550 = arith.constant 0 : i32
      %lt3A_551 = arith.cmpi slt, %rem3A_547, %lt3A_550 : i32
      %lt3A_552 = arith.constant 0 : i32
      %lt3A_553 = arith.cmpi slt, %select_n3A_546, %lt3A_552 : i32
      %ne3A_554 = arith.xori %lt3A_551, %lt3A_553 : i1
      %and3A_555 = arith.andi %ne3A_554, %ne3A_549 : i1
      %add3A_556 = arith.addi %rem3A_547, %select_n3A_546 : i32
      %select_n3A_557 = arith.select %and3A_555, %add3A_556, %rem3A_547 : i32
      %eq3A_558 = arith.constant 7 : i32
      %eq3A_559 = arith.cmpi eq, %select_n3A_557, %eq3A_558 : i32
      %convert_element_type3A_560 = arith.extui %eq3A_559 : i1 to i32
      %cond3A_561 = arith.constant 0 : i32
      %cond3A_562 = arith.cmpi ne, %convert_element_type3A_560, %cond3A_561 : i32
      scf.if %cond3A_562 {
        %jit3A_563 = arith.constant 8 : i32
        %div3A_564 = arith.divsi %scan3A_301, %jit3A_563 : i32
        %sign3A_565 = arith.constant 0 : i32
        %sign3A_566 = arith.cmpi sgt, %scan3A_301, %sign3A_565 : i32
        %sign3A_567 = arith.extui %sign3A_566 : i1 to i32
        %sign3A_568 = arith.constant 0 : i32
        %sign3A_569 = arith.cmpi slt, %scan3A_301, %sign3A_568 : i32
        %sign3A_570 = arith.extui %sign3A_569 : i1 to i32
        %sign3A_571 = arith.subi %sign3A_567, %sign3A_570 : i32
        %sign3A_572 = arith.constant 0 : i32
        %sign3A_573 = arith.cmpi sgt, %jit3A_563, %sign3A_572 : i32
        %sign3A_574 = arith.extui %sign3A_573 : i1 to i32
        %sign3A_575 = arith.constant 0 : i32
        %sign3A_576 = arith.cmpi slt, %jit3A_563, %sign3A_575 : i32
        %sign3A_577 = arith.extui %sign3A_576 : i1 to i32
        %sign3A_578 = arith.subi %sign3A_574, %sign3A_577 : i32
        %ne3A_579 = arith.cmpi ne, %sign3A_571, %sign3A_578 : i32
        %rem3A_580 = arith.remsi %scan3A_301, %jit3A_563 : i32
        %ne3A_581 = arith.constant 0 : i32
        %ne3A_582 = arith.cmpi ne, %rem3A_580, %ne3A_581 : i32
        %and3A_583 = arith.andi %ne3A_579, %ne3A_582 : i1
        %sub3A_584 = arith.constant 1 : i32
        %sub3A_585 = arith.subi %div3A_564, %sub3A_584 : i32
        %select_n3A_586 = arith.select %and3A_583, %sub3A_585, %div3A_564 : i32
        %mul3A_587 = arith.constant 16 : i32
        %mul3A_588 = arith.muli %select_n3A_586, %mul3A_587 : i32
        %swap3A_589 = arith.index_cast %mul3A_588 : i32 to index
        %swap3A_590 = tpu.vector_load %arg10[%swap3A_589] {strides = array<i32>} : memref<384xi32, #tpu.memory_space<vmem>>, vector<16xi32>,
        %swap3A_591 = vector.shape_cast %swap3A_590 : vector<16xi32> to vector<16xi32>
        %swap3A_592 = vector.shape_cast %select_n3A_541 : vector<16xi32> to vector<16xi32>
        tpu.vector_store %arg10[%swap3A_589], %swap3A_592 {strides = array<i32>} : memref<384xi32, #tpu.memory_space<vmem>>, vector<16xi32>,
      } else {
      }
      scf.yield %select_n3A_541 : vector<16xi32>
    }
    %scan3A_12 = arith.constant 128 : i32
    "tpu.region"() ({
      %run_scoped3A_301 = tpu.sem_alloc : memref<!tpu.dma_semaphore, #tpu.memory_space<semaphore_mem>>
      %dma_start3A = arith.constant 0 : i32
      %dma_start3A_302 = tpu.memref_slice %arg9[%dma_start3A] : memref<1152xi32, #tpu.memory_space<vmem>> -> memref<1024xi32, #tpu.memory_space<vmem>>
      %dma_start3A_303 = arith.constant 0 : i32
      %dma_start3A_304 = tpu.memref_slice %arg6[%arg1, %dma_start3A_303] : memref<16x1024xi32, #tpu.memory_space<vmem_shared>> -> memref<1x1024xi32, #tpu.memory_space<vmem_shared>>
      %dma_start3A_305 = tpu.memref_squeeze %dma_start3A_304 : memref<1x1024xi32, #tpu.memory_space<vmem_shared>> -> memref<1024xi32, #tpu.memory_space<vmem_shared>>
      %dma_start3A_306 = arith.constant 0 : i32
      %dma_start3A_307 = tpu.memref_slice %arg6[%arg1, %dma_start3A_306] : memref<16x1024xi32, #tpu.memory_space<vmem_shared>> -> memref<1x1024xi32, #tpu.memory_space<vmem_shared>>
      %dma_start3A_308 = tpu.memref_squeeze %dma_start3A_307 : memref<1x1024xi32, #tpu.memory_space<vmem_shared>> -> memref<1024xi32, #tpu.memory_space<vmem_shared>>
      %dma_start3A_309 = arith.constant 0 : i32
      %dma_start3A_310 = tpu.memref_slice %arg9[%dma_start3A_309] : memref<1152xi32, #tpu.memory_space<vmem>> -> memref<1024xi32, #tpu.memory_space<vmem>>
      tpu.enqueue_dma source(%dma_start3A_310 : memref<1024xi32, #tpu.memory_space<vmem>>) target(%dma_start3A_308 : memref<1024xi32, #tpu.memory_space<vmem_shared>>) target_semaphore(%run_scoped3A_301 : memref<!tpu.dma_semaphore, #tpu.memory_space<semaphore_mem>>)
      %dma_wait3A = arith.constant 0 : i32
      %dma_wait3A_311 = tpu.memref_slice %arg9[%dma_wait3A] : memref<1152xi32, #tpu.memory_space<vmem>> -> memref<1024xi32, #tpu.memory_space<vmem>>
      %dma_wait3A_312 = arith.constant 0 : i32
      %dma_wait3A_313 = tpu.memref_slice %arg6[%arg1, %dma_wait3A_312] : memref<16x1024xi32, #tpu.memory_space<vmem_shared>> -> memref<1x1024xi32, #tpu.memory_space<vmem_shared>>
      %dma_wait3A_314 = tpu.memref_squeeze %dma_wait3A_313 : memref<1x1024xi32, #tpu.memory_space<vmem_shared>> -> memref<1024xi32, #tpu.memory_space<vmem_shared>>
      %dma_wait3A_315 = arith.constant 0 : i32
      %dma_wait3A_316 = tpu.memref_slice %arg6[%arg1, %dma_wait3A_315] : memref<16x1024xi32, #tpu.memory_space<vmem_shared>> -> memref<1x1024xi32, #tpu.memory_space<vmem_shared>>
      %dma_wait3A_317 = tpu.memref_squeeze %dma_wait3A_316 : memref<1x1024xi32, #tpu.memory_space<vmem_shared>> -> memref<1024xi32, #tpu.memory_space<vmem_shared>>
      %dma_wait3A_318 = arith.constant 0 : i32
      %dma_wait3A_319 = tpu.memref_slice %arg9[%dma_wait3A_318] : memref<1152xi32, #tpu.memory_space<vmem>> -> memref<1024xi32, #tpu.memory_space<vmem>>
      tpu.wait_dma2 semaphore(%run_scoped3A_301 : memref<!tpu.dma_semaphore, #tpu.memory_space<semaphore_mem>>) src(%dma_wait3A_319 : memref<1024xi32, #tpu.memory_space<vmem>>) dst(%dma_wait3A_317 : memref<1024xi32, #tpu.memory_space<vmem_shared>>)
      tpu.yield
    }) : () -> ()
    %eq3A = arith.constant 0 : i32
    %eq3A_13 = arith.cmpi eq, %arg1, %eq3A : i32
    %convert_element_type3A = arith.extui %eq3A_13 : i1 to i32
    %cond3A = arith.constant 0 : i32
    %cond3A_14 = arith.cmpi ne, %convert_element_type3A, %cond3A : i32
    scf.if %cond3A_14 {
      %swap3A_301 = arith.constant 0 : index
      %swap3A_302 = tpu.vector_load %arg20[%swap3A_301] {strides = array<i32>} : memref<128xi32, #tpu.memory_space<vmem>>, vector<16xi32>,
      %swap3A_303 = vector.shape_cast %swap3A_302 : vector<16xi32> to vector<16xi32>
      %swap3A_304 = vector.shape_cast %broadcast_in_dim3A_0 : vector<16xi32> to vector<16xi32>
      tpu.vector_store %arg20[%swap3A_301], %swap3A_304 {strides = array<i32>} : memref<128xi32, #tpu.memory_space<vmem>>, vector<16xi32>,
      %swap3A_305 = arith.constant 16 : index
      %swap3A_306 = tpu.vector_load %arg20[%swap3A_305] {strides = array<i32>} : memref<128xi32, #tpu.memory_space<vmem>>, vector<16xi32>,
      %swap3A_307 = vector.shape_cast %swap3A_306 : vector<16xi32> to vector<16xi32>
      %swap3A_308 = vector.shape_cast %broadcast_in_dim3A_0 : vector<16xi32> to vector<16xi32>
      tpu.vector_store %arg20[%swap3A_305], %swap3A_308 {strides = array<i32>} : memref<128xi32, #tpu.memory_space<vmem>>, vector<16xi32>,
      %swap3A_309 = arith.constant 32 : index
      %swap3A_310 = tpu.vector_load %arg20[%swap3A_309] {strides = array<i32>} : memref<128xi32, #tpu.memory_space<vmem>>, vector<16xi32>,
      %swap3A_311 = vector.shape_cast %swap3A_310 : vector<16xi32> to vector<16xi32>
      %swap3A_312 = vector.shape_cast %broadcast_in_dim3A_0 : vector<16xi32> to vector<16xi32>
      tpu.vector_store %arg20[%swap3A_309], %swap3A_312 {strides = array<i32>} : memref<128xi32, #tpu.memory_space<vmem>>, vector<16xi32>,
      %swap3A_313 = arith.constant 48 : index
      %swap3A_314 = tpu.vector_load %arg20[%swap3A_313] {strides = array<i32>} : memref<128xi32, #tpu.memory_space<vmem>>, vector<16xi32>,
      %swap3A_315 = vector.shape_cast %swap3A_314 : vector<16xi32> to vector<16xi32>
      %swap3A_316 = vector.shape_cast %broadcast_in_dim3A_0 : vector<16xi32> to vector<16xi32>
      tpu.vector_store %arg20[%swap3A_313], %swap3A_316 {strides = array<i32>} : memref<128xi32, #tpu.memory_space<vmem>>, vector<16xi32>,
      %swap3A_317 = arith.constant 64 : index
      %swap3A_318 = tpu.vector_load %arg20[%swap3A_317] {strides = array<i32>} : memref<128xi32, #tpu.memory_space<vmem>>, vector<16xi32>,
      %swap3A_319 = vector.shape_cast %swap3A_318 : vector<16xi32> to vector<16xi32>
      %swap3A_320 = vector.shape_cast %broadcast_in_dim3A_0 : vector<16xi32> to vector<16xi32>
      tpu.vector_store %arg20[%swap3A_317], %swap3A_320 {strides = array<i32>} : memref<128xi32, #tpu.memory_space<vmem>>, vector<16xi32>,
      %swap3A_321 = arith.constant 80 : index
      %swap3A_322 = tpu.vector_load %arg20[%swap3A_321] {strides = array<i32>} : memref<128xi32, #tpu.memory_space<vmem>>, vector<16xi32>,
      %swap3A_323 = vector.shape_cast %swap3A_322 : vector<16xi32> to vector<16xi32>
      %swap3A_324 = vector.shape_cast %broadcast_in_dim3A_0 : vector<16xi32> to vector<16xi32>
      tpu.vector_store %arg20[%swap3A_321], %swap3A_324 {strides = array<i32>} : memref<128xi32, #tpu.memory_space<vmem>>, vector<16xi32>,
      %swap3A_325 = arith.constant 96 : index
      %swap3A_326 = tpu.vector_load %arg20[%swap3A_325] {strides = array<i32>} : memref<128xi32, #tpu.memory_space<vmem>>, vector<16xi32>,
      %swap3A_327 = vector.shape_cast %swap3A_326 : vector<16xi32> to vector<16xi32>
      %swap3A_328 = vector.shape_cast %broadcast_in_dim3A_0 : vector<16xi32> to vector<16xi32>
      tpu.vector_store %arg20[%swap3A_325], %swap3A_328 {strides = array<i32>} : memref<128xi32, #tpu.memory_space<vmem>>, vector<16xi32>,
      %swap3A_329 = arith.constant 112 : index
      %swap3A_330 = tpu.vector_load %arg20[%swap3A_329] {strides = array<i32>} : memref<128xi32, #tpu.memory_space<vmem>>, vector<16xi32>,
      %swap3A_331 = vector.shape_cast %swap3A_330 : vector<16xi32> to vector<16xi32>
      %swap3A_332 = vector.shape_cast %broadcast_in_dim3A_0 : vector<16xi32> to vector<16xi32>
      tpu.vector_store %arg20[%swap3A_329], %swap3A_332 {strides = array<i32>} : memref<128xi32, #tpu.memory_space<vmem>>, vector<16xi32>,
      "tpu.region"() ({
        %run_scoped3A_333 = tpu.sem_alloc : memref<!tpu.dma_semaphore, #tpu.memory_space<semaphore_mem>>
        %dma_start3A = arith.constant 4096 : i32
        %dma_start3A_334 = tpu.memref_slice %arg7[%dma_start3A] : memref<4224xi32, #tpu.memory_space<vmem_shared>> -> memref<128xi32, #tpu.memory_space<vmem_shared>>
        %dma_start3A_335 = arith.constant 4096 : i32
        %dma_start3A_336 = tpu.memref_slice %arg7[%dma_start3A_335] : memref<4224xi32, #tpu.memory_space<vmem_shared>> -> memref<128xi32, #tpu.memory_space<vmem_shared>>
        tpu.enqueue_dma source(%arg20 : memref<128xi32, #tpu.memory_space<vmem>>) target(%dma_start3A_336 : memref<128xi32, #tpu.memory_space<vmem_shared>>) target_semaphore(%run_scoped3A_333 : memref<!tpu.dma_semaphore, #tpu.memory_space<semaphore_mem>>)
        %dma_wait3A = arith.constant 4096 : i32
        %dma_wait3A_337 = tpu.memref_slice %arg7[%dma_wait3A] : memref<4224xi32, #tpu.memory_space<vmem_shared>> -> memref<128xi32, #tpu.memory_space<vmem_shared>>
        %dma_wait3A_338 = arith.constant 4096 : i32
        %dma_wait3A_339 = tpu.memref_slice %arg7[%dma_wait3A_338] : memref<4224xi32, #tpu.memory_space<vmem_shared>> -> memref<128xi32, #tpu.memory_space<vmem_shared>>
        tpu.wait_dma2 semaphore(%run_scoped3A_333 : memref<!tpu.dma_semaphore, #tpu.memory_space<semaphore_mem>>) src(%arg20 : memref<128xi32, #tpu.memory_space<vmem>>) dst(%dma_wait3A_339 : memref<128xi32, #tpu.memory_space<vmem_shared>>)
        tpu.yield
      }) : () -> ()
    } else {
    }
    %barrier3A = arith.constant 0 : index
    tpu.barrier barrier_id(%barrier3A)
    "tpu.region"() ({
      %run_scoped3A_301 = tpu.sem_alloc : memref<!tpu.dma_semaphore, #tpu.memory_space<semaphore_mem>>
      tpu.enqueue_dma source(%arg6 : memref<16x1024xi32, #tpu.memory_space<vmem_shared>>) target(%arg11 : memref<16x1024xi32, #tpu.memory_space<vmem>>) target_semaphore(%run_scoped3A_301 : memref<!tpu.dma_semaphore, #tpu.memory_space<semaphore_mem>>)
      tpu.wait_dma2 semaphore(%run_scoped3A_301 : memref<!tpu.dma_semaphore, #tpu.memory_space<semaphore_mem>>) src(%arg6 : memref<16x1024xi32, #tpu.memory_space<vmem_shared>>) dst(%arg11 : memref<16x1024xi32, #tpu.memory_space<vmem>>)
      tpu.yield
    }) : () -> ()
    %scan3A_15 = arith.constant 0 : i32
    %scan3A_16 = arith.constant 0 : i32
    %scan3A_17 = arith.constant 64 : i32
    %scan3A_18 = arith.addi %scan3A_16, %scan3A_17 : i32
    %scan3A_19 = arith.constant 1 : i32
    %scan3A_20 = scf.for %scan3A_301 = %scan3A_16 to %scan3A_18 step %scan3A_19 iter_args(%scan3A_302 = %scan3A_15) -> (i32)  : i32 {
      %mul3A_303 = arith.constant 16 : i32
      %mul3A_304 = arith.muli %scan3A_301, %mul3A_303 : i32
      %get3A = arith.constant 0 : i32
      %get3A_305 = arith.index_cast %get3A : i32 to index
      %get3A_306 = arith.index_cast %mul3A_304 : i32 to index
      %get3A_307 = tpu.vector_load %arg11[%get3A_305, %get3A_306] {strides = array<i32>} : memref<16x1024xi32, #tpu.memory_space<vmem>>, vector<1x16xi32>,
      %get3A_308 = vector.shape_cast %get3A_307 : vector<1x16xi32> to vector<16xi32>
      %add3A_309 = arith.addi %broadcast_in_dim3A_0, %get3A_308 : vector<16xi32>
      %gt3A = arith.constant 0 : i32
      %gt3A_310 = arith.cmpi sgt, %arg1, %gt3A : i32
      %jit3A = arith.constant 1 : i32
      %jit3A_311 = arith.constant 0 : i32
      %select_n3A = arith.select %gt3A_310, %jit3A, %jit3A_311 : i32
      %broadcast_in_dim3A_312 = vector.broadcast %select_n3A : i32 to vector<16xi32>
      %mul3A_313 = arith.muli %get3A_308, %broadcast_in_dim3A_312 : vector<16xi32>
      %add3A_314 = arith.addi %broadcast_in_dim3A_0, %mul3A_313 : vector<16xi32>
      %mul3A_315 = arith.constant 16 : i32
      %mul3A_316 = arith.muli %scan3A_301, %mul3A_315 : i32
      %get3A_317 = arith.constant 1 : i32
      %get3A_318 = arith.index_cast %get3A_317 : i32 to index
      %get3A_319 = arith.index_cast %mul3A_316 : i32 to index
      %get3A_320 = tpu.vector_load %arg11[%get3A_318, %get3A_319] {strides = array<i32>} : memref<16x1024xi32, #tpu.memory_space<vmem>>, vector<1x16xi32>,
      %get3A_321 = vector.shape_cast %get3A_320 : vector<1x16xi32> to vector<16xi32>
      %add3A_322 = arith.addi %add3A_309, %get3A_321 : vector<16xi32>
      %gt3A_323 = arith.constant 1 : i32
      %gt3A_324 = arith.cmpi sgt, %arg1, %gt3A_323 : i32
      %jit3A_325 = arith.constant 1 : i32
      %jit3A_326 = arith.constant 0 : i32
      %select_n3A_327 = arith.select %gt3A_324, %jit3A_325, %jit3A_326 : i32
      %broadcast_in_dim3A_328 = vector.broadcast %select_n3A_327 : i32 to vector<16xi32>
      %mul3A_329 = arith.muli %get3A_321, %broadcast_in_dim3A_328 : vector<16xi32>
      %add3A_330 = arith.addi %add3A_314, %mul3A_329 : vector<16xi32>
      %mul3A_331 = arith.constant 16 : i32
      %mul3A_332 = arith.muli %scan3A_301, %mul3A_331 : i32
      %get3A_333 = arith.constant 2 : i32
      %get3A_334 = arith.index_cast %get3A_333 : i32 to index
      %get3A_335 = arith.index_cast %mul3A_332 : i32 to index
      %get3A_336 = tpu.vector_load %arg11[%get3A_334, %get3A_335] {strides = array<i32>} : memref<16x1024xi32, #tpu.memory_space<vmem>>, vector<1x16xi32>,
      %get3A_337 = vector.shape_cast %get3A_336 : vector<1x16xi32> to vector<16xi32>
      %add3A_338 = arith.addi %add3A_322, %get3A_337 : vector<16xi32>
      %gt3A_339 = arith.constant 2 : i32
      %gt3A_340 = arith.cmpi sgt, %arg1, %gt3A_339 : i32
      %jit3A_341 = arith.constant 1 : i32
      %jit3A_342 = arith.constant 0 : i32
      %select_n3A_343 = arith.select %gt3A_340, %jit3A_341, %jit3A_342 : i32
      %broadcast_in_dim3A_344 = vector.broadcast %select_n3A_343 : i32 to vector<16xi32>
      %mul3A_345 = arith.muli %get3A_337, %broadcast_in_dim3A_344 : vector<16xi32>
      %add3A_346 = arith.addi %add3A_330, %mul3A_345 : vector<16xi32>
      %mul3A_347 = arith.constant 16 : i32
      %mul3A_348 = arith.muli %scan3A_301, %mul3A_347 : i32
      %get3A_349 = arith.constant 3 : i32
      %get3A_350 = arith.index_cast %get3A_349 : i32 to index
      %get3A_351 = arith.index_cast %mul3A_348 : i32 to index
      %get3A_352 = tpu.vector_load %arg11[%get3A_350, %get3A_351] {strides = array<i32>} : memref<16x1024xi32, #tpu.memory_space<vmem>>, vector<1x16xi32>,
      %get3A_353 = vector.shape_cast %get3A_352 : vector<1x16xi32> to vector<16xi32>
      %add3A_354 = arith.addi %add3A_338, %get3A_353 : vector<16xi32>
      %gt3A_355 = arith.constant 3 : i32
      %gt3A_356 = arith.cmpi sgt, %arg1, %gt3A_355 : i32
      %jit3A_357 = arith.constant 1 : i32
      %jit3A_358 = arith.constant 0 : i32
      %select_n3A_359 = arith.select %gt3A_356, %jit3A_357, %jit3A_358 : i32
      %broadcast_in_dim3A_360 = vector.broadcast %select_n3A_359 : i32 to vector<16xi32>
      %mul3A_361 = arith.muli %get3A_353, %broadcast_in_dim3A_360 : vector<16xi32>
      %add3A_362 = arith.addi %add3A_346, %mul3A_361 : vector<16xi32>
      %mul3A_363 = arith.constant 16 : i32
      %mul3A_364 = arith.muli %scan3A_301, %mul3A_363 : i32
      %get3A_365 = arith.constant 4 : i32
      %get3A_366 = arith.index_cast %get3A_365 : i32 to index
      %get3A_367 = arith.index_cast %mul3A_364 : i32 to index
      %get3A_368 = tpu.vector_load %arg11[%get3A_366, %get3A_367] {strides = array<i32>} : memref<16x1024xi32, #tpu.memory_space<vmem>>, vector<1x16xi32>,
      %get3A_369 = vector.shape_cast %get3A_368 : vector<1x16xi32> to vector<16xi32>
      %add3A_370 = arith.addi %add3A_354, %get3A_369 : vector<16xi32>
      %gt3A_371 = arith.constant 4 : i32
      %gt3A_372 = arith.cmpi sgt, %arg1, %gt3A_371 : i32
      %jit3A_373 = arith.constant 1 : i32
      %jit3A_374 = arith.constant 0 : i32
      %select_n3A_375 = arith.select %gt3A_372, %jit3A_373, %jit3A_374 : i32
      %broadcast_in_dim3A_376 = vector.broadcast %select_n3A_375 : i32 to vector<16xi32>
      %mul3A_377 = arith.muli %get3A_369, %broadcast_in_dim3A_376 : vector<16xi32>
      %add3A_378 = arith.addi %add3A_362, %mul3A_377 : vector<16xi32>
      %mul3A_379 = arith.constant 16 : i32
      %mul3A_380 = arith.muli %scan3A_301, %mul3A_379 : i32
      %get3A_381 = arith.constant 5 : i32
      %get3A_382 = arith.index_cast %get3A_381 : i32 to index
      %get3A_383 = arith.index_cast %mul3A_380 : i32 to index
      %get3A_384 = tpu.vector_load %arg11[%get3A_382, %get3A_383] {strides = array<i32>} : memref<16x1024xi32, #tpu.memory_space<vmem>>, vector<1x16xi32>,
      %get3A_385 = vector.shape_cast %get3A_384 : vector<1x16xi32> to vector<16xi32>
      %add3A_386 = arith.addi %add3A_370, %get3A_385 : vector<16xi32>
      %gt3A_387 = arith.constant 5 : i32
      %gt3A_388 = arith.cmpi sgt, %arg1, %gt3A_387 : i32
      %jit3A_389 = arith.constant 1 : i32
      %jit3A_390 = arith.constant 0 : i32
      %select_n3A_391 = arith.select %gt3A_388, %jit3A_389, %jit3A_390 : i32
      %broadcast_in_dim3A_392 = vector.broadcast %select_n3A_391 : i32 to vector<16xi32>
      %mul3A_393 = arith.muli %get3A_385, %broadcast_in_dim3A_392 : vector<16xi32>
      %add3A_394 = arith.addi %add3A_378, %mul3A_393 : vector<16xi32>
      %mul3A_395 = arith.constant 16 : i32
      %mul3A_396 = arith.muli %scan3A_301, %mul3A_395 : i32
      %get3A_397 = arith.constant 6 : i32
      %get3A_398 = arith.index_cast %get3A_397 : i32 to index
      %get3A_399 = arith.index_cast %mul3A_396 : i32 to index
      %get3A_400 = tpu.vector_load %arg11[%get3A_398, %get3A_399] {strides = array<i32>} : memref<16x1024xi32, #tpu.memory_space<vmem>>, vector<1x16xi32>,
      %get3A_401 = vector.shape_cast %get3A_400 : vector<1x16xi32> to vector<16xi32>
      %add3A_402 = arith.addi %add3A_386, %get3A_401 : vector<16xi32>
      %gt3A_403 = arith.constant 6 : i32
      %gt3A_404 = arith.cmpi sgt, %arg1, %gt3A_403 : i32
      %jit3A_405 = arith.constant 1 : i32
      %jit3A_406 = arith.constant 0 : i32
      %select_n3A_407 = arith.select %gt3A_404, %jit3A_405, %jit3A_406 : i32
      %broadcast_in_dim3A_408 = vector.broadcast %select_n3A_407 : i32 to vector<16xi32>
      %mul3A_409 = arith.muli %get3A_401, %broadcast_in_dim3A_408 : vector<16xi32>
      %add3A_410 = arith.addi %add3A_394, %mul3A_409 : vector<16xi32>
      %mul3A_411 = arith.constant 16 : i32
      %mul3A_412 = arith.muli %scan3A_301, %mul3A_411 : i32
      %get3A_413 = arith.constant 7 : i32
      %get3A_414 = arith.index_cast %get3A_413 : i32 to index
      %get3A_415 = arith.index_cast %mul3A_412 : i32 to index
      %get3A_416 = tpu.vector_load %arg11[%get3A_414, %get3A_415] {strides = array<i32>} : memref<16x1024xi32, #tpu.memory_space<vmem>>, vector<1x16xi32>,
      %get3A_417 = vector.shape_cast %get3A_416 : vector<1x16xi32> to vector<16xi32>
      %add3A_418 = arith.addi %add3A_402, %get3A_417 : vector<16xi32>
      %gt3A_419 = arith.constant 7 : i32
      %gt3A_420 = arith.cmpi sgt, %arg1, %gt3A_419 : i32
      %jit3A_421 = arith.constant 1 : i32
      %jit3A_422 = arith.constant 0 : i32
      %select_n3A_423 = arith.select %gt3A_420, %jit3A_421, %jit3A_422 : i32
      %broadcast_in_dim3A_424 = vector.broadcast %select_n3A_423 : i32 to vector<16xi32>
      %mul3A_425 = arith.muli %get3A_417, %broadcast_in_dim3A_424 : vector<16xi32>
      %add3A_426 = arith.addi %add3A_410, %mul3A_425 : vector<16xi32>
      %mul3A_427 = arith.constant 16 : i32
      %mul3A_428 = arith.muli %scan3A_301, %mul3A_427 : i32
      %get3A_429 = arith.constant 8 : i32
      %get3A_430 = arith.index_cast %get3A_429 : i32 to index
      %get3A_431 = arith.index_cast %mul3A_428 : i32 to index
      %get3A_432 = tpu.vector_load %arg11[%get3A_430, %get3A_431] {strides = array<i32>} : memref<16x1024xi32, #tpu.memory_space<vmem>>, vector<1x16xi32>,
      %get3A_433 = vector.shape_cast %get3A_432 : vector<1x16xi32> to vector<16xi32>
      %add3A_434 = arith.addi %add3A_418, %get3A_433 : vector<16xi32>
      %gt3A_435 = arith.constant 8 : i32
      %gt3A_436 = arith.cmpi sgt, %arg1, %gt3A_435 : i32
      %jit3A_437 = arith.constant 1 : i32
      %jit3A_438 = arith.constant 0 : i32
      %select_n3A_439 = arith.select %gt3A_436, %jit3A_437, %jit3A_438 : i32
      %broadcast_in_dim3A_440 = vector.broadcast %select_n3A_439 : i32 to vector<16xi32>
      %mul3A_441 = arith.muli %get3A_433, %broadcast_in_dim3A_440 : vector<16xi32>
      %add3A_442 = arith.addi %add3A_426, %mul3A_441 : vector<16xi32>
      %mul3A_443 = arith.constant 16 : i32
      %mul3A_444 = arith.muli %scan3A_301, %mul3A_443 : i32
      %get3A_445 = arith.constant 9 : i32
      %get3A_446 = arith.index_cast %get3A_445 : i32 to index
      %get3A_447 = arith.index_cast %mul3A_444 : i32 to index
      %get3A_448 = tpu.vector_load %arg11[%get3A_446, %get3A_447] {strides = array<i32>} : memref<16x1024xi32, #tpu.memory_space<vmem>>, vector<1x16xi32>,
      %get3A_449 = vector.shape_cast %get3A_448 : vector<1x16xi32> to vector<16xi32>
      %add3A_450 = arith.addi %add3A_434, %get3A_449 : vector<16xi32>
      %gt3A_451 = arith.constant 9 : i32
      %gt3A_452 = arith.cmpi sgt, %arg1, %gt3A_451 : i32
      %jit3A_453 = arith.constant 1 : i32
      %jit3A_454 = arith.constant 0 : i32
      %select_n3A_455 = arith.select %gt3A_452, %jit3A_453, %jit3A_454 : i32
      %broadcast_in_dim3A_456 = vector.broadcast %select_n3A_455 : i32 to vector<16xi32>
      %mul3A_457 = arith.muli %get3A_449, %broadcast_in_dim3A_456 : vector<16xi32>
      %add3A_458 = arith.addi %add3A_442, %mul3A_457 : vector<16xi32>
      %mul3A_459 = arith.constant 16 : i32
      %mul3A_460 = arith.muli %scan3A_301, %mul3A_459 : i32
      %get3A_461 = arith.constant 10 : i32
      %get3A_462 = arith.index_cast %get3A_461 : i32 to index
      %get3A_463 = arith.index_cast %mul3A_460 : i32 to index
      %get3A_464 = tpu.vector_load %arg11[%get3A_462, %get3A_463] {strides = array<i32>} : memref<16x1024xi32, #tpu.memory_space<vmem>>, vector<1x16xi32>,
      %get3A_465 = vector.shape_cast %get3A_464 : vector<1x16xi32> to vector<16xi32>
      %add3A_466 = arith.addi %add3A_450, %get3A_465 : vector<16xi32>
      %gt3A_467 = arith.constant 10 : i32
      %gt3A_468 = arith.cmpi sgt, %arg1, %gt3A_467 : i32
      %jit3A_469 = arith.constant 1 : i32
      %jit3A_470 = arith.constant 0 : i32
      %select_n3A_471 = arith.select %gt3A_468, %jit3A_469, %jit3A_470 : i32
      %broadcast_in_dim3A_472 = vector.broadcast %select_n3A_471 : i32 to vector<16xi32>
      %mul3A_473 = arith.muli %get3A_465, %broadcast_in_dim3A_472 : vector<16xi32>
      %add3A_474 = arith.addi %add3A_458, %mul3A_473 : vector<16xi32>
      %mul3A_475 = arith.constant 16 : i32
      %mul3A_476 = arith.muli %scan3A_301, %mul3A_475 : i32
      %get3A_477 = arith.constant 11 : i32
      %get3A_478 = arith.index_cast %get3A_477 : i32 to index
      %get3A_479 = arith.index_cast %mul3A_476 : i32 to index
      %get3A_480 = tpu.vector_load %arg11[%get3A_478, %get3A_479] {strides = array<i32>} : memref<16x1024xi32, #tpu.memory_space<vmem>>, vector<1x16xi32>,
      %get3A_481 = vector.shape_cast %get3A_480 : vector<1x16xi32> to vector<16xi32>
      %add3A_482 = arith.addi %add3A_466, %get3A_481 : vector<16xi32>
      %gt3A_483 = arith.constant 11 : i32
      %gt3A_484 = arith.cmpi sgt, %arg1, %gt3A_483 : i32
      %jit3A_485 = arith.constant 1 : i32
      %jit3A_486 = arith.constant 0 : i32
      %select_n3A_487 = arith.select %gt3A_484, %jit3A_485, %jit3A_486 : i32
      %broadcast_in_dim3A_488 = vector.broadcast %select_n3A_487 : i32 to vector<16xi32>
      %mul3A_489 = arith.muli %get3A_481, %broadcast_in_dim3A_488 : vector<16xi32>
      %add3A_490 = arith.addi %add3A_474, %mul3A_489 : vector<16xi32>
      %mul3A_491 = arith.constant 16 : i32
      %mul3A_492 = arith.muli %scan3A_301, %mul3A_491 : i32
      %get3A_493 = arith.constant 12 : i32
      %get3A_494 = arith.index_cast %get3A_493 : i32 to index
      %get3A_495 = arith.index_cast %mul3A_492 : i32 to index
      %get3A_496 = tpu.vector_load %arg11[%get3A_494, %get3A_495] {strides = array<i32>} : memref<16x1024xi32, #tpu.memory_space<vmem>>, vector<1x16xi32>,
      %get3A_497 = vector.shape_cast %get3A_496 : vector<1x16xi32> to vector<16xi32>
      %add3A_498 = arith.addi %add3A_482, %get3A_497 : vector<16xi32>
      %gt3A_499 = arith.constant 12 : i32
      %gt3A_500 = arith.cmpi sgt, %arg1, %gt3A_499 : i32
      %jit3A_501 = arith.constant 1 : i32
      %jit3A_502 = arith.constant 0 : i32
      %select_n3A_503 = arith.select %gt3A_500, %jit3A_501, %jit3A_502 : i32
      %broadcast_in_dim3A_504 = vector.broadcast %select_n3A_503 : i32 to vector<16xi32>
      %mul3A_505 = arith.muli %get3A_497, %broadcast_in_dim3A_504 : vector<16xi32>
      %add3A_506 = arith.addi %add3A_490, %mul3A_505 : vector<16xi32>
      %mul3A_507 = arith.constant 16 : i32
      %mul3A_508 = arith.muli %scan3A_301, %mul3A_507 : i32
      %get3A_509 = arith.constant 13 : i32
      %get3A_510 = arith.index_cast %get3A_509 : i32 to index
      %get3A_511 = arith.index_cast %mul3A_508 : i32 to index
      %get3A_512 = tpu.vector_load %arg11[%get3A_510, %get3A_511] {strides = array<i32>} : memref<16x1024xi32, #tpu.memory_space<vmem>>, vector<1x16xi32>,
      %get3A_513 = vector.shape_cast %get3A_512 : vector<1x16xi32> to vector<16xi32>
      %add3A_514 = arith.addi %add3A_498, %get3A_513 : vector<16xi32>
      %gt3A_515 = arith.constant 13 : i32
      %gt3A_516 = arith.cmpi sgt, %arg1, %gt3A_515 : i32
      %jit3A_517 = arith.constant 1 : i32
      %jit3A_518 = arith.constant 0 : i32
      %select_n3A_519 = arith.select %gt3A_516, %jit3A_517, %jit3A_518 : i32
      %broadcast_in_dim3A_520 = vector.broadcast %select_n3A_519 : i32 to vector<16xi32>
      %mul3A_521 = arith.muli %get3A_513, %broadcast_in_dim3A_520 : vector<16xi32>
      %add3A_522 = arith.addi %add3A_506, %mul3A_521 : vector<16xi32>
      %mul3A_523 = arith.constant 16 : i32
      %mul3A_524 = arith.muli %scan3A_301, %mul3A_523 : i32
      %get3A_525 = arith.constant 14 : i32
      %get3A_526 = arith.index_cast %get3A_525 : i32 to index
      %get3A_527 = arith.index_cast %mul3A_524 : i32 to index
      %get3A_528 = tpu.vector_load %arg11[%get3A_526, %get3A_527] {strides = array<i32>} : memref<16x1024xi32, #tpu.memory_space<vmem>>, vector<1x16xi32>,
      %get3A_529 = vector.shape_cast %get3A_528 : vector<1x16xi32> to vector<16xi32>
      %add3A_530 = arith.addi %add3A_514, %get3A_529 : vector<16xi32>
      %gt3A_531 = arith.constant 14 : i32
      %gt3A_532 = arith.cmpi sgt, %arg1, %gt3A_531 : i32
      %jit3A_533 = arith.constant 1 : i32
      %jit3A_534 = arith.constant 0 : i32
      %select_n3A_535 = arith.select %gt3A_532, %jit3A_533, %jit3A_534 : i32
      %broadcast_in_dim3A_536 = vector.broadcast %select_n3A_535 : i32 to vector<16xi32>
      %mul3A_537 = arith.muli %get3A_529, %broadcast_in_dim3A_536 : vector<16xi32>
      %add3A_538 = arith.addi %add3A_522, %mul3A_537 : vector<16xi32>
      %mul3A_539 = arith.constant 16 : i32
      %mul3A_540 = arith.muli %scan3A_301, %mul3A_539 : i32
      %get3A_541 = arith.constant 15 : i32
      %get3A_542 = arith.index_cast %get3A_541 : i32 to index
      %get3A_543 = arith.index_cast %mul3A_540 : i32 to index
      %get3A_544 = tpu.vector_load %arg11[%get3A_542, %get3A_543] {strides = array<i32>} : memref<16x1024xi32, #tpu.memory_space<vmem>>, vector<1x16xi32>,
      %get3A_545 = vector.shape_cast %get3A_544 : vector<1x16xi32> to vector<16xi32>
      %add3A_546 = arith.addi %add3A_530, %get3A_545 : vector<16xi32>
      %gt3A_547 = arith.constant 15 : i32
      %gt3A_548 = arith.cmpi sgt, %arg1, %gt3A_547 : i32
      %jit3A_549 = arith.constant 1 : i32
      %jit3A_550 = arith.constant 0 : i32
      %select_n3A_551 = arith.select %gt3A_548, %jit3A_549, %jit3A_550 : i32
      %broadcast_in_dim3A_552 = vector.broadcast %select_n3A_551 : i32 to vector<16xi32>
      %mul3A_553 = arith.muli %get3A_545, %broadcast_in_dim3A_552 : vector<16xi32>
      %add3A_554 = arith.addi %add3A_538, %mul3A_553 : vector<16xi32>
      %sub3A = arith.constant 1 : i32
      %sub3A_555 = vector.broadcast %sub3A : i32 to vector<16xi32>
      %sub3A_556 = arith.subi %iota3A, %sub3A_555 : vector<16xi32>
      %max3A = arith.constant 0 : i32
      %max3A_557 = vector.broadcast %max3A : i32 to vector<16xi32>
      %max3A_558 = arith.maxsi %sub3A_556, %max3A_557 : vector<16xi32>
      %lt3A = arith.constant 0 : i32
      %lt3A_559 = vector.broadcast %lt3A : i32 to vector<16xi32>
      %lt3A_560 = arith.cmpi slt, %max3A_558, %lt3A_559 : vector<16xi32>
      %add3A_561 = arith.constant 16 : i32
      %add3A_562 = vector.broadcast %add3A_561 : i32 to vector<16xi32>
      %add3A_563 = arith.addi %max3A_558, %add3A_562 : vector<16xi32>
      %select_n3A_564 = arith.select %lt3A_560, %add3A_563, %max3A_558 : vector<16xi1>, vector<16xi32>
      %broadcast_in_dim3A_565 = vector.shape_cast %select_n3A_564 : vector<16xi32> to vector<16x1xi32>
      %gather3A = vector.shape_cast %broadcast_in_dim3A_565 : vector<16x1xi32> to vector<16xi32>
      %gather3A_566 = tpu.dynamic_gather %add3A_546[%gather3A] in [0] : vector<16xi32>, vector<16xi32> -> vector<16xi32>
      %ge3A = arith.constant 1 : i32
      %ge3A_567 = vector.broadcast %ge3A : i32 to vector<16xi32>
      %ge3A_568 = arith.cmpi sge, %iota3A, %ge3A_567 : vector<16xi32>
      %jit3A_569 = arith.constant 0 : i32
      %broadcast_in_dim3A_570 = vector.broadcast %jit3A_569 : i32 to vector<16xi32>
      %select_n3A_571 = arith.select %ge3A_568, %gather3A_566, %broadcast_in_dim3A_570 : vector<16xi1>, vector<16xi32>
      %add3A_572 = arith.addi %add3A_546, %select_n3A_571 : vector<16xi32>
      %sub3A_573 = arith.constant 2 : i32
      %sub3A_574 = vector.broadcast %sub3A_573 : i32 to vector<16xi32>
      %sub3A_575 = arith.subi %iota3A, %sub3A_574 : vector<16xi32>
      %max3A_576 = arith.constant 0 : i32
      %max3A_577 = vector.broadcast %max3A_576 : i32 to vector<16xi32>
      %max3A_578 = arith.maxsi %sub3A_575, %max3A_577 : vector<16xi32>
      %lt3A_579 = arith.constant 0 : i32
      %lt3A_580 = vector.broadcast %lt3A_579 : i32 to vector<16xi32>
      %lt3A_581 = arith.cmpi slt, %max3A_578, %lt3A_580 : vector<16xi32>
      %add3A_582 = arith.constant 16 : i32
      %add3A_583 = vector.broadcast %add3A_582 : i32 to vector<16xi32>
      %add3A_584 = arith.addi %max3A_578, %add3A_583 : vector<16xi32>
      %select_n3A_585 = arith.select %lt3A_581, %add3A_584, %max3A_578 : vector<16xi1>, vector<16xi32>
      %broadcast_in_dim3A_586 = vector.shape_cast %select_n3A_585 : vector<16xi32> to vector<16x1xi32>
      %gather3A_587 = vector.shape_cast %broadcast_in_dim3A_586 : vector<16x1xi32> to vector<16xi32>
      %gather3A_588 = tpu.dynamic_gather %add3A_572[%gather3A_587] in [0] : vector<16xi32>, vector<16xi32> -> vector<16xi32>
      %ge3A_589 = arith.constant 2 : i32
      %ge3A_590 = vector.broadcast %ge3A_589 : i32 to vector<16xi32>
      %ge3A_591 = arith.cmpi sge, %iota3A, %ge3A_590 : vector<16xi32>
      %jit3A_592 = arith.constant 0 : i32
      %broadcast_in_dim3A_593 = vector.broadcast %jit3A_592 : i32 to vector<16xi32>
      %select_n3A_594 = arith.select %ge3A_591, %gather3A_588, %broadcast_in_dim3A_593 : vector<16xi1>, vector<16xi32>
      %add3A_595 = arith.addi %add3A_572, %select_n3A_594 : vector<16xi32>
      %sub3A_596 = arith.constant 4 : i32
      %sub3A_597 = vector.broadcast %sub3A_596 : i32 to vector<16xi32>
      %sub3A_598 = arith.subi %iota3A, %sub3A_597 : vector<16xi32>
      %max3A_599 = arith.constant 0 : i32
      %max3A_600 = vector.broadcast %max3A_599 : i32 to vector<16xi32>
      %max3A_601 = arith.maxsi %sub3A_598, %max3A_600 : vector<16xi32>
      %lt3A_602 = arith.constant 0 : i32
      %lt3A_603 = vector.broadcast %lt3A_602 : i32 to vector<16xi32>
      %lt3A_604 = arith.cmpi slt, %max3A_601, %lt3A_603 : vector<16xi32>
      %add3A_605 = arith.constant 16 : i32
      %add3A_606 = vector.broadcast %add3A_605 : i32 to vector<16xi32>
      %add3A_607 = arith.addi %max3A_601, %add3A_606 : vector<16xi32>
      %select_n3A_608 = arith.select %lt3A_604, %add3A_607, %max3A_601 : vector<16xi1>, vector<16xi32>
      %broadcast_in_dim3A_609 = vector.shape_cast %select_n3A_608 : vector<16xi32> to vector<16x1xi32>
      %gather3A_610 = vector.shape_cast %broadcast_in_dim3A_609 : vector<16x1xi32> to vector<16xi32>
      %gather3A_611 = tpu.dynamic_gather %add3A_595[%gather3A_610] in [0] : vector<16xi32>, vector<16xi32> -> vector<16xi32>
      %ge3A_612 = arith.constant 4 : i32
      %ge3A_613 = vector.broadcast %ge3A_612 : i32 to vector<16xi32>
      %ge3A_614 = arith.cmpi sge, %iota3A, %ge3A_613 : vector<16xi32>
      %jit3A_615 = arith.constant 0 : i32
      %broadcast_in_dim3A_616 = vector.broadcast %jit3A_615 : i32 to vector<16xi32>
      %select_n3A_617 = arith.select %ge3A_614, %gather3A_611, %broadcast_in_dim3A_616 : vector<16xi1>, vector<16xi32>
      %add3A_618 = arith.addi %add3A_595, %select_n3A_617 : vector<16xi32>
      %sub3A_619 = arith.constant 8 : i32
      %sub3A_620 = vector.broadcast %sub3A_619 : i32 to vector<16xi32>
      %sub3A_621 = arith.subi %iota3A, %sub3A_620 : vector<16xi32>
      %max3A_622 = arith.constant 0 : i32
      %max3A_623 = vector.broadcast %max3A_622 : i32 to vector<16xi32>
      %max3A_624 = arith.maxsi %sub3A_621, %max3A_623 : vector<16xi32>
      %lt3A_625 = arith.constant 0 : i32
      %lt3A_626 = vector.broadcast %lt3A_625 : i32 to vector<16xi32>
      %lt3A_627 = arith.cmpi slt, %max3A_624, %lt3A_626 : vector<16xi32>
      %add3A_628 = arith.constant 16 : i32
      %add3A_629 = vector.broadcast %add3A_628 : i32 to vector<16xi32>
      %add3A_630 = arith.addi %max3A_624, %add3A_629 : vector<16xi32>
      %select_n3A_631 = arith.select %lt3A_627, %add3A_630, %max3A_624 : vector<16xi1>, vector<16xi32>
      %broadcast_in_dim3A_632 = vector.shape_cast %select_n3A_631 : vector<16xi32> to vector<16x1xi32>
      %gather3A_633 = vector.shape_cast %broadcast_in_dim3A_632 : vector<16x1xi32> to vector<16xi32>
      %gather3A_634 = tpu.dynamic_gather %add3A_618[%gather3A_633] in [0] : vector<16xi32>, vector<16xi32> -> vector<16xi32>
      %ge3A_635 = arith.constant 8 : i32
      %ge3A_636 = vector.broadcast %ge3A_635 : i32 to vector<16xi32>
      %ge3A_637 = arith.cmpi sge, %iota3A, %ge3A_636 : vector<16xi32>
      %jit3A_638 = arith.constant 0 : i32
      %broadcast_in_dim3A_639 = vector.broadcast %jit3A_638 : i32 to vector<16xi32>
      %select_n3A_640 = arith.select %ge3A_637, %gather3A_634, %broadcast_in_dim3A_639 : vector<16xi1>, vector<16xi32>
      %add3A_641 = arith.addi %add3A_618, %select_n3A_640 : vector<16xi32>
      %sub3A_642 = arith.subi %add3A_641, %add3A_546 : vector<16xi32>
      %broadcast_in_dim3A_643 = vector.broadcast %scan3A_302 : i32 to vector<16xi32>
      %add3A_644 = arith.addi %sub3A_642, %broadcast_in_dim3A_643 : vector<16xi32>
      %add3A_645 = arith.addi %add3A_644, %add3A_554 : vector<16xi32>
      %mul3A_646 = arith.constant 16 : i32
      %mul3A_647 = arith.muli %scan3A_301, %mul3A_646 : i32
      %swap3A_648 = arith.index_cast %mul3A_647 : i32 to index
      %swap3A_649 = tpu.vector_load %arg12[%swap3A_648] {strides = array<i32>} : memref<1152xi32, #tpu.memory_space<vmem>>, vector<16xi32>,
      %swap3A_650 = vector.shape_cast %swap3A_649 : vector<16xi32> to vector<16xi32>
      %swap3A_651 = vector.shape_cast %add3A_645 : vector<16xi32> to vector<16xi32>
      tpu.vector_store %arg12[%swap3A_648], %swap3A_651 {strides = array<i32>} : memref<1152xi32, #tpu.memory_space<vmem>>, vector<16xi32>,
      %mul3A_652 = arith.constant 16 : i32
      %mul3A_653 = arith.muli %scan3A_301, %mul3A_652 : i32
      %swap3A_654 = arith.index_cast %mul3A_653 : i32 to index
      %swap3A_655 = tpu.vector_load %arg13[%swap3A_654] {strides = array<i32>} : memref<1152xi32, #tpu.memory_space<vmem>>, vector<16xi32>,
      %swap3A_656 = vector.shape_cast %swap3A_655 : vector<16xi32> to vector<16xi32>
      %swap3A_657 = vector.shape_cast %add3A_644 : vector<16xi32> to vector<16xi32>
      tpu.vector_store %arg13[%swap3A_654], %swap3A_657 {strides = array<i32>} : memref<1152xi32, #tpu.memory_space<vmem>>, vector<16xi32>,
      %mul3A_658 = arith.constant 16 : i32
      %mul3A_659 = arith.muli %scan3A_301, %mul3A_658 : i32
      %swap3A_660 = arith.index_cast %mul3A_659 : i32 to index
      %swap3A_661 = tpu.vector_load %arg14[%swap3A_660] {strides = array<i32>} : memref<1152xi32, #tpu.memory_space<vmem>>, vector<16xi32>,
      %swap3A_662 = vector.shape_cast %swap3A_661 : vector<16xi32> to vector<16xi32>
      %swap3A_663 = vector.shape_cast %add3A_546 : vector<16xi32> to vector<16xi32>
      tpu.vector_store %arg14[%swap3A_660], %swap3A_663 {strides = array<i32>} : memref<1152xi32, #tpu.memory_space<vmem>>, vector<16xi32>,
      %slice3A = vector.extract_strided_slice %add3A_641 {offsets = [15], sizes = [1], strides = [1]} : vector<16xi32> to vector<1xi32>
      %squeeze3A = vector.extract %slice3A[0] : i32 from vector<1xi32>
      %add3A_664 = arith.addi %scan3A_302, %squeeze3A : i32
      scf.yield %add3A_664 : i32
    }
    %scan3A_21 = arith.constant 64 : i32
    %scan3A_22 = arith.constant 0 : i32
    %scan3A_23 = arith.constant 0 : i32
    %scan3A_24 = arith.constant 16 : i32
    %scan3A_25 = arith.addi %scan3A_23, %scan3A_24 : i32
    %scan3A_26 = arith.constant 1 : i32
    scf.for %scan3A_301 = %scan3A_23 to %scan3A_25 step %scan3A_26  : i32 {
      %mul3A_302 = arith.constant 16 : i32
      %mul3A_303 = arith.muli %scan3A_301, %mul3A_302 : i32
      %add3A_304 = arith.constant 0 : i32
      %add3A_305 = arith.addi %mul3A_303, %add3A_304 : i32
      %get3A = arith.index_cast %add3A_305 : i32 to index
      %get3A_306 = tpu.vector_load %arg8[%get3A] {strides = array<i32>} : memref<384xi32, #tpu.memory_space<vmem>>, vector<16xi32>,
      %get3A_307 = vector.shape_cast %get3A_306 : vector<16xi32> to vector<16xi32>
      %slice3A = vector.extract_strided_slice %get3A_307 {offsets = [0], sizes = [1], strides = [1]} : vector<16xi32> to vector<1xi32>
      %squeeze3A = vector.extract %slice3A[0] : i32 from vector<1xi32>
      %get3A_308 = arith.index_cast %squeeze3A : i32 to index
      %get3A_309 = tpu.vector_load %arg12[%get3A_308] {strides = array<i32>} : memref<1152xi32, #tpu.memory_space<vmem>>, vector<16xi32>,
      %get3A_310 = vector.shape_cast %get3A_309 : vector<16xi32> to vector<16xi32>
      %slice3A_311 = vector.extract_strided_slice %get3A_310 {offsets = [0], sizes = [1], strides = [1]} : vector<16xi32> to vector<1xi32>
      %squeeze3A_312 = vector.extract %slice3A_311[0] : i32 from vector<1xi32>
      %get3A_313 = arith.index_cast %add3A_305 : i32 to index
      %get3A_314 = tpu.vector_load %arg10[%get3A_313] {strides = array<i32>} : memref<384xi32, #tpu.memory_space<vmem>>, vector<16xi32>,
      %get3A_315 = vector.shape_cast %get3A_314 : vector<16xi32> to vector<16xi32>
      %slice3A_316 = vector.extract_strided_slice %get3A_315 {offsets = [0], sizes = [1], strides = [1]} : vector<16xi32> to vector<1xi32>
      %squeeze3A_317 = vector.extract %slice3A_316[0] : i32 from vector<1xi32>
      %add3A_318 = arith.addi %squeeze3A_312, %squeeze3A_317 : i32
      %eq3A_319 = arith.constant 0 : i32
      %eq3A_320 = vector.broadcast %eq3A_319 : i32 to vector<16xi32>
      %eq3A_321 = arith.cmpi eq, %iota3A, %eq3A_320 : vector<16xi32>
      %broadcast_in_dim3A_322 = vector.broadcast %add3A_318 : i32 to vector<16xi32>
      %select_n3A = arith.select %eq3A_321, %broadcast_in_dim3A_322, %broadcast_in_dim3A_0 : vector<16xi1>, vector<16xi32>
      %mul3A_323 = arith.constant 16 : i32
      %mul3A_324 = arith.muli %scan3A_301, %mul3A_323 : i32
      %add3A_325 = arith.constant 1 : i32
      %add3A_326 = arith.addi %mul3A_324, %add3A_325 : i32
      %get3A_327 = arith.index_cast %add3A_326 : i32 to index
      %get3A_328 = tpu.vector_load %arg8[%get3A_327] {strides = array<i32>} : memref<384xi32, #tpu.memory_space<vmem>>, vector<16xi32>,
      %get3A_329 = vector.shape_cast %get3A_328 : vector<16xi32> to vector<16xi32>
      %slice3A_330 = vector.extract_strided_slice %get3A_329 {offsets = [0], sizes = [1], strides = [1]} : vector<16xi32> to vector<1xi32>
      %squeeze3A_331 = vector.extract %slice3A_330[0] : i32 from vector<1xi32>
      %get3A_332 = arith.index_cast %squeeze3A_331 : i32 to index
      %get3A_333 = tpu.vector_load %arg12[%get3A_332] {strides = array<i32>} : memref<1152xi32, #tpu.memory_space<vmem>>, vector<16xi32>,
      %get3A_334 = vector.shape_cast %get3A_333 : vector<16xi32> to vector<16xi32>
      %slice3A_335 = vector.extract_strided_slice %get3A_334 {offsets = [0], sizes = [1], strides = [1]} : vector<16xi32> to vector<1xi32>
      %squeeze3A_336 = vector.extract %slice3A_335[0] : i32 from vector<1xi32>
      %get3A_337 = arith.index_cast %add3A_326 : i32 to index
      %get3A_338 = tpu.vector_load %arg10[%get3A_337] {strides = array<i32>} : memref<384xi32, #tpu.memory_space<vmem>>, vector<16xi32>,
      %get3A_339 = vector.shape_cast %get3A_338 : vector<16xi32> to vector<16xi32>
      %slice3A_340 = vector.extract_strided_slice %get3A_339 {offsets = [0], sizes = [1], strides = [1]} : vector<16xi32> to vector<1xi32>
      %squeeze3A_341 = vector.extract %slice3A_340[0] : i32 from vector<1xi32>
      %add3A_342 = arith.addi %squeeze3A_336, %squeeze3A_341 : i32
      %eq3A_343 = arith.constant 1 : i32
      %eq3A_344 = vector.broadcast %eq3A_343 : i32 to vector<16xi32>
      %eq3A_345 = arith.cmpi eq, %iota3A, %eq3A_344 : vector<16xi32>
      %broadcast_in_dim3A_346 = vector.broadcast %add3A_342 : i32 to vector<16xi32>
      %select_n3A_347 = arith.select %eq3A_345, %broadcast_in_dim3A_346, %select_n3A : vector<16xi1>, vector<16xi32>
      %mul3A_348 = arith.constant 16 : i32
      %mul3A_349 = arith.muli %scan3A_301, %mul3A_348 : i32
      %add3A_350 = arith.constant 2 : i32
      %add3A_351 = arith.addi %mul3A_349, %add3A_350 : i32
      %get3A_352 = arith.index_cast %add3A_351 : i32 to index
      %get3A_353 = tpu.vector_load %arg8[%get3A_352] {strides = array<i32>} : memref<384xi32, #tpu.memory_space<vmem>>, vector<16xi32>,
      %get3A_354 = vector.shape_cast %get3A_353 : vector<16xi32> to vector<16xi32>
      %slice3A_355 = vector.extract_strided_slice %get3A_354 {offsets = [0], sizes = [1], strides = [1]} : vector<16xi32> to vector<1xi32>
      %squeeze3A_356 = vector.extract %slice3A_355[0] : i32 from vector<1xi32>
      %get3A_357 = arith.index_cast %squeeze3A_356 : i32 to index
      %get3A_358 = tpu.vector_load %arg12[%get3A_357] {strides = array<i32>} : memref<1152xi32, #tpu.memory_space<vmem>>, vector<16xi32>,
      %get3A_359 = vector.shape_cast %get3A_358 : vector<16xi32> to vector<16xi32>
      %slice3A_360 = vector.extract_strided_slice %get3A_359 {offsets = [0], sizes = [1], strides = [1]} : vector<16xi32> to vector<1xi32>
      %squeeze3A_361 = vector.extract %slice3A_360[0] : i32 from vector<1xi32>
      %get3A_362 = arith.index_cast %add3A_351 : i32 to index
      %get3A_363 = tpu.vector_load %arg10[%get3A_362] {strides = array<i32>} : memref<384xi32, #tpu.memory_space<vmem>>, vector<16xi32>,
      %get3A_364 = vector.shape_cast %get3A_363 : vector<16xi32> to vector<16xi32>
      %slice3A_365 = vector.extract_strided_slice %get3A_364 {offsets = [0], sizes = [1], strides = [1]} : vector<16xi32> to vector<1xi32>
      %squeeze3A_366 = vector.extract %slice3A_365[0] : i32 from vector<1xi32>
      %add3A_367 = arith.addi %squeeze3A_361, %squeeze3A_366 : i32
      %eq3A_368 = arith.constant 2 : i32
      %eq3A_369 = vector.broadcast %eq3A_368 : i32 to vector<16xi32>
      %eq3A_370 = arith.cmpi eq, %iota3A, %eq3A_369 : vector<16xi32>
      %broadcast_in_dim3A_371 = vector.broadcast %add3A_367 : i32 to vector<16xi32>
      %select_n3A_372 = arith.select %eq3A_370, %broadcast_in_dim3A_371, %select_n3A_347 : vector<16xi1>, vector<16xi32>
      %mul3A_373 = arith.constant 16 : i32
      %mul3A_374 = arith.muli %scan3A_301, %mul3A_373 : i32
      %add3A_375 = arith.constant 3 : i32
      %add3A_376 = arith.addi %mul3A_374, %add3A_375 : i32
      %get3A_377 = arith.index_cast %add3A_376 : i32 to index
      %get3A_378 = tpu.vector_load %arg8[%get3A_377] {strides = array<i32>} : memref<384xi32, #tpu.memory_space<vmem>>, vector<16xi32>,
      %get3A_379 = vector.shape_cast %get3A_378 : vector<16xi32> to vector<16xi32>
      %slice3A_380 = vector.extract_strided_slice %get3A_379 {offsets = [0], sizes = [1], strides = [1]} : vector<16xi32> to vector<1xi32>
      %squeeze3A_381 = vector.extract %slice3A_380[0] : i32 from vector<1xi32>
      %get3A_382 = arith.index_cast %squeeze3A_381 : i32 to index
      %get3A_383 = tpu.vector_load %arg12[%get3A_382] {strides = array<i32>} : memref<1152xi32, #tpu.memory_space<vmem>>, vector<16xi32>,
      %get3A_384 = vector.shape_cast %get3A_383 : vector<16xi32> to vector<16xi32>
      %slice3A_385 = vector.extract_strided_slice %get3A_384 {offsets = [0], sizes = [1], strides = [1]} : vector<16xi32> to vector<1xi32>
      %squeeze3A_386 = vector.extract %slice3A_385[0] : i32 from vector<1xi32>
      %get3A_387 = arith.index_cast %add3A_376 : i32 to index
      %get3A_388 = tpu.vector_load %arg10[%get3A_387] {strides = array<i32>} : memref<384xi32, #tpu.memory_space<vmem>>, vector<16xi32>,
      %get3A_389 = vector.shape_cast %get3A_388 : vector<16xi32> to vector<16xi32>
      %slice3A_390 = vector.extract_strided_slice %get3A_389 {offsets = [0], sizes = [1], strides = [1]} : vector<16xi32> to vector<1xi32>
      %squeeze3A_391 = vector.extract %slice3A_390[0] : i32 from vector<1xi32>
      %add3A_392 = arith.addi %squeeze3A_386, %squeeze3A_391 : i32
      %eq3A_393 = arith.constant 3 : i32
      %eq3A_394 = vector.broadcast %eq3A_393 : i32 to vector<16xi32>
      %eq3A_395 = arith.cmpi eq, %iota3A, %eq3A_394 : vector<16xi32>
      %broadcast_in_dim3A_396 = vector.broadcast %add3A_392 : i32 to vector<16xi32>
      %select_n3A_397 = arith.select %eq3A_395, %broadcast_in_dim3A_396, %select_n3A_372 : vector<16xi1>, vector<16xi32>
      %mul3A_398 = arith.constant 16 : i32
      %mul3A_399 = arith.muli %scan3A_301, %mul3A_398 : i32
      %add3A_400 = arith.constant 4 : i32
      %add3A_401 = arith.addi %mul3A_399, %add3A_400 : i32
      %get3A_402 = arith.index_cast %add3A_401 : i32 to index
      %get3A_403 = tpu.vector_load %arg8[%get3A_402] {strides = array<i32>} : memref<384xi32, #tpu.memory_space<vmem>>, vector<16xi32>,
      %get3A_404 = vector.shape_cast %get3A_403 : vector<16xi32> to vector<16xi32>
      %slice3A_405 = vector.extract_strided_slice %get3A_404 {offsets = [0], sizes = [1], strides = [1]} : vector<16xi32> to vector<1xi32>
      %squeeze3A_406 = vector.extract %slice3A_405[0] : i32 from vector<1xi32>
      %get3A_407 = arith.index_cast %squeeze3A_406 : i32 to index
      %get3A_408 = tpu.vector_load %arg12[%get3A_407] {strides = array<i32>} : memref<1152xi32, #tpu.memory_space<vmem>>, vector<16xi32>,
      %get3A_409 = vector.shape_cast %get3A_408 : vector<16xi32> to vector<16xi32>
      %slice3A_410 = vector.extract_strided_slice %get3A_409 {offsets = [0], sizes = [1], strides = [1]} : vector<16xi32> to vector<1xi32>
      %squeeze3A_411 = vector.extract %slice3A_410[0] : i32 from vector<1xi32>
      %get3A_412 = arith.index_cast %add3A_401 : i32 to index
      %get3A_413 = tpu.vector_load %arg10[%get3A_412] {strides = array<i32>} : memref<384xi32, #tpu.memory_space<vmem>>, vector<16xi32>,
      %get3A_414 = vector.shape_cast %get3A_413 : vector<16xi32> to vector<16xi32>
      %slice3A_415 = vector.extract_strided_slice %get3A_414 {offsets = [0], sizes = [1], strides = [1]} : vector<16xi32> to vector<1xi32>
      %squeeze3A_416 = vector.extract %slice3A_415[0] : i32 from vector<1xi32>
      %add3A_417 = arith.addi %squeeze3A_411, %squeeze3A_416 : i32
      %eq3A_418 = arith.constant 4 : i32
      %eq3A_419 = vector.broadcast %eq3A_418 : i32 to vector<16xi32>
      %eq3A_420 = arith.cmpi eq, %iota3A, %eq3A_419 : vector<16xi32>
      %broadcast_in_dim3A_421 = vector.broadcast %add3A_417 : i32 to vector<16xi32>
      %select_n3A_422 = arith.select %eq3A_420, %broadcast_in_dim3A_421, %select_n3A_397 : vector<16xi1>, vector<16xi32>
      %mul3A_423 = arith.constant 16 : i32
      %mul3A_424 = arith.muli %scan3A_301, %mul3A_423 : i32
      %add3A_425 = arith.constant 5 : i32
      %add3A_426 = arith.addi %mul3A_424, %add3A_425 : i32
      %get3A_427 = arith.index_cast %add3A_426 : i32 to index
      %get3A_428 = tpu.vector_load %arg8[%get3A_427] {strides = array<i32>} : memref<384xi32, #tpu.memory_space<vmem>>, vector<16xi32>,
      %get3A_429 = vector.shape_cast %get3A_428 : vector<16xi32> to vector<16xi32>
      %slice3A_430 = vector.extract_strided_slice %get3A_429 {offsets = [0], sizes = [1], strides = [1]} : vector<16xi32> to vector<1xi32>
      %squeeze3A_431 = vector.extract %slice3A_430[0] : i32 from vector<1xi32>
      %get3A_432 = arith.index_cast %squeeze3A_431 : i32 to index
      %get3A_433 = tpu.vector_load %arg12[%get3A_432] {strides = array<i32>} : memref<1152xi32, #tpu.memory_space<vmem>>, vector<16xi32>,
      %get3A_434 = vector.shape_cast %get3A_433 : vector<16xi32> to vector<16xi32>
      %slice3A_435 = vector.extract_strided_slice %get3A_434 {offsets = [0], sizes = [1], strides = [1]} : vector<16xi32> to vector<1xi32>
      %squeeze3A_436 = vector.extract %slice3A_435[0] : i32 from vector<1xi32>
      %get3A_437 = arith.index_cast %add3A_426 : i32 to index
      %get3A_438 = tpu.vector_load %arg10[%get3A_437] {strides = array<i32>} : memref<384xi32, #tpu.memory_space<vmem>>, vector<16xi32>,
      %get3A_439 = vector.shape_cast %get3A_438 : vector<16xi32> to vector<16xi32>
      %slice3A_440 = vector.extract_strided_slice %get3A_439 {offsets = [0], sizes = [1], strides = [1]} : vector<16xi32> to vector<1xi32>
      %squeeze3A_441 = vector.extract %slice3A_440[0] : i32 from vector<1xi32>
      %add3A_442 = arith.addi %squeeze3A_436, %squeeze3A_441 : i32
      %eq3A_443 = arith.constant 5 : i32
      %eq3A_444 = vector.broadcast %eq3A_443 : i32 to vector<16xi32>
      %eq3A_445 = arith.cmpi eq, %iota3A, %eq3A_444 : vector<16xi32>
      %broadcast_in_dim3A_446 = vector.broadcast %add3A_442 : i32 to vector<16xi32>
      %select_n3A_447 = arith.select %eq3A_445, %broadcast_in_dim3A_446, %select_n3A_422 : vector<16xi1>, vector<16xi32>
      %mul3A_448 = arith.constant 16 : i32
      %mul3A_449 = arith.muli %scan3A_301, %mul3A_448 : i32
      %add3A_450 = arith.constant 6 : i32
      %add3A_451 = arith.addi %mul3A_449, %add3A_450 : i32
      %get3A_452 = arith.index_cast %add3A_451 : i32 to index
      %get3A_453 = tpu.vector_load %arg8[%get3A_452] {strides = array<i32>} : memref<384xi32, #tpu.memory_space<vmem>>, vector<16xi32>,
      %get3A_454 = vector.shape_cast %get3A_453 : vector<16xi32> to vector<16xi32>
      %slice3A_455 = vector.extract_strided_slice %get3A_454 {offsets = [0], sizes = [1], strides = [1]} : vector<16xi32> to vector<1xi32>
      %squeeze3A_456 = vector.extract %slice3A_455[0] : i32 from vector<1xi32>
      %get3A_457 = arith.index_cast %squeeze3A_456 : i32 to index
      %get3A_458 = tpu.vector_load %arg12[%get3A_457] {strides = array<i32>} : memref<1152xi32, #tpu.memory_space<vmem>>, vector<16xi32>,
      %get3A_459 = vector.shape_cast %get3A_458 : vector<16xi32> to vector<16xi32>
      %slice3A_460 = vector.extract_strided_slice %get3A_459 {offsets = [0], sizes = [1], strides = [1]} : vector<16xi32> to vector<1xi32>
      %squeeze3A_461 = vector.extract %slice3A_460[0] : i32 from vector<1xi32>
      %get3A_462 = arith.index_cast %add3A_451 : i32 to index
      %get3A_463 = tpu.vector_load %arg10[%get3A_462] {strides = array<i32>} : memref<384xi32, #tpu.memory_space<vmem>>, vector<16xi32>,
      %get3A_464 = vector.shape_cast %get3A_463 : vector<16xi32> to vector<16xi32>
      %slice3A_465 = vector.extract_strided_slice %get3A_464 {offsets = [0], sizes = [1], strides = [1]} : vector<16xi32> to vector<1xi32>
      %squeeze3A_466 = vector.extract %slice3A_465[0] : i32 from vector<1xi32>
      %add3A_467 = arith.addi %squeeze3A_461, %squeeze3A_466 : i32
      %eq3A_468 = arith.constant 6 : i32
      %eq3A_469 = vector.broadcast %eq3A_468 : i32 to vector<16xi32>
      %eq3A_470 = arith.cmpi eq, %iota3A, %eq3A_469 : vector<16xi32>
      %broadcast_in_dim3A_471 = vector.broadcast %add3A_467 : i32 to vector<16xi32>
      %select_n3A_472 = arith.select %eq3A_470, %broadcast_in_dim3A_471, %select_n3A_447 : vector<16xi1>, vector<16xi32>
      %mul3A_473 = arith.constant 16 : i32
      %mul3A_474 = arith.muli %scan3A_301, %mul3A_473 : i32
      %add3A_475 = arith.constant 7 : i32
      %add3A_476 = arith.addi %mul3A_474, %add3A_475 : i32
      %get3A_477 = arith.index_cast %add3A_476 : i32 to index
      %get3A_478 = tpu.vector_load %arg8[%get3A_477] {strides = array<i32>} : memref<384xi32, #tpu.memory_space<vmem>>, vector<16xi32>,
      %get3A_479 = vector.shape_cast %get3A_478 : vector<16xi32> to vector<16xi32>
      %slice3A_480 = vector.extract_strided_slice %get3A_479 {offsets = [0], sizes = [1], strides = [1]} : vector<16xi32> to vector<1xi32>
      %squeeze3A_481 = vector.extract %slice3A_480[0] : i32 from vector<1xi32>
      %get3A_482 = arith.index_cast %squeeze3A_481 : i32 to index
      %get3A_483 = tpu.vector_load %arg12[%get3A_482] {strides = array<i32>} : memref<1152xi32, #tpu.memory_space<vmem>>, vector<16xi32>,
      %get3A_484 = vector.shape_cast %get3A_483 : vector<16xi32> to vector<16xi32>
      %slice3A_485 = vector.extract_strided_slice %get3A_484 {offsets = [0], sizes = [1], strides = [1]} : vector<16xi32> to vector<1xi32>
      %squeeze3A_486 = vector.extract %slice3A_485[0] : i32 from vector<1xi32>
      %get3A_487 = arith.index_cast %add3A_476 : i32 to index
      %get3A_488 = tpu.vector_load %arg10[%get3A_487] {strides = array<i32>} : memref<384xi32, #tpu.memory_space<vmem>>, vector<16xi32>,
      %get3A_489 = vector.shape_cast %get3A_488 : vector<16xi32> to vector<16xi32>
      %slice3A_490 = vector.extract_strided_slice %get3A_489 {offsets = [0], sizes = [1], strides = [1]} : vector<16xi32> to vector<1xi32>
      %squeeze3A_491 = vector.extract %slice3A_490[0] : i32 from vector<1xi32>
      %add3A_492 = arith.addi %squeeze3A_486, %squeeze3A_491 : i32
      %eq3A_493 = arith.constant 7 : i32
      %eq3A_494 = vector.broadcast %eq3A_493 : i32 to vector<16xi32>
      %eq3A_495 = arith.cmpi eq, %iota3A, %eq3A_494 : vector<16xi32>
      %broadcast_in_dim3A_496 = vector.broadcast %add3A_492 : i32 to vector<16xi32>
      %select_n3A_497 = arith.select %eq3A_495, %broadcast_in_dim3A_496, %select_n3A_472 : vector<16xi1>, vector<16xi32>
      %mul3A_498 = arith.constant 16 : i32
      %mul3A_499 = arith.muli %scan3A_301, %mul3A_498 : i32
      %add3A_500 = arith.constant 8 : i32
      %add3A_501 = arith.addi %mul3A_499, %add3A_500 : i32
      %get3A_502 = arith.index_cast %add3A_501 : i32 to index
      %get3A_503 = tpu.vector_load %arg8[%get3A_502] {strides = array<i32>} : memref<384xi32, #tpu.memory_space<vmem>>, vector<16xi32>,
      %get3A_504 = vector.shape_cast %get3A_503 : vector<16xi32> to vector<16xi32>
      %slice3A_505 = vector.extract_strided_slice %get3A_504 {offsets = [0], sizes = [1], strides = [1]} : vector<16xi32> to vector<1xi32>
      %squeeze3A_506 = vector.extract %slice3A_505[0] : i32 from vector<1xi32>
      %get3A_507 = arith.index_cast %squeeze3A_506 : i32 to index
      %get3A_508 = tpu.vector_load %arg12[%get3A_507] {strides = array<i32>} : memref<1152xi32, #tpu.memory_space<vmem>>, vector<16xi32>,
      %get3A_509 = vector.shape_cast %get3A_508 : vector<16xi32> to vector<16xi32>
      %slice3A_510 = vector.extract_strided_slice %get3A_509 {offsets = [0], sizes = [1], strides = [1]} : vector<16xi32> to vector<1xi32>
      %squeeze3A_511 = vector.extract %slice3A_510[0] : i32 from vector<1xi32>
      %get3A_512 = arith.index_cast %add3A_501 : i32 to index
      %get3A_513 = tpu.vector_load %arg10[%get3A_512] {strides = array<i32>} : memref<384xi32, #tpu.memory_space<vmem>>, vector<16xi32>,
      %get3A_514 = vector.shape_cast %get3A_513 : vector<16xi32> to vector<16xi32>
      %slice3A_515 = vector.extract_strided_slice %get3A_514 {offsets = [0], sizes = [1], strides = [1]} : vector<16xi32> to vector<1xi32>
      %squeeze3A_516 = vector.extract %slice3A_515[0] : i32 from vector<1xi32>
      %add3A_517 = arith.addi %squeeze3A_511, %squeeze3A_516 : i32
      %eq3A_518 = arith.constant 8 : i32
      %eq3A_519 = vector.broadcast %eq3A_518 : i32 to vector<16xi32>
      %eq3A_520 = arith.cmpi eq, %iota3A, %eq3A_519 : vector<16xi32>
      %broadcast_in_dim3A_521 = vector.broadcast %add3A_517 : i32 to vector<16xi32>
      %select_n3A_522 = arith.select %eq3A_520, %broadcast_in_dim3A_521, %select_n3A_497 : vector<16xi1>, vector<16xi32>
      %mul3A_523 = arith.constant 16 : i32
      %mul3A_524 = arith.muli %scan3A_301, %mul3A_523 : i32
      %add3A_525 = arith.constant 9 : i32
      %add3A_526 = arith.addi %mul3A_524, %add3A_525 : i32
      %get3A_527 = arith.index_cast %add3A_526 : i32 to index
      %get3A_528 = tpu.vector_load %arg8[%get3A_527] {strides = array<i32>} : memref<384xi32, #tpu.memory_space<vmem>>, vector<16xi32>,
      %get3A_529 = vector.shape_cast %get3A_528 : vector<16xi32> to vector<16xi32>
      %slice3A_530 = vector.extract_strided_slice %get3A_529 {offsets = [0], sizes = [1], strides = [1]} : vector<16xi32> to vector<1xi32>
      %squeeze3A_531 = vector.extract %slice3A_530[0] : i32 from vector<1xi32>
      %get3A_532 = arith.index_cast %squeeze3A_531 : i32 to index
      %get3A_533 = tpu.vector_load %arg12[%get3A_532] {strides = array<i32>} : memref<1152xi32, #tpu.memory_space<vmem>>, vector<16xi32>,
      %get3A_534 = vector.shape_cast %get3A_533 : vector<16xi32> to vector<16xi32>
      %slice3A_535 = vector.extract_strided_slice %get3A_534 {offsets = [0], sizes = [1], strides = [1]} : vector<16xi32> to vector<1xi32>
      %squeeze3A_536 = vector.extract %slice3A_535[0] : i32 from vector<1xi32>
      %get3A_537 = arith.index_cast %add3A_526 : i32 to index
      %get3A_538 = tpu.vector_load %arg10[%get3A_537] {strides = array<i32>} : memref<384xi32, #tpu.memory_space<vmem>>, vector<16xi32>,
      %get3A_539 = vector.shape_cast %get3A_538 : vector<16xi32> to vector<16xi32>
      %slice3A_540 = vector.extract_strided_slice %get3A_539 {offsets = [0], sizes = [1], strides = [1]} : vector<16xi32> to vector<1xi32>
      %squeeze3A_541 = vector.extract %slice3A_540[0] : i32 from vector<1xi32>
      %add3A_542 = arith.addi %squeeze3A_536, %squeeze3A_541 : i32
      %eq3A_543 = arith.constant 9 : i32
      %eq3A_544 = vector.broadcast %eq3A_543 : i32 to vector<16xi32>
      %eq3A_545 = arith.cmpi eq, %iota3A, %eq3A_544 : vector<16xi32>
      %broadcast_in_dim3A_546 = vector.broadcast %add3A_542 : i32 to vector<16xi32>
      %select_n3A_547 = arith.select %eq3A_545, %broadcast_in_dim3A_546, %select_n3A_522 : vector<16xi1>, vector<16xi32>
      %mul3A_548 = arith.constant 16 : i32
      %mul3A_549 = arith.muli %scan3A_301, %mul3A_548 : i32
      %add3A_550 = arith.constant 10 : i32
      %add3A_551 = arith.addi %mul3A_549, %add3A_550 : i32
      %get3A_552 = arith.index_cast %add3A_551 : i32 to index
      %get3A_553 = tpu.vector_load %arg8[%get3A_552] {strides = array<i32>} : memref<384xi32, #tpu.memory_space<vmem>>, vector<16xi32>,
      %get3A_554 = vector.shape_cast %get3A_553 : vector<16xi32> to vector<16xi32>
      %slice3A_555 = vector.extract_strided_slice %get3A_554 {offsets = [0], sizes = [1], strides = [1]} : vector<16xi32> to vector<1xi32>
      %squeeze3A_556 = vector.extract %slice3A_555[0] : i32 from vector<1xi32>
      %get3A_557 = arith.index_cast %squeeze3A_556 : i32 to index
      %get3A_558 = tpu.vector_load %arg12[%get3A_557] {strides = array<i32>} : memref<1152xi32, #tpu.memory_space<vmem>>, vector<16xi32>,
      %get3A_559 = vector.shape_cast %get3A_558 : vector<16xi32> to vector<16xi32>
      %slice3A_560 = vector.extract_strided_slice %get3A_559 {offsets = [0], sizes = [1], strides = [1]} : vector<16xi32> to vector<1xi32>
      %squeeze3A_561 = vector.extract %slice3A_560[0] : i32 from vector<1xi32>
      %get3A_562 = arith.index_cast %add3A_551 : i32 to index
      %get3A_563 = tpu.vector_load %arg10[%get3A_562] {strides = array<i32>} : memref<384xi32, #tpu.memory_space<vmem>>, vector<16xi32>,
      %get3A_564 = vector.shape_cast %get3A_563 : vector<16xi32> to vector<16xi32>
      %slice3A_565 = vector.extract_strided_slice %get3A_564 {offsets = [0], sizes = [1], strides = [1]} : vector<16xi32> to vector<1xi32>
      %squeeze3A_566 = vector.extract %slice3A_565[0] : i32 from vector<1xi32>
      %add3A_567 = arith.addi %squeeze3A_561, %squeeze3A_566 : i32
      %eq3A_568 = arith.constant 10 : i32
      %eq3A_569 = vector.broadcast %eq3A_568 : i32 to vector<16xi32>
      %eq3A_570 = arith.cmpi eq, %iota3A, %eq3A_569 : vector<16xi32>
      %broadcast_in_dim3A_571 = vector.broadcast %add3A_567 : i32 to vector<16xi32>
      %select_n3A_572 = arith.select %eq3A_570, %broadcast_in_dim3A_571, %select_n3A_547 : vector<16xi1>, vector<16xi32>
      %mul3A_573 = arith.constant 16 : i32
      %mul3A_574 = arith.muli %scan3A_301, %mul3A_573 : i32
      %add3A_575 = arith.constant 11 : i32
      %add3A_576 = arith.addi %mul3A_574, %add3A_575 : i32
      %get3A_577 = arith.index_cast %add3A_576 : i32 to index
      %get3A_578 = tpu.vector_load %arg8[%get3A_577] {strides = array<i32>} : memref<384xi32, #tpu.memory_space<vmem>>, vector<16xi32>,
      %get3A_579 = vector.shape_cast %get3A_578 : vector<16xi32> to vector<16xi32>
      %slice3A_580 = vector.extract_strided_slice %get3A_579 {offsets = [0], sizes = [1], strides = [1]} : vector<16xi32> to vector<1xi32>
      %squeeze3A_581 = vector.extract %slice3A_580[0] : i32 from vector<1xi32>
      %get3A_582 = arith.index_cast %squeeze3A_581 : i32 to index
      %get3A_583 = tpu.vector_load %arg12[%get3A_582] {strides = array<i32>} : memref<1152xi32, #tpu.memory_space<vmem>>, vector<16xi32>,
      %get3A_584 = vector.shape_cast %get3A_583 : vector<16xi32> to vector<16xi32>
      %slice3A_585 = vector.extract_strided_slice %get3A_584 {offsets = [0], sizes = [1], strides = [1]} : vector<16xi32> to vector<1xi32>
      %squeeze3A_586 = vector.extract %slice3A_585[0] : i32 from vector<1xi32>
      %get3A_587 = arith.index_cast %add3A_576 : i32 to index
      %get3A_588 = tpu.vector_load %arg10[%get3A_587] {strides = array<i32>} : memref<384xi32, #tpu.memory_space<vmem>>, vector<16xi32>,
      %get3A_589 = vector.shape_cast %get3A_588 : vector<16xi32> to vector<16xi32>
      %slice3A_590 = vector.extract_strided_slice %get3A_589 {offsets = [0], sizes = [1], strides = [1]} : vector<16xi32> to vector<1xi32>
      %squeeze3A_591 = vector.extract %slice3A_590[0] : i32 from vector<1xi32>
      %add3A_592 = arith.addi %squeeze3A_586, %squeeze3A_591 : i32
      %eq3A_593 = arith.constant 11 : i32
      %eq3A_594 = vector.broadcast %eq3A_593 : i32 to vector<16xi32>
      %eq3A_595 = arith.cmpi eq, %iota3A, %eq3A_594 : vector<16xi32>
      %broadcast_in_dim3A_596 = vector.broadcast %add3A_592 : i32 to vector<16xi32>
      %select_n3A_597 = arith.select %eq3A_595, %broadcast_in_dim3A_596, %select_n3A_572 : vector<16xi1>, vector<16xi32>
      %mul3A_598 = arith.constant 16 : i32
      %mul3A_599 = arith.muli %scan3A_301, %mul3A_598 : i32
      %add3A_600 = arith.constant 12 : i32
      %add3A_601 = arith.addi %mul3A_599, %add3A_600 : i32
      %get3A_602 = arith.index_cast %add3A_601 : i32 to index
      %get3A_603 = tpu.vector_load %arg8[%get3A_602] {strides = array<i32>} : memref<384xi32, #tpu.memory_space<vmem>>, vector<16xi32>,
      %get3A_604 = vector.shape_cast %get3A_603 : vector<16xi32> to vector<16xi32>
      %slice3A_605 = vector.extract_strided_slice %get3A_604 {offsets = [0], sizes = [1], strides = [1]} : vector<16xi32> to vector<1xi32>
      %squeeze3A_606 = vector.extract %slice3A_605[0] : i32 from vector<1xi32>
      %get3A_607 = arith.index_cast %squeeze3A_606 : i32 to index
      %get3A_608 = tpu.vector_load %arg12[%get3A_607] {strides = array<i32>} : memref<1152xi32, #tpu.memory_space<vmem>>, vector<16xi32>,
      %get3A_609 = vector.shape_cast %get3A_608 : vector<16xi32> to vector<16xi32>
      %slice3A_610 = vector.extract_strided_slice %get3A_609 {offsets = [0], sizes = [1], strides = [1]} : vector<16xi32> to vector<1xi32>
      %squeeze3A_611 = vector.extract %slice3A_610[0] : i32 from vector<1xi32>
      %get3A_612 = arith.index_cast %add3A_601 : i32 to index
      %get3A_613 = tpu.vector_load %arg10[%get3A_612] {strides = array<i32>} : memref<384xi32, #tpu.memory_space<vmem>>, vector<16xi32>,
      %get3A_614 = vector.shape_cast %get3A_613 : vector<16xi32> to vector<16xi32>
      %slice3A_615 = vector.extract_strided_slice %get3A_614 {offsets = [0], sizes = [1], strides = [1]} : vector<16xi32> to vector<1xi32>
      %squeeze3A_616 = vector.extract %slice3A_615[0] : i32 from vector<1xi32>
      %add3A_617 = arith.addi %squeeze3A_611, %squeeze3A_616 : i32
      %eq3A_618 = arith.constant 12 : i32
      %eq3A_619 = vector.broadcast %eq3A_618 : i32 to vector<16xi32>
      %eq3A_620 = arith.cmpi eq, %iota3A, %eq3A_619 : vector<16xi32>
      %broadcast_in_dim3A_621 = vector.broadcast %add3A_617 : i32 to vector<16xi32>
      %select_n3A_622 = arith.select %eq3A_620, %broadcast_in_dim3A_621, %select_n3A_597 : vector<16xi1>, vector<16xi32>
      %mul3A_623 = arith.constant 16 : i32
      %mul3A_624 = arith.muli %scan3A_301, %mul3A_623 : i32
      %add3A_625 = arith.constant 13 : i32
      %add3A_626 = arith.addi %mul3A_624, %add3A_625 : i32
      %get3A_627 = arith.index_cast %add3A_626 : i32 to index
      %get3A_628 = tpu.vector_load %arg8[%get3A_627] {strides = array<i32>} : memref<384xi32, #tpu.memory_space<vmem>>, vector<16xi32>,
      %get3A_629 = vector.shape_cast %get3A_628 : vector<16xi32> to vector<16xi32>
      %slice3A_630 = vector.extract_strided_slice %get3A_629 {offsets = [0], sizes = [1], strides = [1]} : vector<16xi32> to vector<1xi32>
      %squeeze3A_631 = vector.extract %slice3A_630[0] : i32 from vector<1xi32>
      %get3A_632 = arith.index_cast %squeeze3A_631 : i32 to index
      %get3A_633 = tpu.vector_load %arg12[%get3A_632] {strides = array<i32>} : memref<1152xi32, #tpu.memory_space<vmem>>, vector<16xi32>,
      %get3A_634 = vector.shape_cast %get3A_633 : vector<16xi32> to vector<16xi32>
      %slice3A_635 = vector.extract_strided_slice %get3A_634 {offsets = [0], sizes = [1], strides = [1]} : vector<16xi32> to vector<1xi32>
      %squeeze3A_636 = vector.extract %slice3A_635[0] : i32 from vector<1xi32>
      %get3A_637 = arith.index_cast %add3A_626 : i32 to index
      %get3A_638 = tpu.vector_load %arg10[%get3A_637] {strides = array<i32>} : memref<384xi32, #tpu.memory_space<vmem>>, vector<16xi32>,
      %get3A_639 = vector.shape_cast %get3A_638 : vector<16xi32> to vector<16xi32>
      %slice3A_640 = vector.extract_strided_slice %get3A_639 {offsets = [0], sizes = [1], strides = [1]} : vector<16xi32> to vector<1xi32>
      %squeeze3A_641 = vector.extract %slice3A_640[0] : i32 from vector<1xi32>
      %add3A_642 = arith.addi %squeeze3A_636, %squeeze3A_641 : i32
      %eq3A_643 = arith.constant 13 : i32
      %eq3A_644 = vector.broadcast %eq3A_643 : i32 to vector<16xi32>
      %eq3A_645 = arith.cmpi eq, %iota3A, %eq3A_644 : vector<16xi32>
      %broadcast_in_dim3A_646 = vector.broadcast %add3A_642 : i32 to vector<16xi32>
      %select_n3A_647 = arith.select %eq3A_645, %broadcast_in_dim3A_646, %select_n3A_622 : vector<16xi1>, vector<16xi32>
      %mul3A_648 = arith.constant 16 : i32
      %mul3A_649 = arith.muli %scan3A_301, %mul3A_648 : i32
      %add3A_650 = arith.constant 14 : i32
      %add3A_651 = arith.addi %mul3A_649, %add3A_650 : i32
      %get3A_652 = arith.index_cast %add3A_651 : i32 to index
      %get3A_653 = tpu.vector_load %arg8[%get3A_652] {strides = array<i32>} : memref<384xi32, #tpu.memory_space<vmem>>, vector<16xi32>,
      %get3A_654 = vector.shape_cast %get3A_653 : vector<16xi32> to vector<16xi32>
      %slice3A_655 = vector.extract_strided_slice %get3A_654 {offsets = [0], sizes = [1], strides = [1]} : vector<16xi32> to vector<1xi32>
      %squeeze3A_656 = vector.extract %slice3A_655[0] : i32 from vector<1xi32>
      %get3A_657 = arith.index_cast %squeeze3A_656 : i32 to index
      %get3A_658 = tpu.vector_load %arg12[%get3A_657] {strides = array<i32>} : memref<1152xi32, #tpu.memory_space<vmem>>, vector<16xi32>,
      %get3A_659 = vector.shape_cast %get3A_658 : vector<16xi32> to vector<16xi32>
      %slice3A_660 = vector.extract_strided_slice %get3A_659 {offsets = [0], sizes = [1], strides = [1]} : vector<16xi32> to vector<1xi32>
      %squeeze3A_661 = vector.extract %slice3A_660[0] : i32 from vector<1xi32>
      %get3A_662 = arith.index_cast %add3A_651 : i32 to index
      %get3A_663 = tpu.vector_load %arg10[%get3A_662] {strides = array<i32>} : memref<384xi32, #tpu.memory_space<vmem>>, vector<16xi32>,
      %get3A_664 = vector.shape_cast %get3A_663 : vector<16xi32> to vector<16xi32>
      %slice3A_665 = vector.extract_strided_slice %get3A_664 {offsets = [0], sizes = [1], strides = [1]} : vector<16xi32> to vector<1xi32>
      %squeeze3A_666 = vector.extract %slice3A_665[0] : i32 from vector<1xi32>
      %add3A_667 = arith.addi %squeeze3A_661, %squeeze3A_666 : i32
      %eq3A_668 = arith.constant 14 : i32
      %eq3A_669 = vector.broadcast %eq3A_668 : i32 to vector<16xi32>
      %eq3A_670 = arith.cmpi eq, %iota3A, %eq3A_669 : vector<16xi32>
      %broadcast_in_dim3A_671 = vector.broadcast %add3A_667 : i32 to vector<16xi32>
      %select_n3A_672 = arith.select %eq3A_670, %broadcast_in_dim3A_671, %select_n3A_647 : vector<16xi1>, vector<16xi32>
      %mul3A_673 = arith.constant 16 : i32
      %mul3A_674 = arith.muli %scan3A_301, %mul3A_673 : i32
      %add3A_675 = arith.constant 15 : i32
      %add3A_676 = arith.addi %mul3A_674, %add3A_675 : i32
      %get3A_677 = arith.index_cast %add3A_676 : i32 to index
      %get3A_678 = tpu.vector_load %arg8[%get3A_677] {strides = array<i32>} : memref<384xi32, #tpu.memory_space<vmem>>, vector<16xi32>,
      %get3A_679 = vector.shape_cast %get3A_678 : vector<16xi32> to vector<16xi32>
      %slice3A_680 = vector.extract_strided_slice %get3A_679 {offsets = [0], sizes = [1], strides = [1]} : vector<16xi32> to vector<1xi32>
      %squeeze3A_681 = vector.extract %slice3A_680[0] : i32 from vector<1xi32>
      %get3A_682 = arith.index_cast %squeeze3A_681 : i32 to index
      %get3A_683 = tpu.vector_load %arg12[%get3A_682] {strides = array<i32>} : memref<1152xi32, #tpu.memory_space<vmem>>, vector<16xi32>,
      %get3A_684 = vector.shape_cast %get3A_683 : vector<16xi32> to vector<16xi32>
      %slice3A_685 = vector.extract_strided_slice %get3A_684 {offsets = [0], sizes = [1], strides = [1]} : vector<16xi32> to vector<1xi32>
      %squeeze3A_686 = vector.extract %slice3A_685[0] : i32 from vector<1xi32>
      %get3A_687 = arith.index_cast %add3A_676 : i32 to index
      %get3A_688 = tpu.vector_load %arg10[%get3A_687] {strides = array<i32>} : memref<384xi32, #tpu.memory_space<vmem>>, vector<16xi32>,
      %get3A_689 = vector.shape_cast %get3A_688 : vector<16xi32> to vector<16xi32>
      %slice3A_690 = vector.extract_strided_slice %get3A_689 {offsets = [0], sizes = [1], strides = [1]} : vector<16xi32> to vector<1xi32>
      %squeeze3A_691 = vector.extract %slice3A_690[0] : i32 from vector<1xi32>
      %add3A_692 = arith.addi %squeeze3A_686, %squeeze3A_691 : i32
      %eq3A_693 = arith.constant 15 : i32
      %eq3A_694 = vector.broadcast %eq3A_693 : i32 to vector<16xi32>
      %eq3A_695 = arith.cmpi eq, %iota3A, %eq3A_694 : vector<16xi32>
      %broadcast_in_dim3A_696 = vector.broadcast %add3A_692 : i32 to vector<16xi32>
      %select_n3A_697 = arith.select %eq3A_695, %broadcast_in_dim3A_696, %select_n3A_672 : vector<16xi1>, vector<16xi32>
      %jit3A = arith.constant 8 : i32
      %div3A = arith.divsi %scan3A_301, %jit3A : i32
      %sign3A = arith.constant 0 : i32
      %sign3A_698 = arith.cmpi sgt, %scan3A_301, %sign3A : i32
      %sign3A_699 = arith.extui %sign3A_698 : i1 to i32
      %sign3A_700 = arith.constant 0 : i32
      %sign3A_701 = arith.cmpi slt, %scan3A_301, %sign3A_700 : i32
      %sign3A_702 = arith.extui %sign3A_701 : i1 to i32
      %sign3A_703 = arith.subi %sign3A_699, %sign3A_702 : i32
      %sign3A_704 = arith.constant 0 : i32
      %sign3A_705 = arith.cmpi sgt, %jit3A, %sign3A_704 : i32
      %sign3A_706 = arith.extui %sign3A_705 : i1 to i32
      %sign3A_707 = arith.constant 0 : i32
      %sign3A_708 = arith.cmpi slt, %jit3A, %sign3A_707 : i32
      %sign3A_709 = arith.extui %sign3A_708 : i1 to i32
      %sign3A_710 = arith.subi %sign3A_706, %sign3A_709 : i32
      %ne3A_711 = arith.cmpi ne, %sign3A_703, %sign3A_710 : i32
      %rem3A = arith.remsi %scan3A_301, %jit3A : i32
      %ne3A_712 = arith.constant 0 : i32
      %ne3A_713 = arith.cmpi ne, %rem3A, %ne3A_712 : i32
      %and3A = arith.andi %ne3A_711, %ne3A_713 : i1
      %sub3A = arith.constant 1 : i32
      %sub3A_714 = arith.subi %div3A, %sub3A : i32
      %select_n3A_715 = arith.select %and3A, %sub3A_714, %div3A : i32
      %jit3A_716 = arith.constant 8 : i32
      %eq3A_717 = arith.constant 0 : i32
      %eq3A_718 = arith.cmpi eq, %jit3A_716, %eq3A_717 : i32
      %jit3A_719 = arith.constant 1 : i32
      %select_n3A_720 = arith.select %eq3A_718, %jit3A_719, %jit3A_716 : i32
      %rem3A_721 = arith.remsi %scan3A_301, %select_n3A_720 : i32
      %ne3A_722 = arith.constant 0 : i32
      %ne3A_723 = arith.cmpi ne, %rem3A_721, %ne3A_722 : i32
      %lt3A = arith.constant 0 : i32
      %lt3A_724 = arith.cmpi slt, %rem3A_721, %lt3A : i32
      %lt3A_725 = arith.constant 0 : i32
      %lt3A_726 = arith.cmpi slt, %select_n3A_720, %lt3A_725 : i32
      %ne3A_727 = arith.xori %lt3A_724, %lt3A_726 : i1
      %and3A_728 = arith.andi %ne3A_727, %ne3A_723 : i1
      %add3A_729 = arith.addi %rem3A_721, %select_n3A_720 : i32
      %select_n3A_730 = arith.select %and3A_728, %add3A_729, %rem3A_721 : i32
      %mul3A_731 = arith.constant 16 : i32
      %mul3A_732 = arith.muli %select_n3A_730, %mul3A_731 : i32
      %swap3A_733 = arith.index_cast %select_n3A_715 : i32 to index
      %swap3A_734 = arith.index_cast %mul3A_732 : i32 to index
      %swap3A_735 = tpu.vector_load %arg15[%swap3A_733, %swap3A_734] {strides = array<i32>} : memref<2x128xi32, #tpu.memory_space<vmem>>, vector<1x16xi32>,
      %swap3A_736 = vector.shape_cast %swap3A_735 : vector<1x16xi32> to vector<16xi32>
      %swap3A_737 = vector.shape_cast %select_n3A_697 : vector<16xi32> to vector<1x16xi32>
      tpu.vector_store %arg15[%swap3A_733, %swap3A_734], %swap3A_737 {strides = array<i32>} : memref<2x128xi32, #tpu.memory_space<vmem>>, vector<1x16xi32>,
    }
    %scan3A_27 = arith.constant 16 : i32
    %iota3A_28 = tpu.iota {dimensions = array<i32: 0>} : vector<16xi32>
    %mul3A_29 = arith.constant 256 : i32
    %mul3A_30 = arith.muli %arg1, %mul3A_29 : i32
    %add3A = arith.constant 0 : i32
    %add3A_31 = arith.addi %mul3A_30, %add3A : i32
    %add3A_32 = arith.constant 0 : i32
    %add3A_33 = arith.addi %add3A_31, %add3A_32 : i32
    %add3A_34 = vector.broadcast %add3A_33 : i32 to vector<16xi32>
    %add3A_35 = arith.addi %iota3A_28, %add3A_34 : vector<16xi32>
    %swap3A = arith.constant 0 : i32
    %swap3A_36 = arith.index_cast %swap3A : i32 to index
    %swap3A_37 = arith.constant 0 : index
    %swap3A_38 = tpu.vector_load %arg16[%swap3A_36, %swap3A_37] {strides = array<i32>} : memref<2x128xi32, #tpu.memory_space<vmem>>, vector<1x16xi32>,
    %swap3A_39 = vector.shape_cast %swap3A_38 : vector<1x16xi32> to vector<16xi32>
    %swap3A_40 = vector.shape_cast %add3A_35 : vector<16xi32> to vector<1x16xi32>
    tpu.vector_store %arg16[%swap3A_36, %swap3A_37], %swap3A_40 {strides = array<i32>} : memref<2x128xi32, #tpu.memory_space<vmem>>, vector<1x16xi32>,
    %iota3A_41 = tpu.iota {dimensions = array<i32: 0>} : vector<16xi32>
    %mul3A_42 = arith.constant 256 : i32
    %mul3A_43 = arith.muli %arg1, %mul3A_42 : i32
    %add3A_44 = arith.constant 0 : i32
    %add3A_45 = arith.addi %mul3A_43, %add3A_44 : i32
    %add3A_46 = arith.constant 16 : i32
    %add3A_47 = arith.addi %add3A_45, %add3A_46 : i32
    %add3A_48 = vector.broadcast %add3A_47 : i32 to vector<16xi32>
    %add3A_49 = arith.addi %iota3A_41, %add3A_48 : vector<16xi32>
    %swap3A_50 = arith.constant 0 : i32
    %swap3A_51 = arith.index_cast %swap3A_50 : i32 to index
    %swap3A_52 = arith.constant 16 : index
    %swap3A_53 = tpu.vector_load %arg16[%swap3A_51, %swap3A_52] {strides = array<i32>} : memref<2x128xi32, #tpu.memory_space<vmem>>, vector<1x16xi32>,
    %swap3A_54 = vector.shape_cast %swap3A_53 : vector<1x16xi32> to vector<16xi32>
    %swap3A_55 = vector.shape_cast %add3A_49 : vector<16xi32> to vector<1x16xi32>
    tpu.vector_store %arg16[%swap3A_51, %swap3A_52], %swap3A_55 {strides = array<i32>} : memref<2x128xi32, #tpu.memory_space<vmem>>, vector<1x16xi32>,
    %iota3A_56 = tpu.iota {dimensions = array<i32: 0>} : vector<16xi32>
    %mul3A_57 = arith.constant 256 : i32
    %mul3A_58 = arith.muli %arg1, %mul3A_57 : i32
    %add3A_59 = arith.constant 0 : i32
    %add3A_60 = arith.addi %mul3A_58, %add3A_59 : i32
    %add3A_61 = arith.constant 32 : i32
    %add3A_62 = arith.addi %add3A_60, %add3A_61 : i32
    %add3A_63 = vector.broadcast %add3A_62 : i32 to vector<16xi32>
    %add3A_64 = arith.addi %iota3A_56, %add3A_63 : vector<16xi32>
    %swap3A_65 = arith.constant 0 : i32
    %swap3A_66 = arith.index_cast %swap3A_65 : i32 to index
    %swap3A_67 = arith.constant 32 : index
    %swap3A_68 = tpu.vector_load %arg16[%swap3A_66, %swap3A_67] {strides = array<i32>} : memref<2x128xi32, #tpu.memory_space<vmem>>, vector<1x16xi32>,
    %swap3A_69 = vector.shape_cast %swap3A_68 : vector<1x16xi32> to vector<16xi32>
    %swap3A_70 = vector.shape_cast %add3A_64 : vector<16xi32> to vector<1x16xi32>
    tpu.vector_store %arg16[%swap3A_66, %swap3A_67], %swap3A_70 {strides = array<i32>} : memref<2x128xi32, #tpu.memory_space<vmem>>, vector<1x16xi32>,
    %iota3A_71 = tpu.iota {dimensions = array<i32: 0>} : vector<16xi32>
    %mul3A_72 = arith.constant 256 : i32
    %mul3A_73 = arith.muli %arg1, %mul3A_72 : i32
    %add3A_74 = arith.constant 0 : i32
    %add3A_75 = arith.addi %mul3A_73, %add3A_74 : i32
    %add3A_76 = arith.constant 48 : i32
    %add3A_77 = arith.addi %add3A_75, %add3A_76 : i32
    %add3A_78 = vector.broadcast %add3A_77 : i32 to vector<16xi32>
    %add3A_79 = arith.addi %iota3A_71, %add3A_78 : vector<16xi32>
    %swap3A_80 = arith.constant 0 : i32
    %swap3A_81 = arith.index_cast %swap3A_80 : i32 to index
    %swap3A_82 = arith.constant 48 : index
    %swap3A_83 = tpu.vector_load %arg16[%swap3A_81, %swap3A_82] {strides = array<i32>} : memref<2x128xi32, #tpu.memory_space<vmem>>, vector<1x16xi32>,
    %swap3A_84 = vector.shape_cast %swap3A_83 : vector<1x16xi32> to vector<16xi32>
    %swap3A_85 = vector.shape_cast %add3A_79 : vector<16xi32> to vector<1x16xi32>
    tpu.vector_store %arg16[%swap3A_81, %swap3A_82], %swap3A_85 {strides = array<i32>} : memref<2x128xi32, #tpu.memory_space<vmem>>, vector<1x16xi32>,
    %iota3A_86 = tpu.iota {dimensions = array<i32: 0>} : vector<16xi32>
    %mul3A_87 = arith.constant 256 : i32
    %mul3A_88 = arith.muli %arg1, %mul3A_87 : i32
    %add3A_89 = arith.constant 0 : i32
    %add3A_90 = arith.addi %mul3A_88, %add3A_89 : i32
    %add3A_91 = arith.constant 64 : i32
    %add3A_92 = arith.addi %add3A_90, %add3A_91 : i32
    %add3A_93 = vector.broadcast %add3A_92 : i32 to vector<16xi32>
    %add3A_94 = arith.addi %iota3A_86, %add3A_93 : vector<16xi32>
    %swap3A_95 = arith.constant 0 : i32
    %swap3A_96 = arith.index_cast %swap3A_95 : i32 to index
    %swap3A_97 = arith.constant 64 : index
    %swap3A_98 = tpu.vector_load %arg16[%swap3A_96, %swap3A_97] {strides = array<i32>} : memref<2x128xi32, #tpu.memory_space<vmem>>, vector<1x16xi32>,
    %swap3A_99 = vector.shape_cast %swap3A_98 : vector<1x16xi32> to vector<16xi32>
    %swap3A_100 = vector.shape_cast %add3A_94 : vector<16xi32> to vector<1x16xi32>
    tpu.vector_store %arg16[%swap3A_96, %swap3A_97], %swap3A_100 {strides = array<i32>} : memref<2x128xi32, #tpu.memory_space<vmem>>, vector<1x16xi32>,
    %iota3A_101 = tpu.iota {dimensions = array<i32: 0>} : vector<16xi32>
    %mul3A_102 = arith.constant 256 : i32
    %mul3A_103 = arith.muli %arg1, %mul3A_102 : i32
    %add3A_104 = arith.constant 0 : i32
    %add3A_105 = arith.addi %mul3A_103, %add3A_104 : i32
    %add3A_106 = arith.constant 80 : i32
    %add3A_107 = arith.addi %add3A_105, %add3A_106 : i32
    %add3A_108 = vector.broadcast %add3A_107 : i32 to vector<16xi32>
    %add3A_109 = arith.addi %iota3A_101, %add3A_108 : vector<16xi32>
    %swap3A_110 = arith.constant 0 : i32
    %swap3A_111 = arith.index_cast %swap3A_110 : i32 to index
    %swap3A_112 = arith.constant 80 : index
    %swap3A_113 = tpu.vector_load %arg16[%swap3A_111, %swap3A_112] {strides = array<i32>} : memref<2x128xi32, #tpu.memory_space<vmem>>, vector<1x16xi32>,
    %swap3A_114 = vector.shape_cast %swap3A_113 : vector<1x16xi32> to vector<16xi32>
    %swap3A_115 = vector.shape_cast %add3A_109 : vector<16xi32> to vector<1x16xi32>
    tpu.vector_store %arg16[%swap3A_111, %swap3A_112], %swap3A_115 {strides = array<i32>} : memref<2x128xi32, #tpu.memory_space<vmem>>, vector<1x16xi32>,
    %iota3A_116 = tpu.iota {dimensions = array<i32: 0>} : vector<16xi32>
    %mul3A_117 = arith.constant 256 : i32
    %mul3A_118 = arith.muli %arg1, %mul3A_117 : i32
    %add3A_119 = arith.constant 0 : i32
    %add3A_120 = arith.addi %mul3A_118, %add3A_119 : i32
    %add3A_121 = arith.constant 96 : i32
    %add3A_122 = arith.addi %add3A_120, %add3A_121 : i32
    %add3A_123 = vector.broadcast %add3A_122 : i32 to vector<16xi32>
    %add3A_124 = arith.addi %iota3A_116, %add3A_123 : vector<16xi32>
    %swap3A_125 = arith.constant 0 : i32
    %swap3A_126 = arith.index_cast %swap3A_125 : i32 to index
    %swap3A_127 = arith.constant 96 : index
    %swap3A_128 = tpu.vector_load %arg16[%swap3A_126, %swap3A_127] {strides = array<i32>} : memref<2x128xi32, #tpu.memory_space<vmem>>, vector<1x16xi32>,
    %swap3A_129 = vector.shape_cast %swap3A_128 : vector<1x16xi32> to vector<16xi32>
    %swap3A_130 = vector.shape_cast %add3A_124 : vector<16xi32> to vector<1x16xi32>
    tpu.vector_store %arg16[%swap3A_126, %swap3A_127], %swap3A_130 {strides = array<i32>} : memref<2x128xi32, #tpu.memory_space<vmem>>, vector<1x16xi32>,
    %iota3A_131 = tpu.iota {dimensions = array<i32: 0>} : vector<16xi32>
    %mul3A_132 = arith.constant 256 : i32
    %mul3A_133 = arith.muli %arg1, %mul3A_132 : i32
    %add3A_134 = arith.constant 0 : i32
    %add3A_135 = arith.addi %mul3A_133, %add3A_134 : i32
    %add3A_136 = arith.constant 112 : i32
    %add3A_137 = arith.addi %add3A_135, %add3A_136 : i32
    %add3A_138 = vector.broadcast %add3A_137 : i32 to vector<16xi32>
    %add3A_139 = arith.addi %iota3A_131, %add3A_138 : vector<16xi32>
    %swap3A_140 = arith.constant 0 : i32
    %swap3A_141 = arith.index_cast %swap3A_140 : i32 to index
    %swap3A_142 = arith.constant 112 : index
    %swap3A_143 = tpu.vector_load %arg16[%swap3A_141, %swap3A_142] {strides = array<i32>} : memref<2x128xi32, #tpu.memory_space<vmem>>, vector<1x16xi32>,
    %swap3A_144 = vector.shape_cast %swap3A_143 : vector<1x16xi32> to vector<16xi32>
    %swap3A_145 = vector.shape_cast %add3A_139 : vector<16xi32> to vector<1x16xi32>
    tpu.vector_store %arg16[%swap3A_141, %swap3A_142], %swap3A_145 {strides = array<i32>} : memref<2x128xi32, #tpu.memory_space<vmem>>, vector<1x16xi32>,
    %iota3A_146 = tpu.iota {dimensions = array<i32: 0>} : vector<16xi32>
    %mul3A_147 = arith.constant 256 : i32
    %mul3A_148 = arith.muli %arg1, %mul3A_147 : i32
    %add3A_149 = arith.constant 128 : i32
    %add3A_150 = arith.addi %mul3A_148, %add3A_149 : i32
    %add3A_151 = arith.constant 0 : i32
    %add3A_152 = arith.addi %add3A_150, %add3A_151 : i32
    %add3A_153 = vector.broadcast %add3A_152 : i32 to vector<16xi32>
    %add3A_154 = arith.addi %iota3A_146, %add3A_153 : vector<16xi32>
    %swap3A_155 = arith.constant 1 : i32
    %swap3A_156 = arith.index_cast %swap3A_155 : i32 to index
    %swap3A_157 = arith.constant 0 : index
    %swap3A_158 = tpu.vector_load %arg16[%swap3A_156, %swap3A_157] {strides = array<i32>} : memref<2x128xi32, #tpu.memory_space<vmem>>, vector<1x16xi32>,
    %swap3A_159 = vector.shape_cast %swap3A_158 : vector<1x16xi32> to vector<16xi32>
    %swap3A_160 = vector.shape_cast %add3A_154 : vector<16xi32> to vector<1x16xi32>
    tpu.vector_store %arg16[%swap3A_156, %swap3A_157], %swap3A_160 {strides = array<i32>} : memref<2x128xi32, #tpu.memory_space<vmem>>, vector<1x16xi32>,
    %iota3A_161 = tpu.iota {dimensions = array<i32: 0>} : vector<16xi32>
    %mul3A_162 = arith.constant 256 : i32
    %mul3A_163 = arith.muli %arg1, %mul3A_162 : i32
    %add3A_164 = arith.constant 128 : i32
    %add3A_165 = arith.addi %mul3A_163, %add3A_164 : i32
    %add3A_166 = arith.constant 16 : i32
    %add3A_167 = arith.addi %add3A_165, %add3A_166 : i32
    %add3A_168 = vector.broadcast %add3A_167 : i32 to vector<16xi32>
    %add3A_169 = arith.addi %iota3A_161, %add3A_168 : vector<16xi32>
    %swap3A_170 = arith.constant 1 : i32
    %swap3A_171 = arith.index_cast %swap3A_170 : i32 to index
    %swap3A_172 = arith.constant 16 : index
    %swap3A_173 = tpu.vector_load %arg16[%swap3A_171, %swap3A_172] {strides = array<i32>} : memref<2x128xi32, #tpu.memory_space<vmem>>, vector<1x16xi32>,
    %swap3A_174 = vector.shape_cast %swap3A_173 : vector<1x16xi32> to vector<16xi32>
    %swap3A_175 = vector.shape_cast %add3A_169 : vector<16xi32> to vector<1x16xi32>
    tpu.vector_store %arg16[%swap3A_171, %swap3A_172], %swap3A_175 {strides = array<i32>} : memref<2x128xi32, #tpu.memory_space<vmem>>, vector<1x16xi32>,
    %iota3A_176 = tpu.iota {dimensions = array<i32: 0>} : vector<16xi32>
    %mul3A_177 = arith.constant 256 : i32
    %mul3A_178 = arith.muli %arg1, %mul3A_177 : i32
    %add3A_179 = arith.constant 128 : i32
    %add3A_180 = arith.addi %mul3A_178, %add3A_179 : i32
    %add3A_181 = arith.constant 32 : i32
    %add3A_182 = arith.addi %add3A_180, %add3A_181 : i32
    %add3A_183 = vector.broadcast %add3A_182 : i32 to vector<16xi32>
    %add3A_184 = arith.addi %iota3A_176, %add3A_183 : vector<16xi32>
    %swap3A_185 = arith.constant 1 : i32
    %swap3A_186 = arith.index_cast %swap3A_185 : i32 to index
    %swap3A_187 = arith.constant 32 : index
    %swap3A_188 = tpu.vector_load %arg16[%swap3A_186, %swap3A_187] {strides = array<i32>} : memref<2x128xi32, #tpu.memory_space<vmem>>, vector<1x16xi32>,
    %swap3A_189 = vector.shape_cast %swap3A_188 : vector<1x16xi32> to vector<16xi32>
    %swap3A_190 = vector.shape_cast %add3A_184 : vector<16xi32> to vector<1x16xi32>
    tpu.vector_store %arg16[%swap3A_186, %swap3A_187], %swap3A_190 {strides = array<i32>} : memref<2x128xi32, #tpu.memory_space<vmem>>, vector<1x16xi32>,
    %iota3A_191 = tpu.iota {dimensions = array<i32: 0>} : vector<16xi32>
    %mul3A_192 = arith.constant 256 : i32
    %mul3A_193 = arith.muli %arg1, %mul3A_192 : i32
    %add3A_194 = arith.constant 128 : i32
    %add3A_195 = arith.addi %mul3A_193, %add3A_194 : i32
    %add3A_196 = arith.constant 48 : i32
    %add3A_197 = arith.addi %add3A_195, %add3A_196 : i32
    %add3A_198 = vector.broadcast %add3A_197 : i32 to vector<16xi32>
    %add3A_199 = arith.addi %iota3A_191, %add3A_198 : vector<16xi32>
    %swap3A_200 = arith.constant 1 : i32
    %swap3A_201 = arith.index_cast %swap3A_200 : i32 to index
    %swap3A_202 = arith.constant 48 : index
    %swap3A_203 = tpu.vector_load %arg16[%swap3A_201, %swap3A_202] {strides = array<i32>} : memref<2x128xi32, #tpu.memory_space<vmem>>, vector<1x16xi32>,
    %swap3A_204 = vector.shape_cast %swap3A_203 : vector<1x16xi32> to vector<16xi32>
    %swap3A_205 = vector.shape_cast %add3A_199 : vector<16xi32> to vector<1x16xi32>
    tpu.vector_store %arg16[%swap3A_201, %swap3A_202], %swap3A_205 {strides = array<i32>} : memref<2x128xi32, #tpu.memory_space<vmem>>, vector<1x16xi32>,
    %iota3A_206 = tpu.iota {dimensions = array<i32: 0>} : vector<16xi32>
    %mul3A_207 = arith.constant 256 : i32
    %mul3A_208 = arith.muli %arg1, %mul3A_207 : i32
    %add3A_209 = arith.constant 128 : i32
    %add3A_210 = arith.addi %mul3A_208, %add3A_209 : i32
    %add3A_211 = arith.constant 64 : i32
    %add3A_212 = arith.addi %add3A_210, %add3A_211 : i32
    %add3A_213 = vector.broadcast %add3A_212 : i32 to vector<16xi32>
    %add3A_214 = arith.addi %iota3A_206, %add3A_213 : vector<16xi32>
    %swap3A_215 = arith.constant 1 : i32
    %swap3A_216 = arith.index_cast %swap3A_215 : i32 to index
    %swap3A_217 = arith.constant 64 : index
    %swap3A_218 = tpu.vector_load %arg16[%swap3A_216, %swap3A_217] {strides = array<i32>} : memref<2x128xi32, #tpu.memory_space<vmem>>, vector<1x16xi32>,
    %swap3A_219 = vector.shape_cast %swap3A_218 : vector<1x16xi32> to vector<16xi32>
    %swap3A_220 = vector.shape_cast %add3A_214 : vector<16xi32> to vector<1x16xi32>
    tpu.vector_store %arg16[%swap3A_216, %swap3A_217], %swap3A_220 {strides = array<i32>} : memref<2x128xi32, #tpu.memory_space<vmem>>, vector<1x16xi32>,
    %iota3A_221 = tpu.iota {dimensions = array<i32: 0>} : vector<16xi32>
    %mul3A_222 = arith.constant 256 : i32
    %mul3A_223 = arith.muli %arg1, %mul3A_222 : i32
    %add3A_224 = arith.constant 128 : i32
    %add3A_225 = arith.addi %mul3A_223, %add3A_224 : i32
    %add3A_226 = arith.constant 80 : i32
    %add3A_227 = arith.addi %add3A_225, %add3A_226 : i32
    %add3A_228 = vector.broadcast %add3A_227 : i32 to vector<16xi32>
    %add3A_229 = arith.addi %iota3A_221, %add3A_228 : vector<16xi32>
    %swap3A_230 = arith.constant 1 : i32
    %swap3A_231 = arith.index_cast %swap3A_230 : i32 to index
    %swap3A_232 = arith.constant 80 : index
    %swap3A_233 = tpu.vector_load %arg16[%swap3A_231, %swap3A_232] {strides = array<i32>} : memref<2x128xi32, #tpu.memory_space<vmem>>, vector<1x16xi32>,
    %swap3A_234 = vector.shape_cast %swap3A_233 : vector<1x16xi32> to vector<16xi32>
    %swap3A_235 = vector.shape_cast %add3A_229 : vector<16xi32> to vector<1x16xi32>
    tpu.vector_store %arg16[%swap3A_231, %swap3A_232], %swap3A_235 {strides = array<i32>} : memref<2x128xi32, #tpu.memory_space<vmem>>, vector<1x16xi32>,
    %iota3A_236 = tpu.iota {dimensions = array<i32: 0>} : vector<16xi32>
    %mul3A_237 = arith.constant 256 : i32
    %mul3A_238 = arith.muli %arg1, %mul3A_237 : i32
    %add3A_239 = arith.constant 128 : i32
    %add3A_240 = arith.addi %mul3A_238, %add3A_239 : i32
    %add3A_241 = arith.constant 96 : i32
    %add3A_242 = arith.addi %add3A_240, %add3A_241 : i32
    %add3A_243 = vector.broadcast %add3A_242 : i32 to vector<16xi32>
    %add3A_244 = arith.addi %iota3A_236, %add3A_243 : vector<16xi32>
    %swap3A_245 = arith.constant 1 : i32
    %swap3A_246 = arith.index_cast %swap3A_245 : i32 to index
    %swap3A_247 = arith.constant 96 : index
    %swap3A_248 = tpu.vector_load %arg16[%swap3A_246, %swap3A_247] {strides = array<i32>} : memref<2x128xi32, #tpu.memory_space<vmem>>, vector<1x16xi32>,
    %swap3A_249 = vector.shape_cast %swap3A_248 : vector<1x16xi32> to vector<16xi32>
    %swap3A_250 = vector.shape_cast %add3A_244 : vector<16xi32> to vector<1x16xi32>
    tpu.vector_store %arg16[%swap3A_246, %swap3A_247], %swap3A_250 {strides = array<i32>} : memref<2x128xi32, #tpu.memory_space<vmem>>, vector<1x16xi32>,
    %iota3A_251 = tpu.iota {dimensions = array<i32: 0>} : vector<16xi32>
    %mul3A_252 = arith.constant 256 : i32
    %mul3A_253 = arith.muli %arg1, %mul3A_252 : i32
    %add3A_254 = arith.constant 128 : i32
    %add3A_255 = arith.addi %mul3A_253, %add3A_254 : i32
    %add3A_256 = arith.constant 112 : i32
    %add3A_257 = arith.addi %add3A_255, %add3A_256 : i32
    %add3A_258 = vector.broadcast %add3A_257 : i32 to vector<16xi32>
    %add3A_259 = arith.addi %iota3A_251, %add3A_258 : vector<16xi32>
    %swap3A_260 = arith.constant 1 : i32
    %swap3A_261 = arith.index_cast %swap3A_260 : i32 to index
    %swap3A_262 = arith.constant 112 : index
    %swap3A_263 = tpu.vector_load %arg16[%swap3A_261, %swap3A_262] {strides = array<i32>} : memref<2x128xi32, #tpu.memory_space<vmem>>, vector<1x16xi32>,
    %swap3A_264 = vector.shape_cast %swap3A_263 : vector<1x16xi32> to vector<16xi32>
    %swap3A_265 = vector.shape_cast %add3A_259 : vector<16xi32> to vector<1x16xi32>
    tpu.vector_store %arg16[%swap3A_261, %swap3A_262], %swap3A_265 {strides = array<i32>} : memref<2x128xi32, #tpu.memory_space<vmem>>, vector<1x16xi32>,
    %run_scoped3A = arith.constant 0 : i32
    %run_scoped3A_266 = arith.constant 0 : i32
    "tpu.region"() ({
      %run_scoped3A_301 = tpu.sem_alloc : memref<!tpu.dma_semaphore, #tpu.memory_space<semaphore_mem>>
      %dma_start3A = arith.constant 0 : i32
      %dma_start3A_302 = tpu.memref_slice %arg16[%run_scoped3A, %dma_start3A] : memref<2x128xi32, #tpu.memory_space<vmem>> -> memref<1x128xi32, #tpu.memory_space<vmem>>
      %dma_start3A_303 = tpu.memref_squeeze %dma_start3A_302 : memref<1x128xi32, #tpu.memory_space<vmem>> -> memref<128xi32, #tpu.memory_space<vmem>>
      %dma_start3A_304 = arith.constant 0 : i32
      %dma_start3A_305 = tpu.memref_slice %arg15[%run_scoped3A_266, %dma_start3A_304] : memref<2x128xi32, #tpu.memory_space<vmem>> -> memref<1x128xi32, #tpu.memory_space<vmem>>
      %dma_start3A_306 = tpu.memref_squeeze %dma_start3A_305 : memref<1x128xi32, #tpu.memory_space<vmem>> -> memref<128xi32, #tpu.memory_space<vmem>>
      %dma_start3A_307 = arith.constant 0 : i32
      %dma_start3A_308 = tpu.memref_slice %arg7[%dma_start3A_307] : memref<4224xi32, #tpu.memory_space<vmem_shared>> -> memref<4224xi32, #tpu.memory_space<vmem_shared>>
      tpu.enqueue_indirect_dma source(%dma_start3A_303 : memref<128xi32, #tpu.memory_space<vmem>>) target(%dma_start3A_308 : memref<4224xi32, #tpu.memory_space<vmem_shared>>) offsets(%dma_start3A_306 : memref<128xi32, #tpu.memory_space<vmem>>) semaphore(%run_scoped3A_301 : memref<!tpu.dma_semaphore, #tpu.memory_space<semaphore_mem>>)
      %dma_wait3A = arith.constant 0 : i32
      %dma_wait3A_309 = tpu.memref_slice %arg16[%run_scoped3A, %dma_wait3A] : memref<2x128xi32, #tpu.memory_space<vmem>> -> memref<1x128xi32, #tpu.memory_space<vmem>>
      %dma_wait3A_310 = tpu.memref_squeeze %dma_wait3A_309 : memref<1x128xi32, #tpu.memory_space<vmem>> -> memref<128xi32, #tpu.memory_space<vmem>>
      %dma_wait3A_311 = arith.constant 0 : i32
      %dma_wait3A_312 = tpu.memref_slice %arg15[%run_scoped3A_266, %dma_wait3A_311] : memref<2x128xi32, #tpu.memory_space<vmem>> -> memref<1x128xi32, #tpu.memory_space<vmem>>
      %dma_wait3A_313 = tpu.memref_squeeze %dma_wait3A_312 : memref<1x128xi32, #tpu.memory_space<vmem>> -> memref<128xi32, #tpu.memory_space<vmem>>
      %dma_wait3A_314 = arith.constant 0 : i32
      %dma_wait3A_315 = tpu.memref_slice %arg7[%dma_wait3A_314] : memref<4224xi32, #tpu.memory_space<vmem_shared>> -> memref<4224xi32, #tpu.memory_space<vmem_shared>>
      tpu.wait_indirect_dma semaphore(%run_scoped3A_301 : memref<!tpu.dma_semaphore, #tpu.memory_space<semaphore_mem>>) src(%dma_wait3A_310 : memref<128xi32, #tpu.memory_space<vmem>>) dst(%dma_wait3A_315 : memref<4224xi32, #tpu.memory_space<vmem_shared>>)
      tpu.yield
    }) : () -> ()
    %run_scoped3A_267 = arith.constant 1 : i32
    %run_scoped3A_268 = arith.constant 1 : i32
    "tpu.region"() ({
      %run_scoped3A_301 = tpu.sem_alloc : memref<!tpu.dma_semaphore, #tpu.memory_space<semaphore_mem>>
      %dma_start3A = arith.constant 0 : i32
      %dma_start3A_302 = tpu.memref_slice %arg16[%run_scoped3A_267, %dma_start3A] : memref<2x128xi32, #tpu.memory_space<vmem>> -> memref<1x128xi32, #tpu.memory_space<vmem>>
      %dma_start3A_303 = tpu.memref_squeeze %dma_start3A_302 : memref<1x128xi32, #tpu.memory_space<vmem>> -> memref<128xi32, #tpu.memory_space<vmem>>
      %dma_start3A_304 = arith.constant 0 : i32
      %dma_start3A_305 = tpu.memref_slice %arg15[%run_scoped3A_268, %dma_start3A_304] : memref<2x128xi32, #tpu.memory_space<vmem>> -> memref<1x128xi32, #tpu.memory_space<vmem>>
      %dma_start3A_306 = tpu.memref_squeeze %dma_start3A_305 : memref<1x128xi32, #tpu.memory_space<vmem>> -> memref<128xi32, #tpu.memory_space<vmem>>
      %dma_start3A_307 = arith.constant 0 : i32
      %dma_start3A_308 = tpu.memref_slice %arg7[%dma_start3A_307] : memref<4224xi32, #tpu.memory_space<vmem_shared>> -> memref<4224xi32, #tpu.memory_space<vmem_shared>>
      tpu.enqueue_indirect_dma source(%dma_start3A_303 : memref<128xi32, #tpu.memory_space<vmem>>) target(%dma_start3A_308 : memref<4224xi32, #tpu.memory_space<vmem_shared>>) offsets(%dma_start3A_306 : memref<128xi32, #tpu.memory_space<vmem>>) semaphore(%run_scoped3A_301 : memref<!tpu.dma_semaphore, #tpu.memory_space<semaphore_mem>>)
      %dma_wait3A = arith.constant 0 : i32
      %dma_wait3A_309 = tpu.memref_slice %arg16[%run_scoped3A_267, %dma_wait3A] : memref<2x128xi32, #tpu.memory_space<vmem>> -> memref<1x128xi32, #tpu.memory_space<vmem>>
      %dma_wait3A_310 = tpu.memref_squeeze %dma_wait3A_309 : memref<1x128xi32, #tpu.memory_space<vmem>> -> memref<128xi32, #tpu.memory_space<vmem>>
      %dma_wait3A_311 = arith.constant 0 : i32
      %dma_wait3A_312 = tpu.memref_slice %arg15[%run_scoped3A_268, %dma_wait3A_311] : memref<2x128xi32, #tpu.memory_space<vmem>> -> memref<1x128xi32, #tpu.memory_space<vmem>>
      %dma_wait3A_313 = tpu.memref_squeeze %dma_wait3A_312 : memref<1x128xi32, #tpu.memory_space<vmem>> -> memref<128xi32, #tpu.memory_space<vmem>>
      %dma_wait3A_314 = arith.constant 0 : i32
      %dma_wait3A_315 = tpu.memref_slice %arg7[%dma_wait3A_314] : memref<4224xi32, #tpu.memory_space<vmem_shared>> -> memref<4224xi32, #tpu.memory_space<vmem_shared>>
      tpu.wait_indirect_dma semaphore(%run_scoped3A_301 : memref<!tpu.dma_semaphore, #tpu.memory_space<semaphore_mem>>) src(%dma_wait3A_310 : memref<128xi32, #tpu.memory_space<vmem>>) dst(%dma_wait3A_315 : memref<4224xi32, #tpu.memory_space<vmem_shared>>)
      tpu.yield
    }) : () -> ()
    %barrier3A_269 = arith.constant 0 : index
    tpu.barrier barrier_id(%barrier3A_269)
    %mul3A_270 = arith.constant 512 : i32
    %mul3A_271 = arith.muli %arg0, %mul3A_270 : i32
    %mul3A_272 = arith.constant 32 : i32
    %mul3A_273 = arith.muli %arg1, %mul3A_272 : i32
    %add3A_274 = arith.addi %mul3A_271, %mul3A_273 : i32
    %ne3A = arith.constant 992 : i32
    %ne3A_275 = arith.cmpi ne, %add3A_274, %ne3A : i32
    %convert_element_type3A_276 = arith.extui %ne3A_275 : i1 to i32
    %cond3A_277 = arith.constant 0 : i32
    %cond3A_278 = arith.cmpi ne, %convert_element_type3A_276, %cond3A_277 : i32
    scf.if %cond3A_278 {
      "tpu.region"() ({
        %run_scoped3A_301 = tpu.sem_alloc : memref<!tpu.dma_semaphore, #tpu.memory_space<semaphore_mem>>
        %dma_start3A = arith.constant 0 : i32
        %dma_start3A_302 = tpu.memref_slice %arg4[%add3A_274, %dma_start3A] : memref<1000x128xf32, #tpu.memory_space<hbm>> -> memref<32x128xf32, #tpu.memory_space<hbm>>
        %dma_start3A_303 = arith.constant 0 : i32
        %dma_start3A_304 = tpu.memref_slice %arg4[%add3A_274, %dma_start3A_303] : memref<1000x128xf32, #tpu.memory_space<hbm>> -> memref<32x128xf32, #tpu.memory_space<hbm>>
        tpu.enqueue_dma source(%dma_start3A_304 : memref<32x128xf32, #tpu.memory_space<hbm>>) target(%arg19 : memref<32x128xf32, #tpu.memory_space<vmem>>) target_semaphore(%run_scoped3A_301 : memref<!tpu.dma_semaphore, #tpu.memory_space<semaphore_mem>>)
        %dma_wait3A = arith.constant 0 : i32
        %dma_wait3A_305 = tpu.memref_slice %arg4[%add3A_274, %dma_wait3A] : memref<1000x128xf32, #tpu.memory_space<hbm>> -> memref<32x128xf32, #tpu.memory_space<hbm>>
        %dma_wait3A_306 = arith.constant 0 : i32
        %dma_wait3A_307 = tpu.memref_slice %arg4[%add3A_274, %dma_wait3A_306] : memref<1000x128xf32, #tpu.memory_space<hbm>> -> memref<32x128xf32, #tpu.memory_space<hbm>>
        tpu.wait_dma2 semaphore(%run_scoped3A_301 : memref<!tpu.dma_semaphore, #tpu.memory_space<semaphore_mem>>) src(%dma_wait3A_307 : memref<32x128xf32, #tpu.memory_space<hbm>>) dst(%arg19 : memref<32x128xf32, #tpu.memory_space<vmem>>)
        tpu.yield
      }) : () -> ()
    } else {
    }
    %eq3A_279 = arith.constant 992 : i32
    %eq3A_280 = arith.cmpi eq, %add3A_274, %eq3A_279 : i32
    %convert_element_type3A_281 = arith.extui %eq3A_280 : i1 to i32
    %cond3A_282 = arith.constant 0 : i32
    %cond3A_283 = arith.cmpi ne, %convert_element_type3A_281, %cond3A_282 : i32
    scf.if %cond3A_283 {
      "tpu.region"() ({
        %run_scoped3A_301 = tpu.sem_alloc : memref<!tpu.dma_semaphore, #tpu.memory_space<semaphore_mem>>
        %dma_start3A = arith.constant 0 : i32
        %dma_start3A_302 = arith.constant 0 : i32
        %dma_start3A_303 = tpu.memref_slice %arg19[%dma_start3A, %dma_start3A_302] : memref<32x128xf32, #tpu.memory_space<vmem>> -> memref<8x128xf32, #tpu.memory_space<vmem>>
        %dma_start3A_304 = arith.constant 992 : i32
        %dma_start3A_305 = arith.constant 0 : i32
        %dma_start3A_306 = tpu.memref_slice %arg4[%dma_start3A_304, %dma_start3A_305] : memref<1000x128xf32, #tpu.memory_space<hbm>> -> memref<8x128xf32, #tpu.memory_space<hbm>>
        %dma_start3A_307 = arith.constant 0 : i32
        %dma_start3A_308 = arith.constant 0 : i32
        %dma_start3A_309 = tpu.memref_slice %arg19[%dma_start3A_307, %dma_start3A_308] : memref<32x128xf32, #tpu.memory_space<vmem>> -> memref<8x128xf32, #tpu.memory_space<vmem>>
        %dma_start3A_310 = arith.constant 992 : i32
        %dma_start3A_311 = arith.constant 0 : i32
        %dma_start3A_312 = tpu.memref_slice %arg4[%dma_start3A_310, %dma_start3A_311] : memref<1000x128xf32, #tpu.memory_space<hbm>> -> memref<8x128xf32, #tpu.memory_space<hbm>>
        tpu.enqueue_dma source(%dma_start3A_312 : memref<8x128xf32, #tpu.memory_space<hbm>>) target(%dma_start3A_309 : memref<8x128xf32, #tpu.memory_space<vmem>>) target_semaphore(%run_scoped3A_301 : memref<!tpu.dma_semaphore, #tpu.memory_space<semaphore_mem>>)
        %dma_wait3A = arith.constant 0 : i32
        %dma_wait3A_313 = arith.constant 0 : i32
        %dma_wait3A_314 = tpu.memref_slice %arg19[%dma_wait3A, %dma_wait3A_313] : memref<32x128xf32, #tpu.memory_space<vmem>> -> memref<8x128xf32, #tpu.memory_space<vmem>>
        %dma_wait3A_315 = arith.constant 992 : i32
        %dma_wait3A_316 = arith.constant 0 : i32
        %dma_wait3A_317 = tpu.memref_slice %arg4[%dma_wait3A_315, %dma_wait3A_316] : memref<1000x128xf32, #tpu.memory_space<hbm>> -> memref<8x128xf32, #tpu.memory_space<hbm>>
        %dma_wait3A_318 = arith.constant 0 : i32
        %dma_wait3A_319 = arith.constant 0 : i32
        %dma_wait3A_320 = tpu.memref_slice %arg19[%dma_wait3A_318, %dma_wait3A_319] : memref<32x128xf32, #tpu.memory_space<vmem>> -> memref<8x128xf32, #tpu.memory_space<vmem>>
        %dma_wait3A_321 = arith.constant 992 : i32
        %dma_wait3A_322 = arith.constant 0 : i32
        %dma_wait3A_323 = tpu.memref_slice %arg4[%dma_wait3A_321, %dma_wait3A_322] : memref<1000x128xf32, #tpu.memory_space<hbm>> -> memref<8x128xf32, #tpu.memory_space<hbm>>
        tpu.wait_dma2 semaphore(%run_scoped3A_301 : memref<!tpu.dma_semaphore, #tpu.memory_space<semaphore_mem>>) src(%dma_wait3A_323 : memref<8x128xf32, #tpu.memory_space<hbm>>) dst(%dma_wait3A_320 : memref<8x128xf32, #tpu.memory_space<vmem>>)
        tpu.yield
      }) : () -> ()
    } else {
    }
    %scan3A_284 = arith.constant -1073741824 : i32
    %scan3A_285 = arith.constant 0 : i32
    %scan3A_286 = arith.constant 32 : i32
    %scan3A_287 = arith.addi %scan3A_285, %scan3A_286 : i32
    %scan3A_288 = arith.constant 1 : i32
    %scan3A_289 = scf.for %scan3A_301 = %scan3A_285 to %scan3A_287 step %scan3A_288 iter_args(%scan3A_302 = %scan3A_284) -> (i32)  : i32 {
      %add3A_303 = arith.addi %add3A_274, %scan3A_301 : i32
      %get3A = arith.index_cast %add3A_303 : i32 to index
      %get3A_304 = tpu.vector_load %arg14[%get3A] {strides = array<i32>} : memref<1152xi32, #tpu.memory_space<vmem>>, vector<16xi32>,
      %get3A_305 = vector.shape_cast %get3A_304 : vector<16xi32> to vector<16xi32>
      %slice3A = vector.extract_strided_slice %get3A_305 {offsets = [0], sizes = [1], strides = [1]} : vector<16xi32> to vector<1xi32>
      %squeeze3A = vector.extract %slice3A[0] : i32 from vector<1xi32>
      %get3A_306 = arith.index_cast %add3A_303 : i32 to index
      %get3A_307 = tpu.vector_load %arg13[%get3A_306] {strides = array<i32>} : memref<1152xi32, #tpu.memory_space<vmem>>, vector<16xi32>,
      %get3A_308 = vector.shape_cast %get3A_307 : vector<16xi32> to vector<16xi32>
      %slice3A_309 = vector.extract_strided_slice %get3A_308 {offsets = [0], sizes = [1], strides = [1]} : vector<16xi32> to vector<1xi32>
      %squeeze3A_310 = vector.extract %slice3A_309[0] : i32 from vector<1xi32>
      %get3A_311 = arith.index_cast %scan3A_301 : i32 to index
      %get3A_312 = arith.constant 0 : index
      %get3A_313 = tpu.vector_load %arg19[%get3A_311, %get3A_312] {strides = array<i32>} : memref<32x128xf32, #tpu.memory_space<vmem>>, vector<1x16xf32>,
      %get3A_314 = vector.shape_cast %get3A_313 : vector<1x16xf32> to vector<16xf32>
      %get3A_315 = arith.index_cast %scan3A_301 : i32 to index
      %get3A_316 = arith.constant 16 : index
      %get3A_317 = tpu.vector_load %arg19[%get3A_315, %get3A_316] {strides = array<i32>} : memref<32x128xf32, #tpu.memory_space<vmem>>, vector<1x16xf32>,
      %get3A_318 = vector.shape_cast %get3A_317 : vector<1x16xf32> to vector<16xf32>
      %get3A_319 = arith.index_cast %scan3A_301 : i32 to index
      %get3A_320 = arith.constant 32 : index
      %get3A_321 = tpu.vector_load %arg19[%get3A_319, %get3A_320] {strides = array<i32>} : memref<32x128xf32, #tpu.memory_space<vmem>>, vector<1x16xf32>,
      %get3A_322 = vector.shape_cast %get3A_321 : vector<1x16xf32> to vector<16xf32>
      %get3A_323 = arith.index_cast %scan3A_301 : i32 to index
      %get3A_324 = arith.constant 48 : index
      %get3A_325 = tpu.vector_load %arg19[%get3A_323, %get3A_324] {strides = array<i32>} : memref<32x128xf32, #tpu.memory_space<vmem>>, vector<1x16xf32>,
      %get3A_326 = vector.shape_cast %get3A_325 : vector<1x16xf32> to vector<16xf32>
      %get3A_327 = arith.index_cast %scan3A_301 : i32 to index
      %get3A_328 = arith.constant 64 : index
      %get3A_329 = tpu.vector_load %arg19[%get3A_327, %get3A_328] {strides = array<i32>} : memref<32x128xf32, #tpu.memory_space<vmem>>, vector<1x16xf32>,
      %get3A_330 = vector.shape_cast %get3A_329 : vector<1x16xf32> to vector<16xf32>
      %get3A_331 = arith.index_cast %scan3A_301 : i32 to index
      %get3A_332 = arith.constant 80 : index
      %get3A_333 = tpu.vector_load %arg19[%get3A_331, %get3A_332] {strides = array<i32>} : memref<32x128xf32, #tpu.memory_space<vmem>>, vector<1x16xf32>,
      %get3A_334 = vector.shape_cast %get3A_333 : vector<1x16xf32> to vector<16xf32>
      %get3A_335 = arith.index_cast %scan3A_301 : i32 to index
      %get3A_336 = arith.constant 96 : index
      %get3A_337 = tpu.vector_load %arg19[%get3A_335, %get3A_336] {strides = array<i32>} : memref<32x128xf32, #tpu.memory_space<vmem>>, vector<1x16xf32>,
      %get3A_338 = vector.shape_cast %get3A_337 : vector<1x16xf32> to vector<16xf32>
      %get3A_339 = arith.index_cast %scan3A_301 : i32 to index
      %get3A_340 = arith.constant 112 : index
      %get3A_341 = tpu.vector_load %arg19[%get3A_339, %get3A_340] {strides = array<i32>} : memref<32x128xf32, #tpu.memory_space<vmem>>, vector<1x16xf32>,
      %get3A_342 = vector.shape_cast %get3A_341 : vector<1x16xf32> to vector<16xf32>
      %while3A = arith.constant 0 : i32
      %while3A_343 = arith.subi %squeeze3A, %while3A : i32
      %while3A_344 = arith.addi %while3A, %while3A_343 : i32
      %while3A_345 = arith.constant 1 : i32
      %while3A_346 = arith.divsi %while3A_343, %while3A_345 : i32
      %while3A_347 = arith.muli %while3A_346, %while3A_345 : i32
      %while3A_348 = arith.addi %while3A, %while3A_347 : i32
      %while3A_349 = arith.constant 1 : i32
      %while3A_350:9 = scf.for %while3A_393 = %while3A to %while3A_348 step %while3A_349 iter_args(%while3A_394 = %scan3A_302, %while3A_395 = %get3A_314, %while3A_396 = %get3A_318, %while3A_397 = %get3A_322, %while3A_398 = %get3A_326, %while3A_399 = %get3A_330, %while3A_400 = %get3A_334, %while3A_401 = %get3A_338, %while3A_402 = %get3A_342) -> (i32, vector<16xf32>, vector<16xf32>, vector<16xf32>, vector<16xf32>, vector<16xf32>, vector<16xf32>, vector<16xf32>, vector<16xf32>)  : i32 {
        %add3A_403 = arith.addi %squeeze3A_310, %while3A_393 : i32
        %add3A_404 = arith.constant 128 : i32
        %add3A_405 = arith.addi %while3A_394, %add3A_404 : i32
        %ge3A = arith.cmpi sge, %add3A_403, %add3A_405 : i32
        %convert_element_type3A_406 = arith.extui %ge3A : i1 to i32
        %cond3A_407 = arith.constant 0 : i32
        %cond3A_408 = arith.constant 0 : i32
        %cond3A_409 = arith.cmpi ne, %convert_element_type3A_406, %cond3A_408 : i32
        %cond3A_410 = scf.if %cond3A_409 -> (i32) {
          %jit3A = arith.constant 128 : i32
          %div3A = arith.divsi %add3A_403, %jit3A : i32
          %sign3A = arith.constant 0 : i32
          %sign3A_604 = arith.cmpi sgt, %add3A_403, %sign3A : i32
          %sign3A_605 = arith.extui %sign3A_604 : i1 to i32
          %sign3A_606 = arith.constant 0 : i32
          %sign3A_607 = arith.cmpi slt, %add3A_403, %sign3A_606 : i32
          %sign3A_608 = arith.extui %sign3A_607 : i1 to i32
          %sign3A_609 = arith.subi %sign3A_605, %sign3A_608 : i32
          %sign3A_610 = arith.constant 0 : i32
          %sign3A_611 = arith.cmpi sgt, %jit3A, %sign3A_610 : i32
          %sign3A_612 = arith.extui %sign3A_611 : i1 to i32
          %sign3A_613 = arith.constant 0 : i32
          %sign3A_614 = arith.cmpi slt, %jit3A, %sign3A_613 : i32
          %sign3A_615 = arith.extui %sign3A_614 : i1 to i32
          %sign3A_616 = arith.subi %sign3A_612, %sign3A_615 : i32
          %ne3A_617 = arith.cmpi ne, %sign3A_609, %sign3A_616 : i32
          %rem3A = arith.remsi %add3A_403, %jit3A : i32
          %ne3A_618 = arith.constant 0 : i32
          %ne3A_619 = arith.cmpi ne, %rem3A, %ne3A_618 : i32
          %and3A = arith.andi %ne3A_617, %ne3A_619 : i1
          %sub3A_620 = arith.constant 1 : i32
          %sub3A_621 = arith.subi %div3A, %sub3A_620 : i32
          %select_n3A_622 = arith.select %and3A, %sub3A_621, %div3A : i32
          %mul3A_623 = arith.constant 128 : i32
          %mul3A_624 = arith.muli %select_n3A_622, %mul3A_623 : i32
          "tpu.region"() ({
            %run_scoped3A_629 = tpu.sem_alloc : memref<!tpu.dma_semaphore, #tpu.memory_space<semaphore_mem>>
            %dma_start3A_630 = tpu.memref_slice %arg7[%mul3A_624] : memref<4224xi32, #tpu.memory_space<vmem_shared>> -> memref<128xi32, #tpu.memory_space<vmem_shared>>
            %dma_start3A_631 = tpu.memref_slice %arg7[%mul3A_624] : memref<4224xi32, #tpu.memory_space<vmem_shared>> -> memref<128xi32, #tpu.memory_space<vmem_shared>>
            tpu.enqueue_dma source(%dma_start3A_631 : memref<128xi32, #tpu.memory_space<vmem_shared>>) target(%arg17 : memref<128xi32, #tpu.memory_space<vmem>>) target_semaphore(%run_scoped3A_629 : memref<!tpu.dma_semaphore, #tpu.memory_space<semaphore_mem>>)
            %dma_wait3A_632 = tpu.memref_slice %arg7[%mul3A_624] : memref<4224xi32, #tpu.memory_space<vmem_shared>> -> memref<128xi32, #tpu.memory_space<vmem_shared>>
            %dma_wait3A_633 = tpu.memref_slice %arg7[%mul3A_624] : memref<4224xi32, #tpu.memory_space<vmem_shared>> -> memref<128xi32, #tpu.memory_space<vmem_shared>>
            tpu.wait_dma2 semaphore(%run_scoped3A_629 : memref<!tpu.dma_semaphore, #tpu.memory_space<semaphore_mem>>) src(%dma_wait3A_633 : memref<128xi32, #tpu.memory_space<vmem_shared>>) dst(%arg17 : memref<128xi32, #tpu.memory_space<vmem>>)
            tpu.yield
          }) : () -> ()
          %dma_start3A = arith.constant 0 : i32
          %dma_start3A_625 = arith.constant 0 : i32
          %dma_start3A_626 = tpu.memref_slice %arg2[%dma_start3A, %dma_start3A_625] : memref<4096x128xf32, #tpu.memory_space<hbm>> -> memref<4096x128xf32, #tpu.memory_space<hbm>>
          tpu.enqueue_indirect_dma source(%dma_start3A_626 : memref<4096x128xf32, #tpu.memory_space<hbm>>) target(%arg18 : memref<128x128xf32, #tpu.memory_space<vmem>>) offsets(%arg17 : memref<128xi32, #tpu.memory_space<vmem>>) semaphore(%arg21 : memref<!tpu.dma_semaphore, #tpu.memory_space<semaphore_mem>>)
          %dma_wait3A = arith.constant 0 : i32
          %dma_wait3A_627 = arith.constant 0 : i32
          %dma_wait3A_628 = tpu.memref_slice %arg2[%dma_wait3A, %dma_wait3A_627] : memref<4096x128xf32, #tpu.memory_space<hbm>> -> memref<4096x128xf32, #tpu.memory_space<hbm>>
          tpu.wait_indirect_dma semaphore(%arg21 : memref<!tpu.dma_semaphore, #tpu.memory_space<semaphore_mem>>) src(%dma_wait3A_628 : memref<4096x128xf32, #tpu.memory_space<hbm>>) dst(%arg18 : memref<128x128xf32, #tpu.memory_space<vmem>>)
          scf.yield %mul3A_624 : i32
        } else {
          scf.yield %while3A_394 : i32
        }
        %sub3A = arith.subi %add3A_403, %cond3A_410 : i32
        %get3A_411 = arith.index_cast %sub3A : i32 to index
        %get3A_412 = arith.constant 0 : index
        %get3A_413 = tpu.vector_load %arg18[%get3A_411, %get3A_412] {strides = array<i32>} : memref<128x128xf32, #tpu.memory_space<vmem>>, vector<1x16xf32>,
        %get3A_414 = vector.shape_cast %get3A_413 : vector<1x16xf32> to vector<16xf32>
        %get3A_415 = arith.index_cast %sub3A : i32 to index
        %get3A_416 = arith.constant 16 : index
        %get3A_417 = tpu.vector_load %arg18[%get3A_415, %get3A_416] {strides = array<i32>} : memref<128x128xf32, #tpu.memory_space<vmem>>, vector<1x16xf32>,
        %get3A_418 = vector.shape_cast %get3A_417 : vector<1x16xf32> to vector<16xf32>
        %get3A_419 = arith.index_cast %sub3A : i32 to index
        %get3A_420 = arith.constant 32 : index
        %get3A_421 = tpu.vector_load %arg18[%get3A_419, %get3A_420] {strides = array<i32>} : memref<128x128xf32, #tpu.memory_space<vmem>>, vector<1x16xf32>,
        %get3A_422 = vector.shape_cast %get3A_421 : vector<1x16xf32> to vector<16xf32>
        %get3A_423 = arith.index_cast %sub3A : i32 to index
        %get3A_424 = arith.constant 48 : index
        %get3A_425 = tpu.vector_load %arg18[%get3A_423, %get3A_424] {strides = array<i32>} : memref<128x128xf32, #tpu.memory_space<vmem>>, vector<1x16xf32>,
        %get3A_426 = vector.shape_cast %get3A_425 : vector<1x16xf32> to vector<16xf32>
        %get3A_427 = arith.index_cast %sub3A : i32 to index
        %get3A_428 = arith.constant 64 : index
        %get3A_429 = tpu.vector_load %arg18[%get3A_427, %get3A_428] {strides = array<i32>} : memref<128x128xf32, #tpu.memory_space<vmem>>, vector<1x16xf32>,
        %get3A_430 = vector.shape_cast %get3A_429 : vector<1x16xf32> to vector<16xf32>
        %get3A_431 = arith.index_cast %sub3A : i32 to index
        %get3A_432 = arith.constant 80 : index
        %get3A_433 = tpu.vector_load %arg18[%get3A_431, %get3A_432] {strides = array<i32>} : memref<128x128xf32, #tpu.memory_space<vmem>>, vector<1x16xf32>,
        %get3A_434 = vector.shape_cast %get3A_433 : vector<1x16xf32> to vector<16xf32>
        %get3A_435 = arith.index_cast %sub3A : i32 to index
        %get3A_436 = arith.constant 96 : index
        %get3A_437 = tpu.vector_load %arg18[%get3A_435, %get3A_436] {strides = array<i32>} : memref<128x128xf32, #tpu.memory_space<vmem>>, vector<1x16xf32>,
        %get3A_438 = vector.shape_cast %get3A_437 : vector<1x16xf32> to vector<16xf32>
        %get3A_439 = arith.index_cast %sub3A : i32 to index
        %get3A_440 = arith.constant 112 : index
        %get3A_441 = tpu.vector_load %arg18[%get3A_439, %get3A_440] {strides = array<i32>} : memref<128x128xf32, #tpu.memory_space<vmem>>, vector<1x16xf32>,
        %get3A_442 = vector.shape_cast %get3A_441 : vector<1x16xf32> to vector<16xf32>
        %mul3A_443 = arith.constant 0.949999988 : f32
        %mul3A_444 = vector.broadcast %mul3A_443 : f32 to vector<16xf32>
        %mul3A_445 = arith.mulf %while3A_395, %mul3A_444 : vector<16xf32>
        %mul3A_446 = arith.constant 5.000000e-02 : f32
        %mul3A_447 = vector.broadcast %mul3A_446 : f32 to vector<16xf32>
        %mul3A_448 = arith.mulf %get3A_414, %mul3A_447 : vector<16xf32>
        %add3A_449 = arith.addf %mul3A_445, %mul3A_448 : vector<16xf32>
        %mul3A_450 = arith.constant 0.949999988 : f32
        %mul3A_451 = vector.broadcast %mul3A_450 : f32 to vector<16xf32>
        %mul3A_452 = arith.mulf %while3A_396, %mul3A_451 : vector<16xf32>
        %mul3A_453 = arith.constant 5.000000e-02 : f32
        %mul3A_454 = vector.broadcast %mul3A_453 : f32 to vector<16xf32>
        %mul3A_455 = arith.mulf %get3A_418, %mul3A_454 : vector<16xf32>
        %add3A_456 = arith.addf %mul3A_452, %mul3A_455 : vector<16xf32>
        %mul3A_457 = arith.constant 0.949999988 : f32
        %mul3A_458 = vector.broadcast %mul3A_457 : f32 to vector<16xf32>
        %mul3A_459 = arith.mulf %while3A_397, %mul3A_458 : vector<16xf32>
        %mul3A_460 = arith.constant 5.000000e-02 : f32
        %mul3A_461 = vector.broadcast %mul3A_460 : f32 to vector<16xf32>
        %mul3A_462 = arith.mulf %get3A_422, %mul3A_461 : vector<16xf32>
        %add3A_463 = arith.addf %mul3A_459, %mul3A_462 : vector<16xf32>
        %mul3A_464 = arith.constant 0.949999988 : f32
        %mul3A_465 = vector.broadcast %mul3A_464 : f32 to vector<16xf32>
        %mul3A_466 = arith.mulf %while3A_398, %mul3A_465 : vector<16xf32>
        %mul3A_467 = arith.constant 5.000000e-02 : f32
        %mul3A_468 = vector.broadcast %mul3A_467 : f32 to vector<16xf32>
        %mul3A_469 = arith.mulf %get3A_426, %mul3A_468 : vector<16xf32>
        %add3A_470 = arith.addf %mul3A_466, %mul3A_469 : vector<16xf32>
        %mul3A_471 = arith.constant 0.949999988 : f32
        %mul3A_472 = vector.broadcast %mul3A_471 : f32 to vector<16xf32>
        %mul3A_473 = arith.mulf %while3A_399, %mul3A_472 : vector<16xf32>
        %mul3A_474 = arith.constant 5.000000e-02 : f32
        %mul3A_475 = vector.broadcast %mul3A_474 : f32 to vector<16xf32>
        %mul3A_476 = arith.mulf %get3A_430, %mul3A_475 : vector<16xf32>
        %add3A_477 = arith.addf %mul3A_473, %mul3A_476 : vector<16xf32>
        %mul3A_478 = arith.constant 0.949999988 : f32
        %mul3A_479 = vector.broadcast %mul3A_478 : f32 to vector<16xf32>
        %mul3A_480 = arith.mulf %while3A_400, %mul3A_479 : vector<16xf32>
        %mul3A_481 = arith.constant 5.000000e-02 : f32
        %mul3A_482 = vector.broadcast %mul3A_481 : f32 to vector<16xf32>
        %mul3A_483 = arith.mulf %get3A_434, %mul3A_482 : vector<16xf32>
        %add3A_484 = arith.addf %mul3A_480, %mul3A_483 : vector<16xf32>
        %mul3A_485 = arith.constant 0.949999988 : f32
        %mul3A_486 = vector.broadcast %mul3A_485 : f32 to vector<16xf32>
        %mul3A_487 = arith.mulf %while3A_401, %mul3A_486 : vector<16xf32>
        %mul3A_488 = arith.constant 5.000000e-02 : f32
        %mul3A_489 = vector.broadcast %mul3A_488 : f32 to vector<16xf32>
        %mul3A_490 = arith.mulf %get3A_438, %mul3A_489 : vector<16xf32>
        %add3A_491 = arith.addf %mul3A_487, %mul3A_490 : vector<16xf32>
        %mul3A_492 = arith.constant 0.949999988 : f32
        %mul3A_493 = vector.broadcast %mul3A_492 : f32 to vector<16xf32>
        %mul3A_494 = arith.mulf %while3A_402, %mul3A_493 : vector<16xf32>
        %mul3A_495 = arith.constant 5.000000e-02 : f32
        %mul3A_496 = vector.broadcast %mul3A_495 : f32 to vector<16xf32>
        %mul3A_497 = arith.mulf %get3A_442, %mul3A_496 : vector<16xf32>
        %add3A_498 = arith.addf %mul3A_494, %mul3A_497 : vector<16xf32>
        %mul3A_499 = arith.mulf %add3A_449, %add3A_449 : vector<16xf32>
        %mul3A_500 = arith.mulf %add3A_456, %add3A_456 : vector<16xf32>
        %add3A_501 = arith.addf %mul3A_499, %mul3A_500 : vector<16xf32>
        %mul3A_502 = arith.mulf %add3A_463, %add3A_463 : vector<16xf32>
        %add3A_503 = arith.addf %add3A_501, %mul3A_502 : vector<16xf32>
        %mul3A_504 = arith.mulf %add3A_470, %add3A_470 : vector<16xf32>
        %add3A_505 = arith.addf %add3A_503, %mul3A_504 : vector<16xf32>
        %mul3A_506 = arith.mulf %add3A_477, %add3A_477 : vector<16xf32>
        %add3A_507 = arith.addf %add3A_505, %mul3A_506 : vector<16xf32>
        %mul3A_508 = arith.mulf %add3A_484, %add3A_484 : vector<16xf32>
        %add3A_509 = arith.addf %add3A_507, %mul3A_508 : vector<16xf32>
        %mul3A_510 = arith.mulf %add3A_491, %add3A_491 : vector<16xf32>
        %add3A_511 = arith.addf %add3A_509, %mul3A_510 : vector<16xf32>
        %mul3A_512 = arith.mulf %add3A_498, %add3A_498 : vector<16xf32>
        %add3A_513 = arith.addf %add3A_511, %mul3A_512 : vector<16xf32>
        %xor3A = arith.constant 1 : i32
        %xor3A_514 = vector.broadcast %xor3A : i32 to vector<16xi32>
        %xor3A_515 = arith.xori %iota3A, %xor3A_514 : vector<16xi32>
        %lt3A = arith.constant 0 : i32
        %lt3A_516 = vector.broadcast %lt3A : i32 to vector<16xi32>
        %lt3A_517 = arith.cmpi slt, %xor3A_515, %lt3A_516 : vector<16xi32>
        %add3A_518 = arith.constant 16 : i32
        %add3A_519 = vector.broadcast %add3A_518 : i32 to vector<16xi32>
        %add3A_520 = arith.addi %xor3A_515, %add3A_519 : vector<16xi32>
        %select_n3A = arith.select %lt3A_517, %add3A_520, %xor3A_515 : vector<16xi1>, vector<16xi32>
        %broadcast_in_dim3A_521 = vector.shape_cast %select_n3A : vector<16xi32> to vector<16x1xi32>
        %gather3A = vector.shape_cast %broadcast_in_dim3A_521 : vector<16x1xi32> to vector<16xi32>
        %gather3A_522 = tpu.dynamic_gather %add3A_513[%gather3A] in [0] : vector<16xf32>, vector<16xi32> -> vector<16xf32>
        %add3A_523 = arith.addf %add3A_513, %gather3A_522 : vector<16xf32>
        %xor3A_524 = arith.constant 2 : i32
        %xor3A_525 = vector.broadcast %xor3A_524 : i32 to vector<16xi32>
        %xor3A_526 = arith.xori %iota3A, %xor3A_525 : vector<16xi32>
        %lt3A_527 = arith.constant 0 : i32
        %lt3A_528 = vector.broadcast %lt3A_527 : i32 to vector<16xi32>
        %lt3A_529 = arith.cmpi slt, %xor3A_526, %lt3A_528 : vector<16xi32>
        %add3A_530 = arith.constant 16 : i32
        %add3A_531 = vector.broadcast %add3A_530 : i32 to vector<16xi32>
        %add3A_532 = arith.addi %xor3A_526, %add3A_531 : vector<16xi32>
        %select_n3A_533 = arith.select %lt3A_529, %add3A_532, %xor3A_526 : vector<16xi1>, vector<16xi32>
        %broadcast_in_dim3A_534 = vector.shape_cast %select_n3A_533 : vector<16xi32> to vector<16x1xi32>
        %gather3A_535 = vector.shape_cast %broadcast_in_dim3A_534 : vector<16x1xi32> to vector<16xi32>
        %gather3A_536 = tpu.dynamic_gather %add3A_523[%gather3A_535] in [0] : vector<16xf32>, vector<16xi32> -> vector<16xf32>
        %add3A_537 = arith.addf %add3A_523, %gather3A_536 : vector<16xf32>
        %xor3A_538 = arith.constant 4 : i32
        %xor3A_539 = vector.broadcast %xor3A_538 : i32 to vector<16xi32>
        %xor3A_540 = arith.xori %iota3A, %xor3A_539 : vector<16xi32>
        %lt3A_541 = arith.constant 0 : i32
        %lt3A_542 = vector.broadcast %lt3A_541 : i32 to vector<16xi32>
        %lt3A_543 = arith.cmpi slt, %xor3A_540, %lt3A_542 : vector<16xi32>
        %add3A_544 = arith.constant 16 : i32
        %add3A_545 = vector.broadcast %add3A_544 : i32 to vector<16xi32>
        %add3A_546 = arith.addi %xor3A_540, %add3A_545 : vector<16xi32>
        %select_n3A_547 = arith.select %lt3A_543, %add3A_546, %xor3A_540 : vector<16xi1>, vector<16xi32>
        %broadcast_in_dim3A_548 = vector.shape_cast %select_n3A_547 : vector<16xi32> to vector<16x1xi32>
        %gather3A_549 = vector.shape_cast %broadcast_in_dim3A_548 : vector<16x1xi32> to vector<16xi32>
        %gather3A_550 = tpu.dynamic_gather %add3A_537[%gather3A_549] in [0] : vector<16xf32>, vector<16xi32> -> vector<16xf32>
        %add3A_551 = arith.addf %add3A_537, %gather3A_550 : vector<16xf32>
        %xor3A_552 = arith.constant 8 : i32
        %xor3A_553 = vector.broadcast %xor3A_552 : i32 to vector<16xi32>
        %xor3A_554 = arith.xori %iota3A, %xor3A_553 : vector<16xi32>
        %lt3A_555 = arith.constant 0 : i32
        %lt3A_556 = vector.broadcast %lt3A_555 : i32 to vector<16xi32>
        %lt3A_557 = arith.cmpi slt, %xor3A_554, %lt3A_556 : vector<16xi32>
        %add3A_558 = arith.constant 16 : i32
        %add3A_559 = vector.broadcast %add3A_558 : i32 to vector<16xi32>
        %add3A_560 = arith.addi %xor3A_554, %add3A_559 : vector<16xi32>
        %select_n3A_561 = arith.select %lt3A_557, %add3A_560, %xor3A_554 : vector<16xi1>, vector<16xi32>
        %broadcast_in_dim3A_562 = vector.shape_cast %select_n3A_561 : vector<16xi32> to vector<16x1xi32>
        %gather3A_563 = vector.shape_cast %broadcast_in_dim3A_562 : vector<16x1xi32> to vector<16xi32>
        %gather3A_564 = tpu.dynamic_gather %add3A_551[%gather3A_563] in [0] : vector<16xf32>, vector<16xi32> -> vector<16xf32>
        %add3A_565 = arith.addf %add3A_551, %gather3A_564 : vector<16xf32>
        %slice3A_566 = vector.extract_strided_slice %add3A_565 {offsets = [0], sizes = [1], strides = [1]} : vector<16xf32> to vector<1xf32>
        %squeeze3A_567 = vector.extract %slice3A_566[0] : f32 from vector<1xf32>
        %max3A = arith.constant 1.000000e-24 : f32
        %max3A_568 = arith.maximumf %squeeze3A_567, %max3A : f32
        %bitcast_convert_type3A = arith.bitcast %max3A_568 : f32 to i32
        %shift_right_logical3A = arith.constant 1 : i32
        %shift_right_logical3A_569 = arith.shrui %bitcast_convert_type3A, %shift_right_logical3A : i32
        %sub3A_570 = arith.constant 1597463007 : i32
        %sub3A_571 = arith.subi %sub3A_570, %shift_right_logical3A_569 : i32
        %bitcast_convert_type3A_572 = arith.bitcast %sub3A_571 : i32 to f32
        %mul3A_573 = arith.constant 5.000000e-01 : f32
        %mul3A_574 = arith.mulf %mul3A_573, %max3A_568 : f32
        %mul3A_575 = arith.mulf %mul3A_574, %bitcast_convert_type3A_572 : f32
        %mul3A_576 = arith.mulf %mul3A_575, %bitcast_convert_type3A_572 : f32
        %sub3A_577 = arith.constant 1.500000e+00 : f32
        %sub3A_578 = arith.subf %sub3A_577, %mul3A_576 : f32
        %mul3A_579 = arith.mulf %bitcast_convert_type3A_572, %sub3A_578 : f32
        %mul3A_580 = arith.constant 5.000000e-01 : f32
        %mul3A_581 = arith.mulf %mul3A_580, %max3A_568 : f32
        %mul3A_582 = arith.mulf %mul3A_581, %mul3A_579 : f32
        %mul3A_583 = arith.mulf %mul3A_582, %mul3A_579 : f32
        %sub3A_584 = arith.constant 1.500000e+00 : f32
        %sub3A_585 = arith.subf %sub3A_584, %mul3A_583 : f32
        %mul3A_586 = arith.mulf %mul3A_579, %sub3A_585 : f32
        %mul3A_587 = arith.constant 5.000000e-01 : f32
        %mul3A_588 = arith.mulf %mul3A_587, %max3A_568 : f32
        %mul3A_589 = arith.mulf %mul3A_588, %mul3A_586 : f32
        %mul3A_590 = arith.mulf %mul3A_589, %mul3A_586 : f32
        %sub3A_591 = arith.constant 1.500000e+00 : f32
        %sub3A_592 = arith.subf %sub3A_591, %mul3A_590 : f32
        %mul3A_593 = arith.mulf %mul3A_586, %sub3A_592 : f32
        %min3A = arith.constant 9.99999995E+11 : f32
        %min3A_594 = arith.minimumf %mul3A_593, %min3A : f32
        %broadcast_in_dim3A_595 = vector.broadcast %min3A_594 : f32 to vector<16xf32>
        %mul3A_596 = arith.mulf %add3A_449, %broadcast_in_dim3A_595 : vector<16xf32>
        %mul3A_597 = arith.mulf %add3A_456, %broadcast_in_dim3A_595 : vector<16xf32>
        %mul3A_598 = arith.mulf %add3A_463, %broadcast_in_dim3A_595 : vector<16xf32>
        %mul3A_599 = arith.mulf %add3A_470, %broadcast_in_dim3A_595 : vector<16xf32>
        %mul3A_600 = arith.mulf %add3A_477, %broadcast_in_dim3A_595 : vector<16xf32>
        %mul3A_601 = arith.mulf %add3A_484, %broadcast_in_dim3A_595 : vector<16xf32>
        %mul3A_602 = arith.mulf %add3A_491, %broadcast_in_dim3A_595 : vector<16xf32>
        %mul3A_603 = arith.mulf %add3A_498, %broadcast_in_dim3A_595 : vector<16xf32>
        scf.yield %cond3A_410, %mul3A_596, %mul3A_597, %mul3A_598, %mul3A_599, %mul3A_600, %mul3A_601, %mul3A_602, %mul3A_603 : i32, vector<16xf32>, vector<16xf32>, vector<16xf32>, vector<16xf32>, vector<16xf32>, vector<16xf32>, vector<16xf32>, vector<16xf32>
      }
      %while3A_351 = arith.constant 1 : i32
      %while3A_352:9 = scf.for %while3A_393 = %while3A_348 to %while3A_344 step %while3A_351 iter_args(%while3A_394 = %while3A_350#0, %while3A_395 = %while3A_350#1, %while3A_396 = %while3A_350#2, %while3A_397 = %while3A_350#3, %while3A_398 = %while3A_350#4, %while3A_399 = %while3A_350#5, %while3A_400 = %while3A_350#6, %while3A_401 = %while3A_350#7, %while3A_402 = %while3A_350#8) -> (i32, vector<16xf32>, vector<16xf32>, vector<16xf32>, vector<16xf32>, vector<16xf32>, vector<16xf32>, vector<16xf32>, vector<16xf32>)  : i32 {
        %add3A_403 = arith.addi %squeeze3A_310, %while3A_393 : i32
        %add3A_404 = arith.constant 128 : i32
        %add3A_405 = arith.addi %while3A_394, %add3A_404 : i32
        %ge3A = arith.cmpi sge, %add3A_403, %add3A_405 : i32
        %convert_element_type3A_406 = arith.extui %ge3A : i1 to i32
        %cond3A_407 = arith.constant 0 : i32
        %cond3A_408 = arith.constant 0 : i32
        %cond3A_409 = arith.cmpi ne, %convert_element_type3A_406, %cond3A_408 : i32
        %cond3A_410 = scf.if %cond3A_409 -> (i32) {
          %jit3A = arith.constant 128 : i32
          %div3A = arith.divsi %add3A_403, %jit3A : i32
          %sign3A = arith.constant 0 : i32
          %sign3A_604 = arith.cmpi sgt, %add3A_403, %sign3A : i32
          %sign3A_605 = arith.extui %sign3A_604 : i1 to i32
          %sign3A_606 = arith.constant 0 : i32
          %sign3A_607 = arith.cmpi slt, %add3A_403, %sign3A_606 : i32
          %sign3A_608 = arith.extui %sign3A_607 : i1 to i32
          %sign3A_609 = arith.subi %sign3A_605, %sign3A_608 : i32
          %sign3A_610 = arith.constant 0 : i32
          %sign3A_611 = arith.cmpi sgt, %jit3A, %sign3A_610 : i32
          %sign3A_612 = arith.extui %sign3A_611 : i1 to i32
          %sign3A_613 = arith.constant 0 : i32
          %sign3A_614 = arith.cmpi slt, %jit3A, %sign3A_613 : i32
          %sign3A_615 = arith.extui %sign3A_614 : i1 to i32
          %sign3A_616 = arith.subi %sign3A_612, %sign3A_615 : i32
          %ne3A_617 = arith.cmpi ne, %sign3A_609, %sign3A_616 : i32
          %rem3A = arith.remsi %add3A_403, %jit3A : i32
          %ne3A_618 = arith.constant 0 : i32
          %ne3A_619 = arith.cmpi ne, %rem3A, %ne3A_618 : i32
          %and3A = arith.andi %ne3A_617, %ne3A_619 : i1
          %sub3A_620 = arith.constant 1 : i32
          %sub3A_621 = arith.subi %div3A, %sub3A_620 : i32
          %select_n3A_622 = arith.select %and3A, %sub3A_621, %div3A : i32
          %mul3A_623 = arith.constant 128 : i32
          %mul3A_624 = arith.muli %select_n3A_622, %mul3A_623 : i32
          "tpu.region"() ({
            %run_scoped3A_629 = tpu.sem_alloc : memref<!tpu.dma_semaphore, #tpu.memory_space<semaphore_mem>>
            %dma_start3A_630 = tpu.memref_slice %arg7[%mul3A_624] : memref<4224xi32, #tpu.memory_space<vmem_shared>> -> memref<128xi32, #tpu.memory_space<vmem_shared>>
            %dma_start3A_631 = tpu.memref_slice %arg7[%mul3A_624] : memref<4224xi32, #tpu.memory_space<vmem_shared>> -> memref<128xi32, #tpu.memory_space<vmem_shared>>
            tpu.enqueue_dma source(%dma_start3A_631 : memref<128xi32, #tpu.memory_space<vmem_shared>>) target(%arg17 : memref<128xi32, #tpu.memory_space<vmem>>) target_semaphore(%run_scoped3A_629 : memref<!tpu.dma_semaphore, #tpu.memory_space<semaphore_mem>>)
            %dma_wait3A_632 = tpu.memref_slice %arg7[%mul3A_624] : memref<4224xi32, #tpu.memory_space<vmem_shared>> -> memref<128xi32, #tpu.memory_space<vmem_shared>>
            %dma_wait3A_633 = tpu.memref_slice %arg7[%mul3A_624] : memref<4224xi32, #tpu.memory_space<vmem_shared>> -> memref<128xi32, #tpu.memory_space<vmem_shared>>
            tpu.wait_dma2 semaphore(%run_scoped3A_629 : memref<!tpu.dma_semaphore, #tpu.memory_space<semaphore_mem>>) src(%dma_wait3A_633 : memref<128xi32, #tpu.memory_space<vmem_shared>>) dst(%arg17 : memref<128xi32, #tpu.memory_space<vmem>>)
            tpu.yield
          }) : () -> ()
          %dma_start3A = arith.constant 0 : i32
          %dma_start3A_625 = arith.constant 0 : i32
          %dma_start3A_626 = tpu.memref_slice %arg2[%dma_start3A, %dma_start3A_625] : memref<4096x128xf32, #tpu.memory_space<hbm>> -> memref<4096x128xf32, #tpu.memory_space<hbm>>
          tpu.enqueue_indirect_dma source(%dma_start3A_626 : memref<4096x128xf32, #tpu.memory_space<hbm>>) target(%arg18 : memref<128x128xf32, #tpu.memory_space<vmem>>) offsets(%arg17 : memref<128xi32, #tpu.memory_space<vmem>>) semaphore(%arg21 : memref<!tpu.dma_semaphore, #tpu.memory_space<semaphore_mem>>)
          %dma_wait3A = arith.constant 0 : i32
          %dma_wait3A_627 = arith.constant 0 : i32
          %dma_wait3A_628 = tpu.memref_slice %arg2[%dma_wait3A, %dma_wait3A_627] : memref<4096x128xf32, #tpu.memory_space<hbm>> -> memref<4096x128xf32, #tpu.memory_space<hbm>>
          tpu.wait_indirect_dma semaphore(%arg21 : memref<!tpu.dma_semaphore, #tpu.memory_space<semaphore_mem>>) src(%dma_wait3A_628 : memref<4096x128xf32, #tpu.memory_space<hbm>>) dst(%arg18 : memref<128x128xf32, #tpu.memory_space<vmem>>)
          scf.yield %mul3A_624 : i32
        } else {
          scf.yield %while3A_394 : i32
        }
        %sub3A = arith.subi %add3A_403, %cond3A_410 : i32
        %get3A_411 = arith.index_cast %sub3A : i32 to index
        %get3A_412 = arith.constant 0 : index
        %get3A_413 = tpu.vector_load %arg18[%get3A_411, %get3A_412] {strides = array<i32>} : memref<128x128xf32, #tpu.memory_space<vmem>>, vector<1x16xf32>,
        %get3A_414 = vector.shape_cast %get3A_413 : vector<1x16xf32> to vector<16xf32>
        %get3A_415 = arith.index_cast %sub3A : i32 to index
        %get3A_416 = arith.constant 16 : index
        %get3A_417 = tpu.vector_load %arg18[%get3A_415, %get3A_416] {strides = array<i32>} : memref<128x128xf32, #tpu.memory_space<vmem>>, vector<1x16xf32>,
        %get3A_418 = vector.shape_cast %get3A_417 : vector<1x16xf32> to vector<16xf32>
        %get3A_419 = arith.index_cast %sub3A : i32 to index
        %get3A_420 = arith.constant 32 : index
        %get3A_421 = tpu.vector_load %arg18[%get3A_419, %get3A_420] {strides = array<i32>} : memref<128x128xf32, #tpu.memory_space<vmem>>, vector<1x16xf32>,
        %get3A_422 = vector.shape_cast %get3A_421 : vector<1x16xf32> to vector<16xf32>
        %get3A_423 = arith.index_cast %sub3A : i32 to index
        %get3A_424 = arith.constant 48 : index
        %get3A_425 = tpu.vector_load %arg18[%get3A_423, %get3A_424] {strides = array<i32>} : memref<128x128xf32, #tpu.memory_space<vmem>>, vector<1x16xf32>,
        %get3A_426 = vector.shape_cast %get3A_425 : vector<1x16xf32> to vector<16xf32>
        %get3A_427 = arith.index_cast %sub3A : i32 to index
        %get3A_428 = arith.constant 64 : index
        %get3A_429 = tpu.vector_load %arg18[%get3A_427, %get3A_428] {strides = array<i32>} : memref<128x128xf32, #tpu.memory_space<vmem>>, vector<1x16xf32>,
        %get3A_430 = vector.shape_cast %get3A_429 : vector<1x16xf32> to vector<16xf32>
        %get3A_431 = arith.index_cast %sub3A : i32 to index
        %get3A_432 = arith.constant 80 : index
        %get3A_433 = tpu.vector_load %arg18[%get3A_431, %get3A_432] {strides = array<i32>} : memref<128x128xf32, #tpu.memory_space<vmem>>, vector<1x16xf32>,
        %get3A_434 = vector.shape_cast %get3A_433 : vector<1x16xf32> to vector<16xf32>
        %get3A_435 = arith.index_cast %sub3A : i32 to index
        %get3A_436 = arith.constant 96 : index
        %get3A_437 = tpu.vector_load %arg18[%get3A_435, %get3A_436] {strides = array<i32>} : memref<128x128xf32, #tpu.memory_space<vmem>>, vector<1x16xf32>,
        %get3A_438 = vector.shape_cast %get3A_437 : vector<1x16xf32> to vector<16xf32>
        %get3A_439 = arith.index_cast %sub3A : i32 to index
        %get3A_440 = arith.constant 112 : index
        %get3A_441 = tpu.vector_load %arg18[%get3A_439, %get3A_440] {strides = array<i32>} : memref<128x128xf32, #tpu.memory_space<vmem>>, vector<1x16xf32>,
        %get3A_442 = vector.shape_cast %get3A_441 : vector<1x16xf32> to vector<16xf32>
        %mul3A_443 = arith.constant 0.949999988 : f32
        %mul3A_444 = vector.broadcast %mul3A_443 : f32 to vector<16xf32>
        %mul3A_445 = arith.mulf %while3A_395, %mul3A_444 : vector<16xf32>
        %mul3A_446 = arith.constant 5.000000e-02 : f32
        %mul3A_447 = vector.broadcast %mul3A_446 : f32 to vector<16xf32>
        %mul3A_448 = arith.mulf %get3A_414, %mul3A_447 : vector<16xf32>
        %add3A_449 = arith.addf %mul3A_445, %mul3A_448 : vector<16xf32>
        %mul3A_450 = arith.constant 0.949999988 : f32
        %mul3A_451 = vector.broadcast %mul3A_450 : f32 to vector<16xf32>
        %mul3A_452 = arith.mulf %while3A_396, %mul3A_451 : vector<16xf32>
        %mul3A_453 = arith.constant 5.000000e-02 : f32
        %mul3A_454 = vector.broadcast %mul3A_453 : f32 to vector<16xf32>
        %mul3A_455 = arith.mulf %get3A_418, %mul3A_454 : vector<16xf32>
        %add3A_456 = arith.addf %mul3A_452, %mul3A_455 : vector<16xf32>
        %mul3A_457 = arith.constant 0.949999988 : f32
        %mul3A_458 = vector.broadcast %mul3A_457 : f32 to vector<16xf32>
        %mul3A_459 = arith.mulf %while3A_397, %mul3A_458 : vector<16xf32>
        %mul3A_460 = arith.constant 5.000000e-02 : f32
        %mul3A_461 = vector.broadcast %mul3A_460 : f32 to vector<16xf32>
        %mul3A_462 = arith.mulf %get3A_422, %mul3A_461 : vector<16xf32>
        %add3A_463 = arith.addf %mul3A_459, %mul3A_462 : vector<16xf32>
        %mul3A_464 = arith.constant 0.949999988 : f32
        %mul3A_465 = vector.broadcast %mul3A_464 : f32 to vector<16xf32>
        %mul3A_466 = arith.mulf %while3A_398, %mul3A_465 : vector<16xf32>
        %mul3A_467 = arith.constant 5.000000e-02 : f32
        %mul3A_468 = vector.broadcast %mul3A_467 : f32 to vector<16xf32>
        %mul3A_469 = arith.mulf %get3A_426, %mul3A_468 : vector<16xf32>
        %add3A_470 = arith.addf %mul3A_466, %mul3A_469 : vector<16xf32>
        %mul3A_471 = arith.constant 0.949999988 : f32
        %mul3A_472 = vector.broadcast %mul3A_471 : f32 to vector<16xf32>
        %mul3A_473 = arith.mulf %while3A_399, %mul3A_472 : vector<16xf32>
        %mul3A_474 = arith.constant 5.000000e-02 : f32
        %mul3A_475 = vector.broadcast %mul3A_474 : f32 to vector<16xf32>
        %mul3A_476 = arith.mulf %get3A_430, %mul3A_475 : vector<16xf32>
        %add3A_477 = arith.addf %mul3A_473, %mul3A_476 : vector<16xf32>
        %mul3A_478 = arith.constant 0.949999988 : f32
        %mul3A_479 = vector.broadcast %mul3A_478 : f32 to vector<16xf32>
        %mul3A_480 = arith.mulf %while3A_400, %mul3A_479 : vector<16xf32>
        %mul3A_481 = arith.constant 5.000000e-02 : f32
        %mul3A_482 = vector.broadcast %mul3A_481 : f32 to vector<16xf32>
        %mul3A_483 = arith.mulf %get3A_434, %mul3A_482 : vector<16xf32>
        %add3A_484 = arith.addf %mul3A_480, %mul3A_483 : vector<16xf32>
        %mul3A_485 = arith.constant 0.949999988 : f32
        %mul3A_486 = vector.broadcast %mul3A_485 : f32 to vector<16xf32>
        %mul3A_487 = arith.mulf %while3A_401, %mul3A_486 : vector<16xf32>
        %mul3A_488 = arith.constant 5.000000e-02 : f32
        %mul3A_489 = vector.broadcast %mul3A_488 : f32 to vector<16xf32>
        %mul3A_490 = arith.mulf %get3A_438, %mul3A_489 : vector<16xf32>
        %add3A_491 = arith.addf %mul3A_487, %mul3A_490 : vector<16xf32>
        %mul3A_492 = arith.constant 0.949999988 : f32
        %mul3A_493 = vector.broadcast %mul3A_492 : f32 to vector<16xf32>
        %mul3A_494 = arith.mulf %while3A_402, %mul3A_493 : vector<16xf32>
        %mul3A_495 = arith.constant 5.000000e-02 : f32
        %mul3A_496 = vector.broadcast %mul3A_495 : f32 to vector<16xf32>
        %mul3A_497 = arith.mulf %get3A_442, %mul3A_496 : vector<16xf32>
        %add3A_498 = arith.addf %mul3A_494, %mul3A_497 : vector<16xf32>
        %mul3A_499 = arith.mulf %add3A_449, %add3A_449 : vector<16xf32>
        %mul3A_500 = arith.mulf %add3A_456, %add3A_456 : vector<16xf32>
        %add3A_501 = arith.addf %mul3A_499, %mul3A_500 : vector<16xf32>
        %mul3A_502 = arith.mulf %add3A_463, %add3A_463 : vector<16xf32>
        %add3A_503 = arith.addf %add3A_501, %mul3A_502 : vector<16xf32>
        %mul3A_504 = arith.mulf %add3A_470, %add3A_470 : vector<16xf32>
        %add3A_505 = arith.addf %add3A_503, %mul3A_504 : vector<16xf32>
        %mul3A_506 = arith.mulf %add3A_477, %add3A_477 : vector<16xf32>
        %add3A_507 = arith.addf %add3A_505, %mul3A_506 : vector<16xf32>
        %mul3A_508 = arith.mulf %add3A_484, %add3A_484 : vector<16xf32>
        %add3A_509 = arith.addf %add3A_507, %mul3A_508 : vector<16xf32>
        %mul3A_510 = arith.mulf %add3A_491, %add3A_491 : vector<16xf32>
        %add3A_511 = arith.addf %add3A_509, %mul3A_510 : vector<16xf32>
        %mul3A_512 = arith.mulf %add3A_498, %add3A_498 : vector<16xf32>
        %add3A_513 = arith.addf %add3A_511, %mul3A_512 : vector<16xf32>
        %xor3A = arith.constant 1 : i32
        %xor3A_514 = vector.broadcast %xor3A : i32 to vector<16xi32>
        %xor3A_515 = arith.xori %iota3A, %xor3A_514 : vector<16xi32>
        %lt3A = arith.constant 0 : i32
        %lt3A_516 = vector.broadcast %lt3A : i32 to vector<16xi32>
        %lt3A_517 = arith.cmpi slt, %xor3A_515, %lt3A_516 : vector<16xi32>
        %add3A_518 = arith.constant 16 : i32
        %add3A_519 = vector.broadcast %add3A_518 : i32 to vector<16xi32>
        %add3A_520 = arith.addi %xor3A_515, %add3A_519 : vector<16xi32>
        %select_n3A = arith.select %lt3A_517, %add3A_520, %xor3A_515 : vector<16xi1>, vector<16xi32>
        %broadcast_in_dim3A_521 = vector.shape_cast %select_n3A : vector<16xi32> to vector<16x1xi32>
        %gather3A = vector.shape_cast %broadcast_in_dim3A_521 : vector<16x1xi32> to vector<16xi32>
        %gather3A_522 = tpu.dynamic_gather %add3A_513[%gather3A] in [0] : vector<16xf32>, vector<16xi32> -> vector<16xf32>
        %add3A_523 = arith.addf %add3A_513, %gather3A_522 : vector<16xf32>
        %xor3A_524 = arith.constant 2 : i32
        %xor3A_525 = vector.broadcast %xor3A_524 : i32 to vector<16xi32>
        %xor3A_526 = arith.xori %iota3A, %xor3A_525 : vector<16xi32>
        %lt3A_527 = arith.constant 0 : i32
        %lt3A_528 = vector.broadcast %lt3A_527 : i32 to vector<16xi32>
        %lt3A_529 = arith.cmpi slt, %xor3A_526, %lt3A_528 : vector<16xi32>
        %add3A_530 = arith.constant 16 : i32
        %add3A_531 = vector.broadcast %add3A_530 : i32 to vector<16xi32>
        %add3A_532 = arith.addi %xor3A_526, %add3A_531 : vector<16xi32>
        %select_n3A_533 = arith.select %lt3A_529, %add3A_532, %xor3A_526 : vector<16xi1>, vector<16xi32>
        %broadcast_in_dim3A_534 = vector.shape_cast %select_n3A_533 : vector<16xi32> to vector<16x1xi32>
        %gather3A_535 = vector.shape_cast %broadcast_in_dim3A_534 : vector<16x1xi32> to vector<16xi32>
        %gather3A_536 = tpu.dynamic_gather %add3A_523[%gather3A_535] in [0] : vector<16xf32>, vector<16xi32> -> vector<16xf32>
        %add3A_537 = arith.addf %add3A_523, %gather3A_536 : vector<16xf32>
        %xor3A_538 = arith.constant 4 : i32
        %xor3A_539 = vector.broadcast %xor3A_538 : i32 to vector<16xi32>
        %xor3A_540 = arith.xori %iota3A, %xor3A_539 : vector<16xi32>
        %lt3A_541 = arith.constant 0 : i32
        %lt3A_542 = vector.broadcast %lt3A_541 : i32 to vector<16xi32>
        %lt3A_543 = arith.cmpi slt, %xor3A_540, %lt3A_542 : vector<16xi32>
        %add3A_544 = arith.constant 16 : i32
        %add3A_545 = vector.broadcast %add3A_544 : i32 to vector<16xi32>
        %add3A_546 = arith.addi %xor3A_540, %add3A_545 : vector<16xi32>
        %select_n3A_547 = arith.select %lt3A_543, %add3A_546, %xor3A_540 : vector<16xi1>, vector<16xi32>
        %broadcast_in_dim3A_548 = vector.shape_cast %select_n3A_547 : vector<16xi32> to vector<16x1xi32>
        %gather3A_549 = vector.shape_cast %broadcast_in_dim3A_548 : vector<16x1xi32> to vector<16xi32>
        %gather3A_550 = tpu.dynamic_gather %add3A_537[%gather3A_549] in [0] : vector<16xf32>, vector<16xi32> -> vector<16xf32>
        %add3A_551 = arith.addf %add3A_537, %gather3A_550 : vector<16xf32>
        %xor3A_552 = arith.constant 8 : i32
        %xor3A_553 = vector.broadcast %xor3A_552 : i32 to vector<16xi32>
        %xor3A_554 = arith.xori %iota3A, %xor3A_553 : vector<16xi32>
        %lt3A_555 = arith.constant 0 : i32
        %lt3A_556 = vector.broadcast %lt3A_555 : i32 to vector<16xi32>
        %lt3A_557 = arith.cmpi slt, %xor3A_554, %lt3A_556 : vector<16xi32>
        %add3A_558 = arith.constant 16 : i32
        %add3A_559 = vector.broadcast %add3A_558 : i32 to vector<16xi32>
        %add3A_560 = arith.addi %xor3A_554, %add3A_559 : vector<16xi32>
        %select_n3A_561 = arith.select %lt3A_557, %add3A_560, %xor3A_554 : vector<16xi1>, vector<16xi32>
        %broadcast_in_dim3A_562 = vector.shape_cast %select_n3A_561 : vector<16xi32> to vector<16x1xi32>
        %gather3A_563 = vector.shape_cast %broadcast_in_dim3A_562 : vector<16x1xi32> to vector<16xi32>
        %gather3A_564 = tpu.dynamic_gather %add3A_551[%gather3A_563] in [0] : vector<16xf32>, vector<16xi32> -> vector<16xf32>
        %add3A_565 = arith.addf %add3A_551, %gather3A_564 : vector<16xf32>
        %slice3A_566 = vector.extract_strided_slice %add3A_565 {offsets = [0], sizes = [1], strides = [1]} : vector<16xf32> to vector<1xf32>
        %squeeze3A_567 = vector.extract %slice3A_566[0] : f32 from vector<1xf32>
        %max3A = arith.constant 1.000000e-24 : f32
        %max3A_568 = arith.maximumf %squeeze3A_567, %max3A : f32
        %bitcast_convert_type3A = arith.bitcast %max3A_568 : f32 to i32
        %shift_right_logical3A = arith.constant 1 : i32
        %shift_right_logical3A_569 = arith.shrui %bitcast_convert_type3A, %shift_right_logical3A : i32
        %sub3A_570 = arith.constant 1597463007 : i32
        %sub3A_571 = arith.subi %sub3A_570, %shift_right_logical3A_569 : i32
        %bitcast_convert_type3A_572 = arith.bitcast %sub3A_571 : i32 to f32
        %mul3A_573 = arith.constant 5.000000e-01 : f32
        %mul3A_574 = arith.mulf %mul3A_573, %max3A_568 : f32
        %mul3A_575 = arith.mulf %mul3A_574, %bitcast_convert_type3A_572 : f32
        %mul3A_576 = arith.mulf %mul3A_575, %bitcast_convert_type3A_572 : f32
        %sub3A_577 = arith.constant 1.500000e+00 : f32
        %sub3A_578 = arith.subf %sub3A_577, %mul3A_576 : f32
        %mul3A_579 = arith.mulf %bitcast_convert_type3A_572, %sub3A_578 : f32
        %mul3A_580 = arith.constant 5.000000e-01 : f32
        %mul3A_581 = arith.mulf %mul3A_580, %max3A_568 : f32
        %mul3A_582 = arith.mulf %mul3A_581, %mul3A_579 : f32
        %mul3A_583 = arith.mulf %mul3A_582, %mul3A_579 : f32
        %sub3A_584 = arith.constant 1.500000e+00 : f32
        %sub3A_585 = arith.subf %sub3A_584, %mul3A_583 : f32
        %mul3A_586 = arith.mulf %mul3A_579, %sub3A_585 : f32
        %mul3A_587 = arith.constant 5.000000e-01 : f32
        %mul3A_588 = arith.mulf %mul3A_587, %max3A_568 : f32
        %mul3A_589 = arith.mulf %mul3A_588, %mul3A_586 : f32
        %mul3A_590 = arith.mulf %mul3A_589, %mul3A_586 : f32
        %sub3A_591 = arith.constant 1.500000e+00 : f32
        %sub3A_592 = arith.subf %sub3A_591, %mul3A_590 : f32
        %mul3A_593 = arith.mulf %mul3A_586, %sub3A_592 : f32
        %min3A = arith.constant 9.99999995E+11 : f32
        %min3A_594 = arith.minimumf %mul3A_593, %min3A : f32
        %broadcast_in_dim3A_595 = vector.broadcast %min3A_594 : f32 to vector<16xf32>
        %mul3A_596 = arith.mulf %add3A_449, %broadcast_in_dim3A_595 : vector<16xf32>
        %mul3A_597 = arith.mulf %add3A_456, %broadcast_in_dim3A_595 : vector<16xf32>
        %mul3A_598 = arith.mulf %add3A_463, %broadcast_in_dim3A_595 : vector<16xf32>
        %mul3A_599 = arith.mulf %add3A_470, %broadcast_in_dim3A_595 : vector<16xf32>
        %mul3A_600 = arith.mulf %add3A_477, %broadcast_in_dim3A_595 : vector<16xf32>
        %mul3A_601 = arith.mulf %add3A_484, %broadcast_in_dim3A_595 : vector<16xf32>
        %mul3A_602 = arith.mulf %add3A_491, %broadcast_in_dim3A_595 : vector<16xf32>
        %mul3A_603 = arith.mulf %add3A_498, %broadcast_in_dim3A_595 : vector<16xf32>
        scf.yield %cond3A_410, %mul3A_596, %mul3A_597, %mul3A_598, %mul3A_599, %mul3A_600, %mul3A_601, %mul3A_602, %mul3A_603 : i32, vector<16xf32>, vector<16xf32>, vector<16xf32>, vector<16xf32>, vector<16xf32>, vector<16xf32>, vector<16xf32>, vector<16xf32>
      }
      %swap3A_353 = arith.index_cast %scan3A_301 : i32 to index
      %swap3A_354 = arith.constant 0 : index
      %swap3A_355 = tpu.vector_load %arg19[%swap3A_353, %swap3A_354] {strides = array<i32>} : memref<32x128xf32, #tpu.memory_space<vmem>>, vector<1x16xf32>,
      %swap3A_356 = vector.shape_cast %swap3A_355 : vector<1x16xf32> to vector<16xf32>
      %swap3A_357 = vector.shape_cast %while3A_352#1 : vector<16xf32> to vector<1x16xf32>
      tpu.vector_store %arg19[%swap3A_353, %swap3A_354], %swap3A_357 {strides = array<i32>} : memref<32x128xf32, #tpu.memory_space<vmem>>, vector<1x16xf32>,
      %swap3A_358 = arith.index_cast %scan3A_301 : i32 to index
      %swap3A_359 = arith.constant 16 : index
      %swap3A_360 = tpu.vector_load %arg19[%swap3A_358, %swap3A_359] {strides = array<i32>} : memref<32x128xf32, #tpu.memory_space<vmem>>, vector<1x16xf32>,
      %swap3A_361 = vector.shape_cast %swap3A_360 : vector<1x16xf32> to vector<16xf32>
      %swap3A_362 = vector.shape_cast %while3A_352#2 : vector<16xf32> to vector<1x16xf32>
      tpu.vector_store %arg19[%swap3A_358, %swap3A_359], %swap3A_362 {strides = array<i32>} : memref<32x128xf32, #tpu.memory_space<vmem>>, vector<1x16xf32>,
      %swap3A_363 = arith.index_cast %scan3A_301 : i32 to index
      %swap3A_364 = arith.constant 32 : index
      %swap3A_365 = tpu.vector_load %arg19[%swap3A_363, %swap3A_364] {strides = array<i32>} : memref<32x128xf32, #tpu.memory_space<vmem>>, vector<1x16xf32>,
      %swap3A_366 = vector.shape_cast %swap3A_365 : vector<1x16xf32> to vector<16xf32>
      %swap3A_367 = vector.shape_cast %while3A_352#3 : vector<16xf32> to vector<1x16xf32>
      tpu.vector_store %arg19[%swap3A_363, %swap3A_364], %swap3A_367 {strides = array<i32>} : memref<32x128xf32, #tpu.memory_space<vmem>>, vector<1x16xf32>,
      %swap3A_368 = arith.index_cast %scan3A_301 : i32 to index
      %swap3A_369 = arith.constant 48 : index
      %swap3A_370 = tpu.vector_load %arg19[%swap3A_368, %swap3A_369] {strides = array<i32>} : memref<32x128xf32, #tpu.memory_space<vmem>>, vector<1x16xf32>,
      %swap3A_371 = vector.shape_cast %swap3A_370 : vector<1x16xf32> to vector<16xf32>
      %swap3A_372 = vector.shape_cast %while3A_352#4 : vector<16xf32> to vector<1x16xf32>
      tpu.vector_store %arg19[%swap3A_368, %swap3A_369], %swap3A_372 {strides = array<i32>} : memref<32x128xf32, #tpu.memory_space<vmem>>, vector<1x16xf32>,
      %swap3A_373 = arith.index_cast %scan3A_301 : i32 to index
      %swap3A_374 = arith.constant 64 : index
      %swap3A_375 = tpu.vector_load %arg19[%swap3A_373, %swap3A_374] {strides = array<i32>} : memref<32x128xf32, #tpu.memory_space<vmem>>, vector<1x16xf32>,
      %swap3A_376 = vector.shape_cast %swap3A_375 : vector<1x16xf32> to vector<16xf32>
      %swap3A_377 = vector.shape_cast %while3A_352#5 : vector<16xf32> to vector<1x16xf32>
      tpu.vector_store %arg19[%swap3A_373, %swap3A_374], %swap3A_377 {strides = array<i32>} : memref<32x128xf32, #tpu.memory_space<vmem>>, vector<1x16xf32>,
      %swap3A_378 = arith.index_cast %scan3A_301 : i32 to index
      %swap3A_379 = arith.constant 80 : index
      %swap3A_380 = tpu.vector_load %arg19[%swap3A_378, %swap3A_379] {strides = array<i32>} : memref<32x128xf32, #tpu.memory_space<vmem>>, vector<1x16xf32>,
      %swap3A_381 = vector.shape_cast %swap3A_380 : vector<1x16xf32> to vector<16xf32>
      %swap3A_382 = vector.shape_cast %while3A_352#6 : vector<16xf32> to vector<1x16xf32>
      tpu.vector_store %arg19[%swap3A_378, %swap3A_379], %swap3A_382 {strides = array<i32>} : memref<32x128xf32, #tpu.memory_space<vmem>>, vector<1x16xf32>,
      %swap3A_383 = arith.index_cast %scan3A_301 : i32 to index
      %swap3A_384 = arith.constant 96 : index
      %swap3A_385 = tpu.vector_load %arg19[%swap3A_383, %swap3A_384] {strides = array<i32>} : memref<32x128xf32, #tpu.memory_space<vmem>>, vector<1x16xf32>,
      %swap3A_386 = vector.shape_cast %swap3A_385 : vector<1x16xf32> to vector<16xf32>
      %swap3A_387 = vector.shape_cast %while3A_352#7 : vector<16xf32> to vector<1x16xf32>
      tpu.vector_store %arg19[%swap3A_383, %swap3A_384], %swap3A_387 {strides = array<i32>} : memref<32x128xf32, #tpu.memory_space<vmem>>, vector<1x16xf32>,
      %swap3A_388 = arith.index_cast %scan3A_301 : i32 to index
      %swap3A_389 = arith.constant 112 : index
      %swap3A_390 = tpu.vector_load %arg19[%swap3A_388, %swap3A_389] {strides = array<i32>} : memref<32x128xf32, #tpu.memory_space<vmem>>, vector<1x16xf32>,
      %swap3A_391 = vector.shape_cast %swap3A_390 : vector<1x16xf32> to vector<16xf32>
      %swap3A_392 = vector.shape_cast %while3A_352#8 : vector<16xf32> to vector<1x16xf32>
      tpu.vector_store %arg19[%swap3A_388, %swap3A_389], %swap3A_392 {strides = array<i32>} : memref<32x128xf32, #tpu.memory_space<vmem>>, vector<1x16xf32>,
      scf.yield %while3A_352#0 : i32
    }
    %scan3A_290 = arith.constant 32 : i32
    %ne3A_291 = arith.constant 992 : i32
    %ne3A_292 = arith.cmpi ne, %add3A_274, %ne3A_291 : i32
    %convert_element_type3A_293 = arith.extui %ne3A_292 : i1 to i32
    %cond3A_294 = arith.constant 0 : i32
    %cond3A_295 = arith.cmpi ne, %convert_element_type3A_293, %cond3A_294 : i32
    scf.if %cond3A_295 {
      "tpu.region"() ({
        %run_scoped3A_301 = tpu.sem_alloc : memref<!tpu.dma_semaphore, #tpu.memory_space<semaphore_mem>>
        %dma_start3A = arith.constant 0 : i32
        %dma_start3A_302 = tpu.memref_slice %arg5[%add3A_274, %dma_start3A] : memref<1000x128xf32, #tpu.memory_space<hbm>> -> memref<32x128xf32, #tpu.memory_space<hbm>>
        %dma_start3A_303 = arith.constant 0 : i32
        %dma_start3A_304 = tpu.memref_slice %arg5[%add3A_274, %dma_start3A_303] : memref<1000x128xf32, #tpu.memory_space<hbm>> -> memref<32x128xf32, #tpu.memory_space<hbm>>
        tpu.enqueue_dma source(%arg19 : memref<32x128xf32, #tpu.memory_space<vmem>>) target(%dma_start3A_304 : memref<32x128xf32, #tpu.memory_space<hbm>>) target_semaphore(%run_scoped3A_301 : memref<!tpu.dma_semaphore, #tpu.memory_space<semaphore_mem>>)
        %dma_wait3A = arith.constant 0 : i32
        %dma_wait3A_305 = tpu.memref_slice %arg5[%add3A_274, %dma_wait3A] : memref<1000x128xf32, #tpu.memory_space<hbm>> -> memref<32x128xf32, #tpu.memory_space<hbm>>
        %dma_wait3A_306 = arith.constant 0 : i32
        %dma_wait3A_307 = tpu.memref_slice %arg5[%add3A_274, %dma_wait3A_306] : memref<1000x128xf32, #tpu.memory_space<hbm>> -> memref<32x128xf32, #tpu.memory_space<hbm>>
        tpu.wait_dma2 semaphore(%run_scoped3A_301 : memref<!tpu.dma_semaphore, #tpu.memory_space<semaphore_mem>>) src(%arg19 : memref<32x128xf32, #tpu.memory_space<vmem>>) dst(%dma_wait3A_307 : memref<32x128xf32, #tpu.memory_space<hbm>>)
        tpu.yield
      }) : () -> ()
    } else {
    }
    %eq3A_296 = arith.constant 992 : i32
    %eq3A_297 = arith.cmpi eq, %add3A_274, %eq3A_296 : i32
    %convert_element_type3A_298 = arith.extui %eq3A_297 : i1 to i32
    %cond3A_299 = arith.constant 0 : i32
    %cond3A_300 = arith.cmpi ne, %convert_element_type3A_298, %cond3A_299 : i32
    scf.if %cond3A_300 {
      "tpu.region"() ({
        %run_scoped3A_301 = tpu.sem_alloc : memref<!tpu.dma_semaphore, #tpu.memory_space<semaphore_mem>>
        %dma_start3A = arith.constant 0 : i32
        %dma_start3A_302 = arith.constant 0 : i32
        %dma_start3A_303 = tpu.memref_slice %arg19[%dma_start3A, %dma_start3A_302] : memref<32x128xf32, #tpu.memory_space<vmem>> -> memref<8x128xf32, #tpu.memory_space<vmem>>
        %dma_start3A_304 = arith.constant 992 : i32
        %dma_start3A_305 = arith.constant 0 : i32
        %dma_start3A_306 = tpu.memref_slice %arg5[%dma_start3A_304, %dma_start3A_305] : memref<1000x128xf32, #tpu.memory_space<hbm>> -> memref<8x128xf32, #tpu.memory_space<hbm>>
        %dma_start3A_307 = arith.constant 992 : i32
        %dma_start3A_308 = arith.constant 0 : i32
        %dma_start3A_309 = tpu.memref_slice %arg5[%dma_start3A_307, %dma_start3A_308] : memref<1000x128xf32, #tpu.memory_space<hbm>> -> memref<8x128xf32, #tpu.memory_space<hbm>>
        %dma_start3A_310 = arith.constant 0 : i32
        %dma_start3A_311 = arith.constant 0 : i32
        %dma_start3A_312 = tpu.memref_slice %arg19[%dma_start3A_310, %dma_start3A_311] : memref<32x128xf32, #tpu.memory_space<vmem>> -> memref<8x128xf32, #tpu.memory_space<vmem>>
        tpu.enqueue_dma source(%dma_start3A_312 : memref<8x128xf32, #tpu.memory_space<vmem>>) target(%dma_start3A_309 : memref<8x128xf32, #tpu.memory_space<hbm>>) target_semaphore(%run_scoped3A_301 : memref<!tpu.dma_semaphore, #tpu.memory_space<semaphore_mem>>)
        %dma_wait3A = arith.constant 0 : i32
        %dma_wait3A_313 = arith.constant 0 : i32
        %dma_wait3A_314 = tpu.memref_slice %arg19[%dma_wait3A, %dma_wait3A_313] : memref<32x128xf32, #tpu.memory_space<vmem>> -> memref<8x128xf32, #tpu.memory_space<vmem>>
        %dma_wait3A_315 = arith.constant 992 : i32
        %dma_wait3A_316 = arith.constant 0 : i32
        %dma_wait3A_317 = tpu.memref_slice %arg5[%dma_wait3A_315, %dma_wait3A_316] : memref<1000x128xf32, #tpu.memory_space<hbm>> -> memref<8x128xf32, #tpu.memory_space<hbm>>
        %dma_wait3A_318 = arith.constant 992 : i32
        %dma_wait3A_319 = arith.constant 0 : i32
        %dma_wait3A_320 = tpu.memref_slice %arg5[%dma_wait3A_318, %dma_wait3A_319] : memref<1000x128xf32, #tpu.memory_space<hbm>> -> memref<8x128xf32, #tpu.memory_space<hbm>>
        %dma_wait3A_321 = arith.constant 0 : i32
        %dma_wait3A_322 = arith.constant 0 : i32
        %dma_wait3A_323 = tpu.memref_slice %arg19[%dma_wait3A_321, %dma_wait3A_322] : memref<32x128xf32, #tpu.memory_space<vmem>> -> memref<8x128xf32, #tpu.memory_space<vmem>>
        tpu.wait_dma2 semaphore(%run_scoped3A_301 : memref<!tpu.dma_semaphore, #tpu.memory_space<semaphore_mem>>) src(%dma_wait3A_323 : memref<8x128xf32, #tpu.memory_space<vmem>>) dst(%dma_wait3A_320 : memref<8x128xf32, #tpu.memory_space<hbm>>)
        tpu.yield
      }) : () -> ()
    } else {
    }
    return
  }
}

module attributes {stable_mosaic.version = 14 : i64} {
  func.func @_loss_body(%arg0: memref<1000x128xf32, #tpu.memory_space<vmem>>, %arg1: memref<1x1xf32, #tpu.memory_space<smem>>) attributes {dimension_semantics = [], scalar_prefetch = 0 : i64, scratch_operands = 0 : i64, tpu.core_type = #tpu.core_type<tc>} {
    %get3A = arith.constant 0 : index
    %get3A_0 = arith.constant 0 : index
    %get3A_1 = vector.load %arg0[%get3A, %get3A_0] : memref<1000x128xf32, #tpu.memory_space<vmem>>, vector<1000x128xf32>
    %dot_general3A = arith.constant dense<0.000000e+00> : vector<1000x1000xf32>
    %dot_general3A_2 = tpu.matmul %get3A_1, %get3A_1, %dot_general3A {dimension_numbers = #tpu.dot_dimension_numbers<[1], [1], [0], [0], [0, 0, 1, 0], [], []>, transpose_lhs_hint = false} : vector<1000x128xf32>, vector<1000x128xf32>, vector<1000x1000xf32> -> vector<1000x1000xf32>
    %mul3A = arith.constant 1.000000e+01 : f32
    %mul3A_3 = vector.broadcast %mul3A : f32 to vector<1000x1000xf32>
    %mul3A_4 = arith.mulf %dot_general3A_2, %mul3A_3 : vector<1000x1000xf32>
    %iota3A = tpu.iota {dimensions = array<i32: 0>} : vector<1000x1000xi32>
    %iota3A_5 = tpu.iota {dimensions = array<i32: 1>} : vector<1000x1000xi32>
    %ne3A = arith.cmpi ne, %iota3A, %iota3A_5 : vector<1000x1000xi32>
    %convert_element_type3A = arith.extui %ne3A : vector<1000x1000xi1> to vector<1000x1000xi32>
    %convert_element_type3A_6 = arith.sitofp %convert_element_type3A : vector<1000x1000xi32> to vector<1000x1000xf32>
    %exp3A = math.exp %mul3A_4 : vector<1000x1000xf32>
    %mul3A_7 = arith.mulf %exp3A, %convert_element_type3A_6 : vector<1000x1000xf32>
    %reduce_sum3A = arith.constant dense<0.000000e+00> : vector<1000xf32>
    %reduce_sum3A_8 = vector.multi_reduction <add>, %mul3A_7, %reduce_sum3A [1] : vector<1000x1000xf32> to vector<1000xf32>
    %mul3A_9 = arith.constant 0.00100100099 : f32
    %mul3A_10 = vector.broadcast %mul3A_9 : f32 to vector<1000xf32>
    %mul3A_11 = arith.mulf %reduce_sum3A_8, %mul3A_10 : vector<1000xf32>
    %log3A = math.log %mul3A_11 : vector<1000xf32>
    %reduce_sum3A_12 = vector.shape_cast %log3A : vector<1000xf32> to vector<1x1000xf32>
    %reduce_sum3A_13 = arith.constant dense<0.000000e+00> : vector<1xf32>
    %reduce_sum3A_14 = vector.multi_reduction <add>, %reduce_sum3A_12, %reduce_sum3A_13 [1] : vector<1x1000xf32> to vector<1xf32>
    %reduce_sum3A_15 = vector.shape_cast %reduce_sum3A_14 : vector<1xf32> to vector<1x1xf32>
    %reduce_sum3A_16 = vector.extract %reduce_sum3A_15[0, 0] : f32 from vector<1x1xf32>
    %mul3A_17 = arith.constant 1.000000e-03 : f32
    %mul3A_18 = arith.mulf %reduce_sum3A_16, %mul3A_17 : f32
    %swap3A = arith.constant 0 : index
    %swap3A_19 = arith.constant 0 : index
    %swap3A_20 = memref.load %arg1[%swap3A, %swap3A_19] : memref<1x1xf32, #tpu.memory_space<smem>>
    memref.store %mul3A_18, %arg1[%swap3A, %swap3A_19] : memref<1x1xf32, #tpu.memory_space<smem>>
    return
  }
}

</mosaic_0001>

<sc_bundles>
// kernel: kernel.4.cloned.1.call-start
scs
__scs_entry_jumppad:
0x0: {  	(pc) =	sbr.rel $0x88, $3  }
0x1: {  	(tag) =	ssettag $0x0;
	lr =	simm.s32 $0x1  }
0x2: {  	[smem:$0x3F9E] =	sst lr;
	_ =	strace $0xD0000000  }
0x3: {  	_ = 	snop  }
0x4: {  	_ = 	snop  }
0x5: {  	_ = 	snop  }
0x6: {  	_ = 	snop  }
0x7: {  	_ = 	snop  }
__scs_overlays_trampoline_lowered:
0x8: {  	[smem:$0x3FAD] =	sst s0  }
0x9: {  	[smem:$0x3FAE] =	sst s1  }
0xa: {  	[smem:$0x3FAF] =	sst s2  }
0xb: {  	[smem:$0x3FB0] =	sst s3  }
0xc: {  	[smem:$0x3FB1] =	sst s4  }
0xd: {  	[smem:$0x3FB2] =	sst s5  }
0xe: {  	[smem:$0x3FB3] =	sst s6  }
0xf: {  	[smem:$0x3FB4] =	sst s7  }
0x10: {  	[smem:$0x3FB5] =	sst s8  }
0x11: {  	[smem:$0x3FB6] =	sst s9;
	s0 =	simm.s32 @!p0 $0x0  }
0x12: {  	s1 =	sld [smem:$0x3F9C];
	s0 =	simm.s32 @p0 $0x1  }
0x13: {  	[smem:$0x3FB7] =	sst s0;
	s0 =	simm.s32 @!p1 $0x0  }
0x14: {  	s2 =	sld [smem:$0x3F9B];
	s0 =	simm.s32 @p1 $0x1  }
0x15: {  	[smem:$0x3FB8] =	sst s0;
	s0 =	simm.s32 @!p2 $0x0  }
0x16: {  	s3 =	sld [smem:$0x3FDB];
	s0 =	simm.s32 @p2 $0x1  }
0x17: {  	s4 =	simm.s32 $0x1BF5;
	[smem:$0x3FBA] =	sst s0  }
0x18: {  	s0 =	sld [smem:$0x3F9D];
	_ =	swait.ge [sflag:s4], $0x0  }
0x19: {  	s7 =	sld [smem:$0x3F9E]  }
0x1a: {  	s8 =	sadd.s32 $0xFFFFE003, lr  }
0x1b: {  	s9 =	sadd.s32 $0xFFFFFEF7, lr;
	s5 =	simm.s32 $0xFFFFFFFF;
	p2 =	slt.u32 s8, $0xFFFFF086  }
0x1c: {  	p1 =	slt.u32 s9, $0xF7A;
	s5 =	simm.s32 @!p2 $0x0  }
0x1d: {  	s5 =	simm.s32 @p1 $0x1;
	p0 =	seq.s32 s7, s2  }
0x1e: {  	s7 =	smul.u32 @!p0 $0xF7A, s2;
	p2 =	seq.s32 @!p0 s5, $0x0  }
0x1f: {  	s9 =	smul.u32 $0xF7A, s1;
	s8 =	simm.s32 @!p0 $0x1BF5;
	p2 =	por !p2, p0  }
0x20: {  	[sflag:s8] =	ssyncset.s32 @!p0 $0xFFFFF086;
	s6 =	sadd.s32 @!p0 s3, s7;
	s7 =	simm.s32 @!p0 $0x108  }
0x21: {  	s3 =	sadd.s32 s3, s9;
	s6 =	sadd.s32 @!p0 $0x88, s6;
	s7 =	simm.s32 @p2 $0x1082  }
0x22: {  	[simem:s7], [sflag:s8] =	dma.local @!p0 [hbm:s6], $0xF7A  }
0x23: {  	s9 =	sor.u32 $0xD0000000, s2;
	s6 =	simm.s32 $0x108;
	_ =	swait.ge @!p0 [sflag:s8], $0x0  }
0x24: {  	s3 =	sadd.s32 $0x88, s3;
	s6 =	simm.s32 @!p1 $0x1082;
	[sflag:s4] =	ssyncset.s32 $0xFFFFF086  }
0x25: {  	[simem:s6], [sflag:s4] =	dma.local [hbm:s3], $0xF7A  }
0x26: {  	[smem:$0x3F9E] =	sst s1;
	(tag) =	ssettag s2;
	_ =	strace s9  }
0x27: {  	s1 =	sld [smem:$0x3FAE]  }
0x28: {  	s2 =	sld [smem:$0x3FAF]  }
0x29: {  	s4 =	sld [smem:$0x3FB1]  }
0x2a: {  	p0 =	seq.s32 s5, $0x0;
	s5 =	sld [smem:$0x3FB2]  }
0x2b: {  	s6 =	sld [smem:$0x3FB3]  }
0x2c: {  	s7 =	sld [smem:$0x3FB4]  }
0x2d: {  	s3 =	simm.s32 $0x108;
	s8 =	sld [smem:$0x3FB5]  }
0x2e: {  	s3 =	simm.s32 @!p0 $0x1082;
	s9 =	sld [smem:$0x3FB6]  }
0x2f: {  	lr =	sadd.s32 s0, s3;
	s0 =	sld [smem:$0x3FAD]  }
0x30: {  	s3 =	sld [smem:$0x3FB0]  }
0x31: {  	[smem:$0x3FB9] =	sst s10  }
0x32: {  	s10 =	sld [smem:$0x3FB7];
	_ =	sdelay $0x3  }
0x33: {  	p0 =	seq.s32 s10, $0x1;
	s10 =	sld [smem:$0x3FB9];
	_ =	sdelay $0x3  }
0x34: {  	[smem:$0x3FB9] =	sst s10  }
0x35: {  	s10 =	sld [smem:$0x3FB8];
	_ =	sdelay $0x3  }
0x36: {  	p1 =	seq.s32 s10, $0x1;
	s10 =	sld [smem:$0x3FB9];
	_ =	sdelay $0x3  }
0x37: {  	[smem:$0x3FB9] =	sst s10  }
0x38: {  	s10 =	sld [smem:$0x3FBA]  }
0x39: {  	_ = 	snop;
	(pc) =	sbr.ind lr, $3  }
0x3a: {  	_ = 	snop  }
0x3b: {  	_ = 	snop  }
0x3c: {  	p2 =	seq.s32 s10, $0x1;
	s10 =	sld [smem:$0x3FB9]  }
0x3d: {  	_ =	shalt  }
0x3e: {  	_ =	shalt  }
0x3f: {  	_ =	shalt  }
0x40: {  	_ =	shalt  }
0x41: {  	_ =	shalt  }
0x42: {  	_ =	shalt  }
0x43: {  	_ =	shalt  }
0x44: {  	_ =	shalt  }
0x45: {  	_ =	shalt  }
0x46: {  	_ =	shalt  }
0x47: {  	_ =	shalt  }
0x48: {  	_ =	shalt  }
0x49: {  	_ =	shalt  }
0x4a: {  	_ =	shalt  }
0x4b: {  	_ =	shalt  }
0x4c: {  	_ =	shalt  }
0x4d: {  	_ =	shalt  }
0x4e: {  	_ =	shalt  }
0x4f: {  	_ =	shalt  }
0x50: {  	_ =	shalt  }
0x51: {  	_ =	shalt  }
0x52: {  	_ =	shalt  }
0x53: {  	_ =	shalt  }
0x54: {  	_ =	shalt  }
0x55: {  	_ =	shalt  }
0x56: {  	_ =	shalt  }
0x57: {  	_ =	shalt  }
0x58: {  	_ =	shalt  }
0x59: {  	_ =	shalt  }
0x5a: {  	_ =	shalt  }
0x5b: {  	_ =	shalt  }
0x5c: {  	_ =	shalt  }
0x5d: {  	_ =	shalt  }
0x5e: {  	_ =	shalt  }
0x5f: {  	_ =	shalt  }
0x60: {  	_ =	shalt  }
0x61: {  	_ =	shalt  }
0x62: {  	_ =	shalt  }
0x63: {  	_ =	shalt  }
0x64: {  	_ =	shalt  }
0x65: {  	_ =	shalt  }
0x66: {  	_ =	shalt  }
0x67: {  	_ =	shalt  }
0x68: {  	_ =	shalt  }
0x69: {  	_ =	shalt  }
0x6a: {  	_ =	shalt  }
0x6b: {  	_ =	shalt  }
0x6c: {  	_ =	shalt  }
0x6d: {  	_ =	shalt  }
0x6e: {  	_ =	shalt  }
0x6f: {  	_ =	shalt  }
0x70: {  	_ =	shalt  }
0x71: {  	_ =	shalt  }
0x72: {  	_ =	shalt  }
0x73: {  	_ =	shalt  }
0x74: {  	_ =	shalt  }
0x75: {  	_ =	shalt  }
0x76: {  	_ =	shalt  }
0x77: {  	_ =	shalt  }
0x78: {  	_ =	shalt  }
0x79: {  	_ =	shalt  }
0x7a: {  	_ =	shalt  }
0x7b: {  	_ =	shalt  }
0x7c: {  	_ =	shalt  }
0x7d: {  	_ =	shalt  }
0x7e: {  	_ =	shalt  }
0x7f: {  	_ =	shalt  }
0x80: {  	_ =	shalt  }
0x81: {  	_ =	shalt  }
0x82: {  	_ =	shalt  }
0x83: {  	_ =	shalt  }
0x84: {  	_ =	shalt  }
0x85: {  	_ =	shalt  }
0x86: {  	_ =	shalt  }
0x87: {  	_ =	shalt  }
.Lfunc_end0:
.L_simem_size_0:
called_computation_lowered:
.L_overlay_start_0:
0x88: {  	s2 =	sld [smem:$0x3FD9]  }
0x89: {  	s3 =	sld [smem:$0x3FFE];
	_ =	sdelay $0x1  }
0x8a: {  	s1 =	srdreg.scid  }
0x8b: {  	s0 =	sand.u32 $0x1, s1  }
0x8c: {  	s17 =	sshll.u32 s0, $0xA;
	s2 =	sadd.s32 s3, s2  }
0x8d: {  	s2 =	sadd.s32 s2, s17  }
0x8e: {  	[smem:$0x3FC5] =	sst s2  }
0x8f: {  	_ = 	snop  }
0x90: {  	s2 =	sld [smem:$0x3FC9]  }
0x91: {  	s18 =	sld [smem:$0x3FC8]  }
0x92: {  	s4 =	sld [smem:$0x3FC7];
	(tm) =	ssettm $0x1  }
0x93: {  	s5 =	sld [smem:$0x3FFB];
	_ =	sdelay $0x3  }
0x94: {  	_ =	strace s5  }
0x95: {  	s5 =	sld [smem:$0x3FFC];
	_ =	sdelay $0x3  }
0x96: {  	_ =	strace s5  }
0x97: {  	s5 =	sld [smem:$0x3FFD];
	_ =	sdelay $0x3  }
0x98: {  	_ =	strace s5  }
0x99: {  	_ =	strace $0x8FFFFFFF  }
0x9a: {  	s19 =	sld [smem:$0x3FDB];
	_ =	sdelay $0x1  }
0x9b: {  	s6 =	simm.s32 $_scs_section_size  }
0x9c: {  	s7 =	simm.s32 $_size__tile_overlayer_lowered;
	s8 =	simm.s32 $_tile_overlayer_lowered  }
0x9d: {  	s22 =	simm.s32 $0x1BFF;
	s21 =	sshll.u32 s8, $0x1;
	s5 =	sadd.s32 s6, s19  }
0x9e: {  	s9 =	simm.s32 $0x0;
	s20 =	sshll.u32 s7, $0x1;
	s7 =	sadd.s32 s21, s5  }
0x9f: {  	[timem:s9], [sflag:s22] =	dma.local [hbm:s7], s20  }
0xa0: {  	_ =	swait.ge [sflag:s22], s20  }
0xa1: {  	s6 =	ssub.s32 $0x0, s20;
	[sflag:s22] =	ssyncset.done $0x0  }
0xa2: {  	[sflag:s22] =	ssyncadd.s32 s6;
	_ =	sdelay $0x1  }
0xa3: {  	s23 =	simm.s32 $0x1B8B  }
0xa4: {  	_ =	swait.ge [sflag:s23], $0x1  }
0xa5: {  	[sflag:s23] =	ssyncset.done $0x0  }
0xa6: {  	s25 =	simm.s32 $0x1B8E;
	s24 =	sld [smem:$0x3FFE];
	[sflag:s23] =	ssyncadd.s32 $0xFFFFFFFF  }
0xa7: {  	s26 =	simm.s32 $execute0_lowered;
	[smem:$0x3FD2] =	sst s25  }
0xa8: {  	s7 =	sshll.u32 s26, $0x1;
	_ =	strace $0x80000046;
	[dreg:$0x1] =	wrdreg $0xFFFFFFFF  }
0xa9: {  	s28 =	simm.s32 $_size_execute0_lowered;
	s5 =	sadd.s32 s5, s7;
	[dreg:$0x0] =	wrdreg $0x0  }
0xaa: {  	s7 =	sshll.u32 s28, $0x1;
	[dreg:$0x2] =	wrdreg s5  }
0xab: {  	[dreg:$0x3] =	wrdreg s7  }
0xac: {  	[dreg:$0x4] =	wrdreg $0xC0  }
0xad: {  	_ =	task [dreg:s9], $0x5FFFF  }
0xae: {  	[dreg:$0x1] =	wrdreg $0xFFFFFFFF  }
0xaf: {  	[dreg:$0x0] =	wrdreg $0x60  }
0xb0: {  	[dreg:$0x2] =	wrdreg s2  }
0xb1: {  	[dreg:$0x3] =	wrdreg s18  }
0xb2: {  	[dreg:$0x4] =	wrdreg s4  }
0xb3: {  	[dreg:$0x5] =	wrdreg s24  }
0xb4: {  	[dreg:$0x6] =	wrdreg $0x0  }
0xb5: {  	[dreg:$0x7] =	wrdreg $0x4000  }
0xb6: {  	[dreg:$0x8] =	wrdreg $0x9  }
0xb7: {  	_ =	task.clear_ibuf [dreg:s9], $0x9FFFF;
	_ =	strace $0x90000046  }
0xb8: {  	s29 =	simm.s32 $0x9;
	_ =	strace $0x80000048  }
0xb9: {  	_ =	swait.ge [sflag:s29], $0x1  }
0xba: {  	[sflag:s29] =	ssyncadd.s32 $0xFFFFFFFF  }
0xbb: {  	_ =	strace $0x90000048  }
0xbc: {  	_ =	sfence  }
0xbd: {  	s30 =	sld [smem:$0x0];
	_ =	sdelay $0x2  }
0xbe: {  	s31 =	sshll.u32 s1, $0xD;
	s1 =	sshrl.u32 s1, $0x2  }
0xbf: {  	s3 =	sand.u32 $0x4000, s31;
	s1 =	sadd.s32 s1, s30  }
0xc0: {  	s0 =	sor.u32 s3, s0;
	s1 =	sshll.u32 s1, $0x11  }
0xc1: {  	s0 =	sor.u32 s1, s0  }
0xc2: {  	s0 =	sadd.s32 $0x8F2B, s0  }
0xc3: {  	[sflag:s0] =	ssyncadd.remote.s32 $0x1  }
0xc4: {  	_ =	sfence.sel $0xFFFF  }
0xc5: {  	[dreg:$0x0] =	wrdreg $0xFFFFFFFF;
	(pc) =	sbr.abs _section_cstart, $3  }
0xc6: {  	[dreg:$0x1] =	wrdreg $0xFFFFFFFF  }
0xc7: {  	_ =	task.clear_ibuf [dreg:s9], $0x2FFFF;
	_ =	strace $0x9FFFFFFF  }
0xc8: {  	(tm) =	ssettm $0x7FFFFFFF  }
0xc9: {  	_ =	shalt  }
tec
execute0_lowered:
.L_overlay_start_1:
0x0: {  	(tag) =	ssettag $0x1  }
0x1: {  	v13 =	vlaneseq.u32;
	v26 =	vimm.s32 $0xEFCDAB89  }
0x2: {  	v28 =	vimm.s32 $0x67452301;
	v31 =	vimm.s32 $0x54761032;
	v49 =	vimm.s32 $0xBA98FEDC  }
0x3: {  	v36 =	vimm.s32 $0x32107654;
	v38 =	vimm.s32 $0xFEDCBA98;
	v51 =	vimm.s32 $0x76543210  }
0x4: {  	v40 =	vimm.s32 $0xEDCBA987;
	v53 =	vimm.s32 $0x65432100;
	v42 =	vimm.s32 $0xDCBA9876  }
0x5: {  	v54 =	vimm.s32 $0x54321000;
	v57 =	vimm.s32 $0xBA987654;
	v43 =	vimm.s32 $0xE40000  }
0x6: {  	s5 =	stileid.u32;
	s0 =	simm.s32 $0x1;
	s1 =	simm.s32 $0x1;
	v44 =	vimm.s32 $0x32100000;
	v63 =	vimm.s32 $0x7060504;
	vm0 =	vmmov $0x3  }
0x7: {  	s2 =	simm.s32 $0x1;
	s3 =	simm.s32 $0x1;
	s4 =	simm.s32 $0x1;
	vm2 =	vcmask $0x3F30;
	vm1 =	vmmov $0xf;
	vm6 =	vcmask $0x704  }
0x8: {  	s6 =	simm.s32 $0x1;
	s7 =	simm.s32 $0x1;
	s16 =	rddreg [dreg:$0x0];
	vm7 =	vcmask $0xB08;
	vm8 =	vcmask $0xF0C;
	vm9 =	vcmask $0x1310  }
0x9: {  	s8 =	simm.s32 $0x1;
	s9 =	simm.s32 $0x1;
	s17 =	rddreg [dreg:$0x1];
	vm10 =	vcmask $0x1714;
	vm11 =	vcmask $0x1B18;
	vm12 =	vcmask $0x1F1C  }
0xa: {  	s10 =	simm.s32 $0x1;
	s11 =	simm.s32 $0x1;
	s18 =	rddreg [dreg:$0x2];
	vm13 =	vcmask $0x2320;
	vm14 =	vcmask $0x2724;
	vm15 =	vcmask $0x2B28  }
0xb: {  	s19 =	rddreg [dreg:$0x3];
	s20 =	srdreg.scid;
	s24 =	simm.s32 $0x0;
	vm4 =	vcmask $0x3330;
	v29 =	vunpack.c.l.s4.s8 v26;
	v30 =	vunpack.c.l.s4.s8 v28  }
0xc: {  	p0 =	sne.s32 s5, $0x0;
	p1 =	sgt.u32 s5, $0x1;
	p2 =	sgt.u32 s5, $0x2;
	v35 =	vunpack.c.l.s4.s8 v31;
	v37 =	vunpack.c.l.s4.s8 v49;
	v36 =	vunpack.c.l.s4.s8 v36  }
0xd: {  	s28 =	sshll.u32 s5, $0x8;
	v50 =	vunpack.c.l.s4.s8 v38;
	v38 =	vunpack.c.l.s4.s8 v51;
	v52 =	vunpack.c.l.s4.s8 v40;
	[dreg:$0x7] =	wrdreg s16;
	s21 =	sand.u32 $0x1, s20  }
0xe: {  	v40 =	vunpack.c.l.s4.s8 v53;
	v55 =	vunpack.c.l.s4.s8 v42;
	v56 =	vunpack.c.l.s4.s8 v54;
	s22 =	sshll.u32 s5, $0x5;
	[smem:$0x7FF] =	sst s24;
	s0 =	simm.s32 @!p0 $0x0  }
0xf: {  	v45 =	vunpack.c.l.s4.s8 v57;
	v43 =	vunpack.c.l.s2.s4 v43;
	v59 =	vunpack.c.l.s4.s8 v44;
	s1 =	simm.s32 @!p1 $0x0;
	s2 =	simm.s32 @!p2 $0x0;
	p1 =	sgt.u32 s5, $0x3  }
0x10: {  	v42 =	vimm.s32 $0x0;
	v44 =	vunpack.c.0.s8.s32 v63;
	p2 =	sgt.u32 s5, $0x4;
	v16 =	vor.u32 s28, v13;
	s29 =	sor.u32 $0x10, s28;
	s30 =	sor.u32 $0x20, s28  }
0x11: {  	s31 =	sor.u32 $0x30, s28;
	s12 =	sor.u32 $0xC0, s28;
	s13 =	sor.u32 $0xD0, s28;
	v0 =	vmov s0;
	v1 =	vmov s1;
	v2 =	vmov s2  }
0x12: {  	s14 =	sor.u32 $0xE0, s28;
	s15 =	sor.u32 $0xF0, s28;
	s23 =	sshll.u32 s21, $0x9;
	[tilespmem:$0x1FFA0] =	vst v16;
	v16 =	vor.u32 s29, v13;
	v28 =	vor.u32 s12, v13;
	v32 =	vunpack.c.0.s8.s32 v29  }
0x13: {  	s3 =	simm.s32 @!p1 $0x0;
	s4 =	simm.s32 @!p2 $0x0;
	p1 =	sgt.u32 s5, $0x5;
	v29 =	vimm.s32 $0xDCFE98BA;
	v33 =	vunpack.c.0.s8.s32 v30;
	v30 =	vor.u32 s14, v13  }
0x14: {  	p2 =	sgt.u32 s5, $0x6;
	s0 =	simm.s32 $0x1;
	s1 =	simm.s32 $0x1;
	v31 =	vor.u32 s15, v13;
	v35 =	vunpack.c.0.s8.s32 v35;
	v37 =	vunpack.c.0.s8.s32 v37  }
0x15: {  	s2 =	simm.s32 $0x1;
	v36 =	vunpack.c.0.s8.s32 v36;
	v39 =	vunpack.c.0.s8.s32 v50;
	v38 =	vunpack.c.0.s8.s32 v38;
	s14 =	simm.s32 $0x2;
	s15 =	simm.s32 $0x80  }
0x16: {  	v41 =	vunpack.c.0.s8.s32 v52;
	v40 =	vunpack.c.0.s8.s32 v40;
	v58 =	vunpack.c.0.s8.s32 v56;
	s6 =	simm.s32 @!p1 $0x0;
	s7 =	simm.s32 @!p2 $0x0;
	p1 =	sgt.u32 s5, $0x7  }
0x17: {  	p2 =	sgt.u32 s5, $0x8;
	v3 =	vmov s3;
	s3 =	simm.s32 $0x1;
	v34 =	vunpack.c.l.s4.s8 v29;
	v29 =	vor.u32 s13, v13;
	s13 =	rddreg [dreg:$0x4]  }
0x18: {  	v61 =	vunpack.c.0.s8.s32 v45;
	v43 =	vunpack.c.l.s4.s8 v43;
	v4 =	vmov s4;
	s4 =	sor.u32 s22, s23;
	s23 =	simm.s32 $0x0;
	s8 =	simm.s32 @!p1 $0x0  }
0x19: {  	[tilespmem:$0x1FFB0] =	vst v16;
	v16 =	vor.u32 s30, v13;
	s9 =	simm.s32 @!p2 $0x0;
	p1 =	sgt.u32 s5, $0x9;
	p2 =	sgt.u32 s5, $0xA;
	v5 =	vmov s6;
	v6 =	vmov s7  }
0x1a: {  	[tilespmem:$0x1FFC0] =	vst v16;
	v16 =	vor.u32 s31, v13;
	s6 =	sor.u32 $0x60, s28;
	s7 =	sor.u32 $0x70, s28;
	v32 =	vcombine.low v33, v32;
	v36 =	vcombine.low v36, v37;
	s25 =	sshll.u32 s4, $0x4  }
0x1b: {  	v39 =	vand.u32 $0xF, v39;
	v41 =	vand.u32 $0xF, v41;
	v62 =	vand.u32 $0xF, v61;
	s10 =	simm.s32 @!p1 $0x0;
	s11 =	simm.s32 @!p2 $0x0;
	p1 =	sgt.u32 s5, $0xB  }
0x1c: {  	v43 =	vunpack.c.0.s8.s32 v43;
	p2 =	sgt.u32 s5, $0xC;
	v7 =	vmov s8;
	v8 =	vmov s9;
	s8 =	sor.u32 $0x80, s28;
	s9 =	sor.u32 $0x90, s28  }
0x1d: {  	v22 =	vor.u32 s6, v13;
	v23 =	vor.u32 s7, v13;
	v34 =	vunpack.c.0.s8.s32 v34;
	s26 =	sadd.s32 s25, s19;
	s6 =	ssub.s32 $0x2, s21;
	s0 =	simm.s32 @!p1 $0x0  }
0x1e: {  	v37 =	vcombine.low v39, v38;
	v39 =	vunpack.c.0.s8.s32 v55;
	v38 =	vcombine.low v40, v41;
	s1 =	simm.s32 @!p2 $0x0;
	p1 =	sgt.u32 s5, $0xD;
	p2 =	seq.s32 s5, $0xF  }
0x1f: {  	v41 =	vunpack.c.0.s8.s32 v59;
	v9 =	vmov s10;
	v10 =	vmov s11;
	s10 =	sor.u32 $0xA0, s28;
	s11 =	sor.u32 $0xB0, s28;
	s29 =	sshrl.u32 s6, $0x1  }
0x20: {  	[tilespmem:$0x1FFD0] =	vst v16;
	v16 =	vimm.s32 $0x0;
	v24 =	vor.u32 s8, v13;
	v25 =	vor.u32 s9, v13;
	s8 =	sadd.s32 s18, s25;
	s3 =	simm.s32 @!p1 $0x0;
	s2 =	simm.s32 @!p2 $0x0  }
0x21: {  	v33 =	vand.u32 $0xF, v32;
	v43 =	vand.u32 $0x3, v43;
	v12 =	vmov s1;
	s1 =	rddreg [dreg:$0x5];
	_ =	strace $0x80000047;
	s30 =	ssub.s32 s6, s29  }
0x22: {  	v11 =	vmov s0;
	v26 =	vor.u32 s10, v13;
	s0 =	sadd.s32 s17, s22;
	s10 =	sadd.s32 $0x600, s26;
	v15 =	vmov s2;
	s2 =	sor.u32 $0x40, s28  }
.Ltmp0:
0x23: {  	v16 =	vsel vm0, $0xFFFFFFFF, v16;
	v27 =	vor.u32 s11, v13;
	v14 =	vmov s3;
	s3 =	sor.u32 $0x50, s28;
	s28 =	sshll.u32 s5, $0xA;
	(pc) =	sbr.rel .LBB2_1-.Ltmp0, $4  }
0x24: {  	v34 =	vcombine.low v35, v34;
	v60 =	vand.u32 $0xF, v39;
	v39 =	vand.u32 $0xF, v36;
	s11 =	sadd.s32 $0x4400, s19;
	s5 =	sshll.u32 s5, $0x7;
	s9 =	sand.u32 $0x2000, s28  }
0x25: {  	v41 =	vcombine.low v41, v62;
	v43 =	vsel vm2, v44, v43;
	p1 =	seq.s32 s4, $0x3E0;
	[tilespmem:$0x1FFE0] =	vst v16;
	v16 =	vimm.s32 $0x0;
	s12 =	sand.u32 $0x380, s5;
	s9 =	sadd.s32 s9, s13  }
0x26: {  	vm2 =	vmmov $0xff;
	v40 =	vcombine.low v58, v60;
	[dreg:$0x8] =	wrdreg s0;
	s7 =	sadd.s32 $0x1000, s1;
	v16 =	vsel vm1, $0xFFFFFFFF, v16;
	s31 =	sadd.s32 s12, s9  }
0x27: {  	v20 =	vor.u32 s2, v13;
	v21 =	vor.u32 s3, v13;
	v35 =	vand.u32 $0xF, v34;
	[tilespmem:$0x1FFF0] =	vst v16;
	s9 =	sadd.s32 $0x3E00, s18;
	s12 =	smax.u32 s30, $0x1;
	[dreg:$0x9] =	wrdreg s31  }
.LBB2_19:
0x28: {  	s0 =	simm.s32 @p1 $0x0;
	s2 =	simm.s32 @p1 $0x9C88  }
0x29: {  	[hbm4b:s11+s0] =	stream.linear.scatter @p1 [tilespmem:s2], [sflag:$0x2], $0x400, $0x38;
	[tilespmem:$0xAD08] =	vst v63  }
0x2a: {  	s0 =	simm.s32 @p1 $0x2  }
0x2b: {  	_ =	swait.ge @p1 [sflag:s0], $0x400  }
0x2c: {  	s23 =	sadd.s32 $0x1, s23;
	s2 =	simm.s32 @!p1 $0x9C88;
	[sflag:s0] =	ssyncset.done @p1 $0x0  }
0x2d: {  	p2 =	sne.s32 s23, s12;
	[sflag:s0] =	ssyncadd.s32 @p1 $0xFFFFFC00;
	s0 =	simm.s32 @!p1 $0x0  }
0x2e: {  	[hbm4b:s10+s0] =	stream.linear.scatter @!p1 [tilespmem:s2], [sflag:$0x2], $0x1000, $0x38;
	[tilespmem:$0xAD08] =	vst v63  }
.Ltmp1:
0x2f: {  	_ = 	snop;
	(pc) =	sbr.rel @!p2 .LBB2_20-.Ltmp1, $4  }
0x30: {  	s0 =	simm.s32 @!p1 $0x2  }
0x31: {  	_ =	swait.ge @!p1 [sflag:s0], $0x1000  }
0x32: {  	[sflag:s0] =	ssyncset.done @!p1 $0x0  }
0x33: {  	[sflag:s0] =	ssyncadd.s32 @!p1 $0xFFFFF000  }
.LBB2_1:
0x34: {  	s0 =	simm.s32 $0x0;
	s2 =	rddreg [dreg:$0x8];
	s3 =	simm.s32 $0x508  }
0x35: {  	[tilespmem:s3], [sflag:$0x2] =	stream.linear.gather [hbm4b:s2+s0], $0x100, $0x38;
	[tilespmem:$0xAD08] =	vst v63  }
0x36: {  	_ =	swait.ge [sflag:s14], $0x100  }
0x37: {  	[sflag:s14] =	ssyncset.done $0x0  }
0x38: {  	s0 =	simm.s32 $0x0;
	[sflag:s14] =	ssyncadd.s32 $0xFFFFFF00  }
.LBB2_2:
0x39: {  	p2 =	sne.s32 s0, $0x11C0  }
.Ltmp2:
0x3a: {  	_ = 	snop;
	(pc) =	sbr.rel @p2 .LBB2_2-.Ltmp2, $3  }
0x3b: {  	_ =	sdelay $0x1  }
0x3c: {  	s2 =	sshra.s32 s0, $0x2;
	v44 =	vimm.s32 $0x0  }
0x3d: {  	s0 =	sadd.s32 $0x40, s0;
	[tilespmem:s2+$0x688] =	vst v44  }
0x3e: {  	s0 =	simm.s32 $0x0  }
0x3f: {  	v45 =	vld [tilespmem:s0+$0x508];
	_ =	sdelay $0x4  }
0x40: {  	(v2sf) =	vpush v45, $0x0;
	_ =	sdelay $0xe  }
0x41: {  	s2 =	spop (v2sf)  }
0x42: {  	s3 =	sand.u32 $0xF, s2  }
0x43: {  	s13 =	sshra.s32 s2, $0x1F;
	p2 =	slt.s32 s2, $0x1;
	p3 =	sne.s32 s3, $0x0  }
0x44: {  	s22 =	sshrl.u32 s13, $0x1C;
	p2 =	por !p2, !p3  }
0x45: {  	s13 =	simm.s32 $0x1;
	s3 =	sadd.s32 s22, s2;
	p2 =	por !p2, !p2  }
0x46: {  	s3 =	sshrl.u32 s3, $0x4;
	s13 =	simm.s32 @!p2 $0x0  }
0x47: {  	s3 =	ssub.s32 s3, s13  }
0x48: {  	s3 =	sshll.u32 s3, $0x4  }
0x49: {  	v56 =	vld [tilespmem:s3+$0x688]  }
0x4a: {  	s2 =	ssub.s32 s2, s3  }
0x4b: {  	v46 =	vmov s2  }
0x4c: {  	vm5 =	veq.s32 v46, v13  }
0x4d: {  	v46 =	vsel vm5, $0x1, v42  }
0x4e: {  	v46 =	vadd.s32 v46, v56  }
0x4f: {  	[tilespmem:s3+$0x688] =	vst v46  }
0x50: {  	v46 =	vld [tilespmem:s0+$0x509];
	_ =	sdelay $0x4  }
0x51: {  	(v2sf) =	vpush v46, $0x0;
	_ =	sdelay $0xe  }
0x52: {  	s24 =	spop (v2sf)  }
0x53: {  	s25 =	sand.u32 $0xF, s24  }
0x54: {  	s26 =	sshra.s32 s24, $0x1F;
	p5 =	slt.s32 s24, $0x1;
	p6 =	sne.s32 s25, $0x0  }
0x55: {  	s29 =	sshrl.u32 s26, $0x1C;
	p2 =	por !p5, !p6  }
0x56: {  	s3 =	simm.s32 $0x1;
	s2 =	sadd.s32 s29, s24;
	p2 =	por !p2, !p2  }
0x57: {  	s2 =	sshrl.u32 s2, $0x4;
	s3 =	simm.s32 @!p2 $0x0  }
0x58: {  	s2 =	ssub.s32 s2, s3  }
0x59: {  	s2 =	sshll.u32 s2, $0x4  }
0x5a: {  	v57 =	vld [tilespmem:s2+$0x688];
	_ =	sdelay $0x1  }
0x5b: {  	s0 =	ssub.s32 s24, s2  }
0x5c: {  	v45 =	vnsel vm5, $0x0, v56;
	v47 =	vmov s0  }
0x5d: {  	v48 =	vperm.xlane v45, v33;
	vm3 =	veq.s32 v47, v13  }
0x5e: {  	v47 =	vnsel vm3, $0x0, v57  }
0x5f: {  	v45 =	vadd.s32 v48, v45;
	v58 =	vperm.xlane v47, v33  }
0x60: {  	v49 =	vperm.xlane v45, v35  }
0x61: {  	v47 =	vadd.s32 v58, v47  }
0x62: {  	v45 =	vadd.s32 v49, v45;
	v48 =	vperm.xlane v47, v35  }
0x63: {  	v49 =	vperm.xlane v45, v39  }
0x64: {  	v47 =	vadd.s32 v48, v47  }
0x65: {  	v45 =	vadd.s32 v49, v45;
	s24 =	simm.s32 $0x0;
	v48 =	vperm.xlane v47, v39  }
0x66: {  	v49 =	vperm.xlane v45, v37;
	s30 =	sand.u32 $0xE, s24  }
0x67: {  	v59 =	vmov s30;
	v47 =	vadd.s32 v48, v47  }
0x68: {  	v45 =	vadd.s32 v49, v45;
	s31 =	sand.u32 $0x7, s24;
	s0 =	sor.u32 $0x1, s30;
	vm5 =	veq.s32 v59, v13;
	v60 =	vperm.xlane v47, v37  }
0x69: {  	p3 =	sne.s32 s31, $0x7;
	v61 =	vsel vm3, $0x1, v42;
	v62 =	vmov s0;
	v44 =	vsel vm5, v45, v44  }
0x6a: {  	s28 =	simm.s32 $0x2;
	s0 =	sand.u32 @!p3 $0x3C0, s24;
	vm5 =	veq.s32 v62, v13;
	v45 =	vadd.s32 v61, v57;
	v63 =	vadd.s32 v60, v47  }
0x6b: {  	s25 =	simm.s32 $0x1;
	s26 =	simm.s32 $0x8;
	[tilespmem:s2+$0x688] =	vst v45;
	s2 =	sshrl.u32 @!p3 s0, $0x2;
	v44 =	vsel vm5, v63, v44  }
.LBB2_4:
0x6c: {  	s0 =	sshra.s32 s26, $0x2  }
0x6d: {  	[tilespmem:s2+$0xB08] =	vst @!p3 v44;
	s24 =	sadd.s32 $0x2, s24;
	s2 =	smov.u32 s28;
	s28 =	sadd.s32 $0x1, s28  }
0x6e: {  	p2 =	sne.s32 s28, $0x80;
	v45 =	vld [tilespmem:s0+$0x508];
	_ =	sdelay $0x4  }
0x6f: {  	(v2sf) =	vpush v45, $0x0;
	_ =	sdelay $0xe  }
0x70: {  	s3 =	spop (v2sf)  }
0x71: {  	s13 =	sshra.s32 s3, $0x1F;
	s16 =	sand.u32 $0xF, s3  }
0x72: {  	p3 =	slt.s32 s3, $0x1;
	s13 =	sshrl.u32 s13, $0x1C;
	p4 =	sne.s32 s16, $0x0  }
0x73: {  	s13 =	sadd.s32 s13, s3;
	p3 =	por !p3, !p4  }
0x74: {  	s16 =	simm.s32 $0x1;
	p3 =	por !p3, !p3  }
0x75: {  	s13 =	sshrl.u32 s13, $0x4;
	s16 =	simm.s32 @!p3 $0x0  }
0x76: {  	s13 =	ssub.s32 s13, s16  }
0x77: {  	s13 =	sshll.u32 s13, $0x4  }
0x78: {  	s3 =	ssub.s32 s3, s13;
	v45 =	vld [tilespmem:s13+$0x688]  }
0x79: {  	v46 =	vmov s3  }
0x7a: {  	vm5 =	veq.s32 v46, v13;
	_ =	sdelay $0x1  }
0x7b: {  	v46 =	vsel vm5, $0x1, v42  }
0x7c: {  	v47 =	vnsel vm5, $0x0, v45;
	v45 =	vadd.s32 v46, v45  }
0x7d: {  	v46 =	vperm.xlane v47, v33;
	[tilespmem:s13+$0x688] =	vst v45  }
0x7e: {  	v45 =	vld [tilespmem:s0+$0x509]  }
0x7f: {  	v46 =	vadd.s32 v46, v47  }
0x80: {  	v47 =	vperm.xlane v46, v35;
	_ =	sdelay $0x1  }
0x81: {  	v46 =	vadd.s32 v47, v46  }
0x82: {  	v47 =	vperm.xlane v46, v39;
	(v2sf) =	vpush v45, $0x0;
	_ =	sdelay $0x1  }
0x83: {  	v45 =	vadd.s32 v47, v46  }
0x84: {  	v46 =	vperm.xlane v45, v37;
	_ =	sdelay $0x1  }
0x85: {  	v45 =	vadd.s32 v46, v45;
	_ =	sdelay $0x9  }
0x86: {  	s0 =	spop (v2sf)  }
0x87: {  	s3 =	sshra.s32 s0, $0x1F;
	s13 =	sand.u32 $0xF, s0  }
0x88: {  	p3 =	slt.s32 s0, $0x1;
	s3 =	sshrl.u32 s3, $0x1C;
	p4 =	sne.s32 s13, $0x0  }
0x89: {  	s3 =	sadd.s32 s3, s0;
	p3 =	por !p3, !p4  }
0x8a: {  	s13 =	simm.s32 $0x1;
	p3 =	por !p3, !p3  }
0x8b: {  	s3 =	sshrl.u32 s3, $0x4;
	s13 =	simm.s32 @!p3 $0x0  }
0x8c: {  	s3 =	ssub.s32 s3, s13  }
0x8d: {  	s3 =	sshll.u32 s3, $0x4  }
0x8e: {  	s0 =	ssub.s32 s0, s3;
	v46 =	vld [tilespmem:s3+$0x688]  }
0x8f: {  	v47 =	vmov s0;
	_ =	sdelay $0x2  }
0x90: {  	vm5 =	veq.s32 v47, v13  }
0x91: {  	v48 =	vsel vm5, $0x1, v42;
	v47 =	vnsel vm5, $0x0, v46  }
0x92: {  	v46 =	vadd.s32 v48, v46;
	v49 =	vperm.xlane v47, v33  }
0x93: {  	[tilespmem:s3+$0x688] =	vst v46  }
0x94: {  	v46 =	vadd.s32 v49, v47  }
0x95: {  	v47 =	vperm.xlane v46, v35;
	_ =	sdelay $0x1  }
0x96: {  	v46 =	vadd.s32 v47, v46  }
0x97: {  	v47 =	vperm.xlane v46, v39;
	_ =	sdelay $0x1  }
.Ltmp3:
0x98: {  	s0 =	sand.u32 $0xE, s24;
	v46 =	vadd.s32 v47, v46;
	(pc) =	sbr.rel @p2 .LBB2_4-.Ltmp3, $4  }
0x99: {  	s3 =	sand.u32 $0x7, s25;
	s25 =	smov.u32 s2;
	v47 =	vmov s0;
	s0 =	sor.u32 $0x1, s0;
	v48 =	vperm.xlane v46, v37  }
0x9a: {  	p3 =	sne.s32 s3, $0x7;
	vm5 =	veq.s32 v47, v13;
	v47 =	vmov s0  }
0x9b: {  	s0 =	sand.u32 @!p3 $0x3C0, s26;
	v44 =	vsel vm5, v45, v44;
	vm5 =	veq.s32 v47, v13;
	v45 =	vadd.s32 v48, v46  }
0x9c: {  	s26 =	sadd.s32 $0x8, s26;
	s2 =	sshrl.u32 @!p3 s0, $0x2;
	v44 =	vsel vm5, v45, v44  }
0x9d: {  	s0 =	sshra.s32 s26, $0x2;
	[tilespmem:s2+$0xB08] =	vst @!p3 v44  }
0x9e: {  	v45 =	vld [tilespmem:s0+$0x508];
	_ =	sdelay $0x4  }
0x9f: {  	(v2sf) =	vpush v45, $0x0;
	_ =	sdelay $0xe  }
0xa0: {  	s17 =	spop (v2sf)  }
0xa1: {  	s3 =	sand.u32 $0xF, s17  }
0xa2: {  	s13 =	sshra.s32 s17, $0x1F;
	p2 =	slt.s32 s17, $0x1;
	p4 =	sne.s32 s3, $0x0  }
0xa3: {  	s18 =	sshrl.u32 s13, $0x1C;
	p2 =	por !p2, !p4  }
0xa4: {  	s13 =	simm.s32 $0x1;
	s3 =	sadd.s32 s18, s17;
	p2 =	por !p2, !p2  }
0xa5: {  	s3 =	sshrl.u32 s3, $0x4;
	s13 =	simm.s32 @!p2 $0x0  }
0xa6: {  	s3 =	ssub.s32 s3, s13  }
0xa7: {  	s3 =	sshll.u32 s3, $0x4  }
0xa8: {  	v52 =	vld [tilespmem:s3+$0x688]  }
0xa9: {  	s2 =	ssub.s32 s17, s3  }
0xaa: {  	v46 =	vmov s2  }
0xab: {  	vm5 =	veq.s32 v46, v13  }
0xac: {  	v46 =	vsel vm5, $0x1, v42  }
0xad: {  	v46 =	vadd.s32 v46, v52  }
0xae: {  	[tilespmem:s3+$0x688] =	vst v46  }
0xaf: {  	v46 =	vld [tilespmem:s0+$0x509];
	_ =	sdelay $0x4  }
0xb0: {  	(v2sf) =	vpush v46, $0x0;
	_ =	sdelay $0xe  }
0xb1: {  	s19 =	spop (v2sf)  }
0xb2: {  	s20 =	sand.u32 $0xF, s19  }
0xb3: {  	s21 =	sshra.s32 s19, $0x1F;
	p5 =	slt.s32 s19, $0x1;
	p6 =	sne.s32 s20, $0x0  }
0xb4: {  	s22 =	sshrl.u32 s21, $0x1C;
	p2 =	por !p5, !p6  }
0xb5: {  	s3 =	simm.s32 $0x1;
	s2 =	sadd.s32 s22, s19;
	p2 =	por !p2, !p2  }
0xb6: {  	s2 =	sshrl.u32 s2, $0x4;
	s3 =	simm.s32 @!p2 $0x0  }
0xb7: {  	s2 =	ssub.s32 s2, s3  }
0xb8: {  	s2 =	sshll.u32 s2, $0x4  }
0xb9: {  	v53 =	vld [tilespmem:s2+$0x688];
	_ =	sdelay $0x1  }
0xba: {  	s0 =	ssub.s32 s19, s2  }
0xbb: {  	v48 =	vmov s0  }
0xbc: {  	v45 =	vnsel vm5, $0x0, v52;
	vm5 =	veq.s32 v48, v13  }
0xbd: {  	v47 =	vperm.xlane v45, v33;
	v54 =	vnsel vm5, $0x0, v53  }
0xbe: {  	v49 =	vperm.xlane v54, v33  }
0xbf: {  	v45 =	vadd.s32 v47, v45  }
0xc0: {  	v55 =	vperm.xlane v45, v35;
	v47 =	vadd.s32 v49, v54  }
0xc1: {  	v49 =	vperm.xlane v47, v35  }
0xc2: {  	v45 =	vadd.s32 v55, v45  }
0xc3: {  	v48 =	vperm.xlane v45, v39;
	v47 =	vadd.s32 v49, v47  }
0xc4: {  	s3 =	sadd.s32 $0x2, s24;
	v49 =	vperm.xlane v47, v39  }
0xc5: {  	s0 =	sand.u32 $0xE, s3;
	v45 =	vadd.s32 v48, v45  }
0xc6: {  	v57 =	vmov s0;
	s0 =	sor.u32 $0x1, s0;
	v48 =	vperm.xlane v45, v37;
	v47 =	vadd.s32 v49, v47  }
0xc7: {  	s5 =	sand.u32 $0x7, s25;
	v56 =	vsel vm5, $0x1, v42;
	v58 =	vmov s0;
	v50 =	vperm.xlane v47, v37  }
0xc8: {  	p2 =	sne.s32 s5, $0x7;
	v46 =	vadd.s32 v56, v53;
	vm5 =	veq.s32 v57, v13;
	v45 =	vadd.s32 v48, v45  }
0xc9: {  	s0 =	sand.u32 @!p2 $0x3C0, s26;
	v59 =	vsel vm5, v45, v44;
	vm5 =	veq.s32 v58, v13;
	v60 =	vadd.s32 v50, v47  }
0xca: {  	s0 =	sshrl.u32 @!p2 s0, $0x2;
	[tilespmem:s2+$0x688] =	vst v46;
	v44 =	vsel vm5, v60, v59  }
0xcb: {  	s6 =	rddreg [dreg:$0x9];
	s16 =	simm.s32 $0x688;
	s13 =	simm.s32 $0x400;
	[tilespmem:s0+$0xB08] =	vst @!p2 v44  }
0xcc: {  	[spmem:s6] =	stream.strided.scatter [tilespmem:s16], [sflag:$0x2], $0x400, s13, s15, $0x38;
	[tilespmem:$0xAD08] =	vst v63  }
0xcd: {  	_ =	swait.ge [sflag:s14], $0x400  }
0xce: {  	[sflag:s14] =	ssyncset.done $0x0  }
0xcf: {  	v44 =	vimm.s32 @!p0 $0x0;
	[sflag:s14] =	ssyncadd.s32 $0xFFFFFC00  }
0xd0: {  	[tilespmem:$0xAC88] =	vst @!p0 v44  }
0xd1: {  	[tilespmem:$0xAC98] =	vst @!p0 v44  }
0xd2: {  	[tilespmem:$0xACA8] =	vst @!p0 v44  }
0xd3: {  	[tilespmem:$0xACB8] =	vst @!p0 v44  }
0xd4: {  	[tilespmem:$0xACC8] =	vst @!p0 v44  }
0xd5: {  	[tilespmem:$0xACD8] =	vst @!p0 v44  }
0xd6: {  	[tilespmem:$0xACE8] =	vst @!p0 v44  }
0xd7: {  	s0 =	simm.s32 @!p0 $0xAC88;
	[tilespmem:$0xACF8] =	vst @!p0 v44  }
0xd8: {  	[spmem:s7] =	stream.linear.scatter @!p0 [tilespmem:s0], [sflag:$0x2], $0x80, $0x38;
	[tilespmem:$0xAD08] =	vst v63  }
0xd9: {  	s0 =	simm.s32 @!p0 $0x2  }
0xda: {  	_ =	swait.ge @!p0 [sflag:s0], $0x80  }
0xdb: {  	[sflag:s0] =	ssyncset.done @!p0 $0x0  }
0xdc: {  	[sflag:s0] =	ssyncadd.s32 @!p0 $0xFFFFFF80  }
0xdd: {  	[bflag:$0x0] =	sbarrier.arrive $0xFFFF  }
0xde: {  	s18 =	simm.s32 $0xC88;
	s17 =	rddreg [dreg:$0x4]  }
0xdf: {  	[tilespmem:s18], [sflag:$0x2] =	stream.linear.gather [spmem:s17], $0x4000, $0x38;
	[tilespmem:$0xAD08] =	vst v63  }
0xe0: {  	s24 =	simm.s32 $0x0;
	_ =	swait.ge [sflag:s14], $0x4000  }
0xe1: {  	s20 =	sand.u32 $0x1C00, s24;
	s19 =	sand.u32 $0x70, s24;
	[sflag:s14] =	ssyncset.done $0x0  }
0xe2: {  	s0 =	sor.u32 s19, s20;
	[sflag:s14] =	ssyncadd.s32 $0xFFFFC000  }
0xe3: {  	v44 =	vld [tilespmem:s0+$0xD08]  }
0xe4: {  	v45 =	vld [tilespmem:s0+$0xC88]  }
0xe5: {  	v46 =	vld [tilespmem:s0+$0xD88]  }
0xe6: {  	v47 =	vld [tilespmem:s0+$0xE08]  }
0xe7: {  	v48 =	vld [tilespmem:s0+$0xE88]  }
0xe8: {  	v49 =	vld [tilespmem:s0+$0xF08]  }
0xe9: {  	v51 =	vld [tilespmem:s0+$0xF88];
	v61 =	vadd.s32 v45, v44  }
0xea: {  	v52 =	vld [tilespmem:s0+$0x1008];
	v50 =	vadd.s32 v46, v61  }
0xeb: {  	v53 =	vld [tilespmem:s0+$0x2C88];
	v50 =	vadd.s32 v47, v50  }
0xec: {  	v54 =	vld [tilespmem:s0+$0x2D08];
	v50 =	vadd.s32 v48, v50  }
0xed: {  	v55 =	vld [tilespmem:s0+$0x2D88];
	v50 =	vadd.s32 v49, v50  }
0xee: {  	v56 =	vld [tilespmem:s0+$0x2E08];
	v50 =	vadd.s32 v51, v50  }
0xef: {  	v57 =	vld [tilespmem:s0+$0x2E88];
	v50 =	vadd.s32 v52, v50  }
0xf0: {  	v58 =	vld [tilespmem:s0+$0x2F08];
	v50 =	vadd.s32 v53, v50  }
0xf1: {  	v59 =	vld [tilespmem:s0+$0x2F88];
	v50 =	vadd.s32 v54, v50  }
0xf2: {  	v60 =	vld [tilespmem:s0+$0x3008];
	v50 =	vadd.s32 v55, v50  }
0xf3: {  	v50 =	vadd.s32 v56, v50  }
0xf4: {  	v50 =	vadd.s32 v57, v50  }
0xf5: {  	v50 =	vadd.s32 v58, v50  }
0xf6: {  	v50 =	vadd.s32 v59, v50  }
0xf7: {  	v50 =	vadd.s32 v60, v50  }
0xf8: {  	v60 =	vperm.xlane v50, v38  }
0xf9: {  	vm5 =	veq.s32 v13, $0x0  }
0xfa: {  	v45 =	vmul.u32 v0, v45;
	v44 =	vmul.u32 v1, v44;
	v60 =	vsel vm5, $0x0, v60  }
0xfb: {  	v46 =	vmul.u32 v2, v46;
	v60 =	vadd.s32 v50, v60  }
0xfc: {  	v62 =	vmul.u32 v3, v47;
	v44 =	vadd.s32 v45, v44;
	v63 =	vperm.xlane v60, v40  }
0xfd: {  	v44 =	vadd.s32 v46, v44;
	v48 =	vmul.u32 v4, v48  }
0xfe: {  	v61 =	vmul.u32 v5, v49;
	v44 =	vadd.s32 v62, v44;
	v47 =	vsel vm0, $0x0, v63  }
0xff: {  	v62 =	vmul.u32 v6, v51;
	v44 =	vadd.s32 v48, v44;
	v47 =	vadd.s32 v47, v60  }
0x100: {  	v44 =	vadd.s32 v61, v44;
	v63 =	vmul.u32 v7, v52;
	v52 =	vperm.xlane v47, v41  }
0x101: {  	v44 =	vadd.s32 v62, v44;
	v53 =	vmul.u32 v8, v53  }
0x102: {  	v54 =	vmul.u32 v9, v54;
	v44 =	vadd.s32 v63, v44;
	v48 =	vsel vm1, $0x0, v52  }
0x103: {  	v55 =	vmul.u32 v10, v55;
	v44 =	vadd.s32 v53, v44;
	v47 =	vadd.s32 v48, v47  }
0x104: {  	v56 =	vmul.u32 v11, v56;
	v44 =	vadd.s32 v54, v44;
	v48 =	vperm.xlane v47, v43  }
0x105: {  	v57 =	vmul.u32 v12, v57;
	v44 =	vadd.s32 v55, v44  }
0x106: {  	v58 =	vmul.u32 v14, v58;
	v44 =	vadd.s32 v56, v44;
	v48 =	vsel vm2, $0x0, v48  }
0x107: {  	v59 =	vmul.u32 v15, v59;
	v44 =	vadd.s32 v57, v44;
	v51 =	vadd.s32 v48, v47  }
0x108: {  	v44 =	vadd.s32 v58, v44;
	v60 =	vsub.s32 v51, v50  }
0x109: {  	v44 =	vadd.s32 v59, v44;
	v45 =	vadd.s32 s24, v60  }
0x10a: {  	s29 =	simm.s32 $0x4C88;
	v44 =	vadd.s32 v45, v44  }
0x10b: {  	s30 =	simm.s32 $0x80;
	s21 =	simm.s32 $0x10;
	s26 =	simm.s32 $0x5108;
	[tilespmem:s29+$0x0] =	vst v44  }
0x10c: {  	s28 =	simm.s32 $0x5588;
	s22 =	sand.u32 $0x1C00, s30;
	s0 =	sand.u32 $0x70, s21;
	[tilespmem:s26+$0x0] =	vst v45  }
0x10d: {  	s0 =	sor.u32 s0, s22;
	[tilespmem:s28+$0x0] =	vst v50  }
0x10e: {  	v50 =	vld [tilespmem:s0+$0xD08]  }
0x10f: {  	v52 =	vld [tilespmem:s0+$0xC88]  }
0x110: {  	v53 =	vld [tilespmem:s0+$0xD88]  }
0x111: {  	v54 =	vld [tilespmem:s0+$0xE08]  }
0x112: {  	v55 =	vld [tilespmem:s0+$0xE88]  }
0x113: {  	v56 =	vld [tilespmem:s0+$0xF08]  }
0x114: {  	v57 =	vld [tilespmem:s0+$0xF88];
	v61 =	vadd.s32 v52, v50  }
0x115: {  	v58 =	vld [tilespmem:s0+$0x1008];
	v44 =	vadd.s32 v53, v61  }
0x116: {  	v59 =	vld [tilespmem:s0+$0x2C88];
	v44 =	vadd.s32 v54, v44  }
0x117: {  	v60 =	vld [tilespmem:s0+$0x2D08];
	v44 =	vadd.s32 v55, v44  }
0x118: {  	v49 =	vld [tilespmem:s0+$0x2D88];
	v44 =	vadd.s32 v56, v44  }
0x119: {  	v48 =	vld [tilespmem:s0+$0x2E08];
	v44 =	vadd.s32 v57, v44  }
0x11a: {  	v46 =	vld [tilespmem:s0+$0x2E88];
	v44 =	vadd.s32 v58, v44  }
0x11b: {  	v47 =	vld [tilespmem:s0+$0x2F08];
	v44 =	vadd.s32 v59, v44  }
0x11c: {  	v45 =	vld [tilespmem:s0+$0x2F88];
	v44 =	vadd.s32 v60, v44  }
0x11d: {  	(v2sf) =	vpush v51, $0xF;
	v62 =	vld [tilespmem:s0+$0x3008];
	v44 =	vadd.s32 v49, v44  }
0x11e: {  	v44 =	vadd.s32 v48, v44  }
0x11f: {  	v44 =	vadd.s32 v46, v44  }
0x120: {  	v44 =	vadd.s32 v47, v44  }
0x121: {  	v44 =	vadd.s32 v45, v44  }
0x122: {  	v44 =	vadd.s32 v62, v44  }
0x123: {  	v51 =	vperm.xlane v44, v38;
	_ =	sdelay $0x1  }
0x124: {  	v52 =	vmul.u32 v0, v52;
	v50 =	vmul.u32 v1, v50;
	v51 =	vsel vm5, $0x0, v51  }
0x125: {  	v53 =	vmul.u32 v2, v53;
	v51 =	vadd.s32 v44, v51  }
0x126: {  	v63 =	vmul.u32 v3, v54;
	v50 =	vadd.s32 v52, v50;
	v61 =	vperm.xlane v51, v40  }
0x127: {  	v50 =	vadd.s32 v53, v50;
	v62 =	vmul.u32 v4, v55  }
0x128: {  	v50 =	vadd.s32 v63, v50;
	v63 =	vmul.u32 v5, v56;
	v54 =	vsel vm0, $0x0, v61  }
0x129: {  	v53 =	vadd.s32 v62, v50;
	v61 =	vmul.u32 v6, v57;
	v50 =	vadd.s32 v54, v51  }
0x12a: {  	v62 =	vadd.s32 v63, v53;
	v63 =	vmul.u32 v7, v58;
	v54 =	vperm.xlane v50, v41  }
0x12b: {  	s25 =	spop (v2sf);
	v51 =	vmul.u32 v8, v59;
	v53 =	vadd.s32 v61, v62  }
0x12c: {  	s31 =	simm.s32 $0x20;
	s2 =	simm.s32 $0x30;
	v52 =	vmul.u32 v9, v60;
	s25 =	sadd.s32 $0x0, s25;
	v53 =	vadd.s32 v63, v53;
	v54 =	vsel vm1, $0x0, v54  }
.LBB2_6:
0x12d: {  	p2 =	sne.s32 s2, $0x3F0;
	v51 =	vadd.s32 v51, v53;
	v49 =	vmul.u32 v10, v49;
	v50 =	vadd.s32 v54, v50  }
0x12e: {  	v48 =	vmul.u32 v11, v48;
	v51 =	vadd.s32 v52, v51;
	v52 =	vperm.xlane v50, v43  }
0x12f: {  	v46 =	vmul.u32 v12, v46;
	v49 =	vadd.s32 v49, v51  }
0x130: {  	v47 =	vmul.u32 v14, v47;
	v48 =	vadd.s32 v48, v49;
	v49 =	vsel vm2, $0x0, v52  }
0x131: {  	v45 =	vmul.u32 v15, v45;
	v46 =	vadd.s32 v46, v48;
	v48 =	vadd.s32 v49, v50  }
0x132: {  	v46 =	vadd.s32 v47, v46;
	v47 =	vsub.s32 v48, v44;
	(v2sf) =	vpush v48, $0xF  }
0x133: {  	v45 =	vadd.s32 v45, v46;
	v46 =	vadd.s32 s25, v47  }
0x134: {  	s29 =	sadd.s32 $0x10, s29;
	v45 =	vadd.s32 v46, v45  }
0x135: {  	s30 =	sadd.s32 $0x80, s30;
	s26 =	sadd.s32 $0x10, s26;
	[tilespmem:s29+$0x0] =	vst v45  }
0x136: {  	s0 =	sand.u32 $0x70, s31;
	s28 =	sadd.s32 $0x10, s28;
	s3 =	sand.u32 $0x1C00, s30;
	[tilespmem:s26+$0x0] =	vst v46  }
0x137: {  	s31 =	smov.u32 s2;
	s0 =	sor.u32 s0, s3;
	[tilespmem:s28+$0x0] =	vst v44  }
0x138: {  	v50 =	vld [tilespmem:s0+$0xD08]  }
0x139: {  	v51 =	vld [tilespmem:s0+$0xC88]  }
0x13a: {  	v52 =	vld [tilespmem:s0+$0xD88]  }
0x13b: {  	v53 =	vld [tilespmem:s0+$0xE08]  }
0x13c: {  	v54 =	vld [tilespmem:s0+$0xE88]  }
0x13d: {  	v55 =	vld [tilespmem:s0+$0xF08]  }
0x13e: {  	v44 =	vadd.s32 v51, v50;
	v56 =	vld [tilespmem:s0+$0xF88]  }
0x13f: {  	v44 =	vadd.s32 v52, v44;
	v57 =	vld [tilespmem:s0+$0x1008]  }
0x140: {  	v44 =	vadd.s32 v53, v44;
	v58 =	vld [tilespmem:s0+$0x2C88]  }
0x141: {  	v44 =	vadd.s32 v54, v44;
	v59 =	vld [tilespmem:s0+$0x2D08];
	s3 =	spop (v2sf)  }
0x142: {  	v44 =	vadd.s32 v55, v44;
	v49 =	vld [tilespmem:s0+$0x2D88];
	s25 =	sadd.s32 s25, s3  }
0x143: {  	v44 =	vadd.s32 v56, v44;
	v48 =	vld [tilespmem:s0+$0x2E08]  }
0x144: {  	v44 =	vadd.s32 v57, v44;
	v46 =	vld [tilespmem:s0+$0x2E88]  }
0x145: {  	v44 =	vadd.s32 v58, v44;
	v47 =	vld [tilespmem:s0+$0x2F08]  }
0x146: {  	v44 =	vadd.s32 v59, v44;
	v45 =	vld [tilespmem:s0+$0x2F88]  }
0x147: {  	v44 =	vadd.s32 v49, v44;
	v60 =	vld [tilespmem:s0+$0x3008]  }
0x148: {  	v44 =	vadd.s32 v48, v44  }
0x149: {  	v44 =	vadd.s32 v46, v44  }
0x14a: {  	v44 =	vadd.s32 v47, v44  }
0x14b: {  	v44 =	vadd.s32 v45, v44  }
0x14c: {  	v44 =	vadd.s32 v60, v44  }
0x14d: {  	v60 =	vperm.xlane v44, v38;
	_ =	sdelay $0x1  }
0x14e: {  	v51 =	vmul.u32 v0, v51;
	v50 =	vmul.u32 v1, v50;
	v60 =	vsel vm5, $0x0, v60  }
0x14f: {  	v52 =	vmul.u32 v2, v52;
	v60 =	vadd.s32 v44, v60  }
0x150: {  	v50 =	vadd.s32 v51, v50;
	v51 =	vmul.u32 v3, v53;
	v53 =	vperm.xlane v60, v40  }
0x151: {  	v50 =	vadd.s32 v52, v50;
	v52 =	vmul.u32 v4, v54  }
.Ltmp4:
0x152: {  	v50 =	vadd.s32 v51, v50;
	v51 =	vmul.u32 v5, v55;
	v53 =	vsel vm0, $0x0, v53;
	(pc) =	sbr.rel @p2 .LBB2_6-.Ltmp4, $4  }
0x153: {  	v52 =	vadd.s32 v52, v50;
	v54 =	vmul.u32 v6, v56;
	v50 =	vadd.s32 v53, v60  }
0x154: {  	v51 =	vadd.s32 v51, v52;
	v52 =	vmul.u32 v7, v57;
	v55 =	vperm.xlane v50, v41  }
0x155: {  	v53 =	vadd.s32 v54, v51;
	v51 =	vmul.u32 v8, v58  }
0x156: {  	s2 =	sadd.s32 $0x10, s2;
	v53 =	vadd.s32 v52, v53;
	v52 =	vmul.u32 v9, v59;
	v54 =	vsel vm1, $0x0, v55  }
0x157: {  	v51 =	vadd.s32 v51, v53;
	v49 =	vmul.u32 v10, v49;
	v50 =	vadd.s32 v54, v50  }
0x158: {  	v48 =	vmul.u32 v11, v48;
	v51 =	vadd.s32 v52, v51;
	v56 =	vperm.xlane v50, v43  }
0x159: {  	v46 =	vmul.u32 v12, v46;
	v49 =	vadd.s32 v49, v51  }
0x15a: {  	v47 =	vmul.u32 v14, v47;
	v48 =	vadd.s32 v48, v49;
	v57 =	vsel vm2, $0x0, v56  }
0x15b: {  	v45 =	vmul.u32 v15, v45;
	v46 =	vadd.s32 v46, v48;
	v48 =	vadd.s32 v57, v50  }
0x15c: {  	v46 =	vadd.s32 v47, v46;
	v58 =	vsub.s32 v48, v44  }
0x15d: {  	v45 =	vadd.s32 v45, v46;
	v59 =	vadd.s32 s25, v58  }
0x15e: {  	s0 =	sadd.s32 $0x10, s29;
	v45 =	vadd.s32 v59, v45  }
0x15f: {  	s3 =	sadd.s32 $0x80, s30;
	s2 =	sadd.s32 $0x10, s26;
	[tilespmem:s0+$0x0] =	vst v45  }
0x160: {  	s16 =	sand.u32 $0x70, s31;
	s13 =	sadd.s32 $0x10, s28;
	s3 =	sand.u32 $0x1C00, s3;
	[tilespmem:s2+$0x0] =	vst v59  }
0x161: {  	s3 =	sor.u32 s16, s3;
	[tilespmem:s13+$0x0] =	vst v44  }
0x162: {  	v44 =	vld [tilespmem:s3+$0xD08]  }
0x163: {  	v45 =	vld [tilespmem:s3+$0xC88]  }
0x164: {  	v46 =	vld [tilespmem:s3+$0xD88]  }
0x165: {  	v47 =	vld [tilespmem:s3+$0xE08]  }
0x166: {  	v49 =	vld [tilespmem:s3+$0xE88]  }
0x167: {  	v50 =	vld [tilespmem:s3+$0xF08]  }
0x168: {  	v52 =	vld [tilespmem:s3+$0xF88];
	v60 =	vadd.s32 v45, v44  }
0x169: {  	v53 =	vld [tilespmem:s3+$0x1008];
	v51 =	vadd.s32 v46, v60  }
0x16a: {  	v54 =	vld [tilespmem:s3+$0x2C88];
	v51 =	vadd.s32 v47, v51  }
0x16b: {  	v55 =	vld [tilespmem:s3+$0x2D08];
	v51 =	vadd.s32 v49, v51  }
0x16c: {  	v56 =	vld [tilespmem:s3+$0x2D88];
	v51 =	vadd.s32 v50, v51  }
0x16d: {  	v57 =	vld [tilespmem:s3+$0x2E08];
	v51 =	vadd.s32 v52, v51  }
0x16e: {  	v58 =	vld [tilespmem:s3+$0x2E88];
	v51 =	vadd.s32 v53, v51  }
0x16f: {  	v59 =	vld [tilespmem:s3+$0x2F08];
	v51 =	vadd.s32 v54, v51  }
0x170: {  	v60 =	vld [tilespmem:s3+$0x2F88];
	v51 =	vadd.s32 v55, v51  }
0x171: {  	v61 =	vld [tilespmem:s3+$0x3008];
	v51 =	vadd.s32 v56, v51  }
0x172: {  	v51 =	vadd.s32 v57, v51  }
0x173: {  	v51 =	vadd.s32 v58, v51  }
0x174: {  	v51 =	vadd.s32 v59, v51  }
0x175: {  	v51 =	vadd.s32 v60, v51  }
0x176: {  	v51 =	vadd.s32 v61, v51  }
0x177: {  	(v2sf) =	vpush v48, $0xF;
	v61 =	vperm.xlane v51, v38  }
0x178: {  	vm5 =	veq.s32 v13, $0x0  }
0x179: {  	v45 =	vmul.u32 v0, v45;
	v44 =	vmul.u32 v1, v44;
	v48 =	vsel vm5, $0x0, v61  }
0x17a: {  	v46 =	vmul.u32 v2, v46;
	v48 =	vadd.s32 v51, v48  }
0x17b: {  	v62 =	vmul.u32 v3, v47;
	v44 =	vadd.s32 v45, v44;
	v63 =	vperm.xlane v48, v40  }
0x17c: {  	v44 =	vadd.s32 v46, v44;
	v49 =	vmul.u32 v4, v49  }
0x17d: {  	v44 =	vadd.s32 v62, v44;
	v61 =	vmul.u32 v5, v50;
	v47 =	vsel vm0, $0x0, v63  }
0x17e: {  	v62 =	vmul.u32 v6, v52;
	v44 =	vadd.s32 v49, v44;
	v47 =	vadd.s32 v47, v48  }
0x17f: {  	v44 =	vadd.s32 v61, v44;
	v63 =	vmul.u32 v7, v53;
	v48 =	vperm.xlane v47, v41  }
0x180: {  	v52 =	vmul.u32 v8, v54;
	v44 =	vadd.s32 v62, v44  }
0x181: {  	v53 =	vmul.u32 v9, v55;
	v44 =	vadd.s32 v63, v44;
	v48 =	vsel vm1, $0x0, v48  }
0x182: {  	v54 =	vmul.u32 v10, v56;
	v44 =	vadd.s32 v52, v44;
	v47 =	vadd.s32 v48, v47  }
0x183: {  	v55 =	vmul.u32 v11, v57;
	v44 =	vadd.s32 v53, v44;
	v48 =	vperm.xlane v47, v43  }
0x184: {  	v56 =	vmul.u32 v12, v58;
	v44 =	vadd.s32 v54, v44  }
0x185: {  	v57 =	vmul.u32 v14, v59;
	v44 =	vadd.s32 v55, v44;
	v48 =	vsel vm2, $0x0, v48  }
0x186: {  	s17 =	spop (v2sf);
	v58 =	vmul.u32 v15, v60;
	v44 =	vadd.s32 v56, v44;
	v47 =	vadd.s32 v48, v47  }
0x187: {  	s3 =	sadd.s32 s25, s17;
	v44 =	vadd.s32 v57, v44;
	v59 =	vsub.s32 v47, v51  }
0x188: {  	v44 =	vadd.s32 v58, v44;
	v45 =	vadd.s32 s3, v59  }
0x189: {  	s0 =	sadd.s32 $0x10, s0;
	v44 =	vadd.s32 v45, v44  }
0x18a: {  	s18 =	sadd.s32 $0x10, s2;
	[tilespmem:s0+$0x0] =	vst v44  }
0x18b: {  	s19 =	sadd.s32 $0x10, s13;
	[tilespmem:s18+$0x0] =	vst v45  }
0x18c: {  	s18 =	simm.s32 $0x0;
	[tilespmem:s19+$0x0] =	vst v51  }
0x18d: {  	v44 =	vld [tilespmem:s18+$0xB16]  }
0x18e: {  	v45 =	vld [tilespmem:s18+$0xB15]  }
0x18f: {  	v60 =	vld [tilespmem:s18+$0x516]  }
0x190: {  	v61 =	vld [tilespmem:s18+$0xB14]  }
0x191: {  	(v2sf) =	vpush v47, $0xF;
	v62 =	vld [tilespmem:s18+$0x515]  }
0x192: {  	v63 =	vld [tilespmem:s18+$0xB13];
	(v2sf) =	vpush v44, $0x0  }
0x193: {  	v52 =	vld [tilespmem:s18+$0x514];
	(v2sf) =	vpush v45, $0x0  }
0x194: {  	v53 =	vld [tilespmem:s18+$0xB12];
	(v2sf) =	vpush v60, $0x0  }
0x195: {  	v54 =	vld [tilespmem:s18+$0x513];
	(v2sf) =	vpush v61, $0x0  }
0x196: {  	v55 =	vld [tilespmem:s18+$0xB11];
	(v2sf) =	vpush v62, $0x0  }
0x197: {  	v56 =	vld [tilespmem:s18+$0x512];
	(v2sf) =	vpush v63, $0x0  }
0x198: {  	v57 =	vld [tilespmem:s18+$0x517];
	(v2sf) =	vpush v52, $0x0  }
0x199: {  	v58 =	vld [tilespmem:s18+$0x508];
	(v2sf) =	vpush v53, $0x0  }
0x19a: {  	v59 =	vld [tilespmem:s18+$0x509];
	(v2sf) =	vpush v54, $0x0  }
0x19b: {  	v60 =	vld [tilespmem:s18+$0x50A];
	(v2sf) =	vpush v55, $0x0  }
0x19c: {  	v61 =	vld [tilespmem:s18+$0x50B];
	(v2sf) =	vpush v56, $0x0  }
0x19d: {  	v62 =	vld [tilespmem:s18+$0x50C];
	(v2sf) =	vpush v57, $0x0  }
0x19e: {  	v63 =	vld [tilespmem:s18+$0x50D];
	(v2sf) =	vpush v58, $0x0  }
0x19f: {  	v52 =	vld [tilespmem:s18+$0x50E];
	(v2sf) =	vpush v59, $0x0  }
0x1a0: {  	s20 =	spop (v2sf);
	v53 =	vld [tilespmem:s18+$0x50F];
	(v2sf) =	vpush v60, $0x0  }
0x1a1: {  	v54 =	vld [tilespmem:s18+$0x510];
	(v2sf) =	vpush v61, $0x0;
	s2 =	spop (v2sf)  }
0x1a2: {  	v55 =	vld [tilespmem:s18+$0x511];
	(v2sf) =	vpush v62, $0x0;
	s13 =	spop (v2sf)  }
0x1a3: {  	v56 =	vld [tilespmem:s18+$0xB10];
	(v2sf) =	vpush v63, $0x0;
	s17 =	spop (v2sf)  }
0x1a4: {  	v57 =	vld [tilespmem:s18+$0xB0F];
	(v2sf) =	vpush v52, $0x0;
	s0 =	spop (v2sf)  }
0x1a5: {  	v58 =	vld [tilespmem:s18+$0xB0E];
	(v2sf) =	vpush v53, $0x0;
	s3 =	spop (v2sf)  }
0x1a6: {  	v59 =	vld [tilespmem:s18+$0xB0D];
	(v2sf) =	vpush v54, $0x0;
	s25 =	spop (v2sf)  }
0x1a7: {  	v60 =	vld [tilespmem:s18+$0xB0C];
	(v2sf) =	vpush v55, $0x0;
	s28 =	spop (v2sf)  }
0x1a8: {  	v61 =	vld [tilespmem:s18+$0xB0B];
	(v2sf) =	vpush v56, $0x0;
	s26 =	spop (v2sf)  }
0x1a9: {  	v62 =	vld [tilespmem:s18+$0xB0A];
	(v2sf) =	vpush v57, $0x0;
	s29 =	spop (v2sf)  }
0x1aa: {  	v63 =	vld [tilespmem:s18+$0xB09];
	(v2sf) =	vpush v58, $0x0;
	s16 =	spop (v2sf)  }
0x1ab: {  	v52 =	vld [tilespmem:s18+$0xB08];
	(v2sf) =	vpush v59, $0x0;
	s30 =	spop (v2sf)  }
0x1ac: {  	v53 =	vld [tilespmem:s18+$0xB17];
	(v2sf) =	vpush v60, $0x0;
	s21 =	spop (v2sf)  }
0x1ad: {  	v54 =	vld [tilespmem:s21+$0x4C88];
	s22 =	spop (v2sf);
	(v2sf) =	vpush v61, $0x0  }
0x1ae: {  	v55 =	vld [tilespmem:s22+$0x4C88];
	s31 =	spop (v2sf);
	(v2sf) =	vpush v62, $0x0  }
0x1af: {  	v56 =	vld [tilespmem:s31+$0x4C88];
	(v2sf) =	vpush v63, $0x0;
	s5 =	spop (v2sf)  }
0x1b0: {  	v57 =	vld [tilespmem:s5+$0x4C88];
	(v2sf) =	vpush v52, $0x0;
	s6 =	spop (v2sf)  }
0x1b1: {  	v58 =	vld [tilespmem:s6+$0x4C88];
	s19 =	spop (v2sf);
	(v2sf) =	vpush v53, $0x0  }
0x1b2: {  	v59 =	vld [tilespmem:s19+$0x4C88];
	s20 =	spop (v2sf);
	(v2sf) =	vpush v54, $0x0  }
0x1b3: {  	v60 =	vld [tilespmem:s20+$0x4C88];
	(v2sf) =	vpush v55, $0x0;
	s21 =	spop (v2sf)  }
0x1b4: {  	v61 =	vld [tilespmem:s21+$0x4C88];
	(v2sf) =	vpush v56, $0x0;
	s22 =	spop (v2sf)  }
0x1b5: {  	v62 =	vld [tilespmem:s22+$0x4C88];
	(v2sf) =	vpush v57, $0x0;
	s31 =	spop (v2sf)  }
0x1b6: {  	v63 =	vld [tilespmem:s31+$0x4C88];
	(v2sf) =	vpush v58, $0x0;
	s5 =	spop (v2sf)  }
0x1b7: {  	v52 =	vld [tilespmem:s5+$0x4C88];
	(v2sf) =	vpush v59, $0x0;
	s18 =	spop (v2sf)  }
0x1b8: {  	v53 =	vld [tilespmem:s30+$0x4C88];
	(v2sf) =	vpush v60, $0x0;
	s30 =	spop (v2sf)  }
0x1b9: {  	v54 =	vld [tilespmem:s29+$0x4C88];
	(v2sf) =	vpush v61, $0x0;
	s29 =	spop (v2sf)  }
0x1ba: {  	v55 =	vld [tilespmem:s28+$0x4C88];
	s28 =	spop (v2sf);
	(v2sf) =	vpush v62, $0x0  }
0x1bb: {  	v56 =	vld [tilespmem:s3+$0x4C88];
	s3 =	spop (v2sf);
	(v2sf) =	vpush v63, $0x0  }
0x1bc: {  	v57 =	vld [tilespmem:s17+$0x4C88];
	s17 =	spop (v2sf);
	(v2sf) =	vpush v52, $0x0  }
0x1bd: {  	s31 =	spop (v2sf);
	(v2sf) =	vpush v53, $0x0  }
0x1be: {  	s19 =	spop (v2sf);
	(v2sf) =	vpush v54, $0x0  }
0x1bf: {  	s20 =	spop (v2sf);
	(v2sf) =	vpush v55, $0x0  }
0x1c0: {  	(v2sf) =	vpush v56, $0x0;
	s21 =	spop (v2sf)  }
0x1c1: {  	(v2sf) =	vpush v57, $0x0;
	s22 =	spop (v2sf)  }
0x1c2: {  	s21 =	sadd.s32 s22, s21;
	s6 =	spop (v2sf)  }
0x1c3: {  	vm5 =	vcmask $0x300;
	s20 =	sadd.s32 s6, s20;
	v58 =	vmov s21;
	s5 =	spop (v2sf)  }
0x1c4: {  	s19 =	sadd.s32 s5, s19;
	v44 =	vsel vm5, s20, v58;
	s6 =	spop (v2sf)  }
0x1c5: {  	s20 =	sadd.s32 s6, s31;
	v44 =	vsel vm6, s19, v44;
	s21 =	spop (v2sf)  }
0x1c6: {  	s17 =	sadd.s32 s21, s17;
	v44 =	vsel vm7, s20, v44;
	s22 =	spop (v2sf)  }
0x1c7: {  	s3 =	sadd.s32 s22, s3;
	v44 =	vsel vm8, s17, v44;
	s31 =	spop (v2sf)  }
0x1c8: {  	s17 =	sadd.s32 s31, s28;
	v44 =	vsel vm9, s3, v44;
	s5 =	spop (v2sf)  }
0x1c9: {  	s3 =	sadd.s32 s5, s29;
	v44 =	vsel vm10, s17, v44;
	s6 =	spop (v2sf)  }
0x1ca: {  	s17 =	sadd.s32 s6, s30;
	v44 =	vsel vm11, s3, v44;
	s19 =	spop (v2sf)  }
0x1cb: {  	s3 =	sadd.s32 s19, s18;
	v44 =	vsel vm12, s17, v44;
	s20 =	spop (v2sf)  }
0x1cc: {  	s16 =	sadd.s32 s20, s16;
	v44 =	vsel vm13, s3, v44;
	s21 =	spop (v2sf)  }
0x1cd: {  	s3 =	sadd.s32 s21, s26;
	v44 =	vsel vm14, s16, v44;
	s22 =	spop (v2sf)  }
0x1ce: {  	vm3 =	vcmask $0x2F2C;
	s16 =	sadd.s32 s22, s25;
	v44 =	vsel vm15, s3, v44;
	s25 =	spop (v2sf)  }
0x1cf: {  	s0 =	sadd.s32 s25, s0;
	v44 =	vsel vm3, s16, v44;
	s26 =	spop (v2sf)  }
0x1d0: {  	vm0 =	vcmask $0x3734;
	s28 =	sand.u32 $0x200, s24;
	s3 =	sadd.s32 s26, s13;
	v44 =	vsel vm4, s0, v44;
	s30 =	spop (v2sf)  }
0x1d1: {  	vm1 =	vcmask $0x3B38;
	s31 =	sand.u32 $0x70, s24;
	s0 =	sshrl.u32 s28, $0x2;
	s2 =	sadd.s32 s30, s2;
	v44 =	vsel vm0, s3, v44  }
0x1d2: {  	s0 =	sor.u32 s31, s0;
	v44 =	vsel vm1, s2, v44  }
0x1d3: {  	s29 =	simm.s32 $0x10;
	[tilespmem:s0+$0x5A08] =	vst v44  }
0x1d4: {  	v44 =	vld [tilespmem:s29+$0xB16]  }
0x1d5: {  	v59 =	vld [tilespmem:s29+$0xB15]  }
0x1d6: {  	v60 =	vld [tilespmem:s29+$0x516]  }
0x1d7: {  	v61 =	vld [tilespmem:s29+$0xB14]  }
0x1d8: {  	v62 =	vld [tilespmem:s29+$0x515]  }
0x1d9: {  	v63 =	vld [tilespmem:s29+$0xB13];
	(v2sf) =	vpush v44, $0x0  }
0x1da: {  	v44 =	vld [tilespmem:s29+$0x514];
	(v2sf) =	vpush v59, $0x0  }
0x1db: {  	v45 =	vld [tilespmem:s29+$0xB12];
	(v2sf) =	vpush v60, $0x0  }
0x1dc: {  	v46 =	vld [tilespmem:s29+$0x513];
	(v2sf) =	vpush v61, $0x0  }
0x1dd: {  	v47 =	vld [tilespmem:s29+$0xB11];
	(v2sf) =	vpush v62, $0x0  }
0x1de: {  	s25 =	simm.s32 $0x40;
	s26 =	simm.s32 $0x80;
	v48 =	vld [tilespmem:s29+$0x512];
	(v2sf) =	vpush v63, $0x0  }
.LBB2_8:
0x1df: {  	p2 =	sne.s32 s26, $0x3C0;
	v49 =	vld [tilespmem:s29+$0x517];
	(v2sf) =	vpush v44, $0x0  }
0x1e0: {  	v44 =	vld [tilespmem:s29+$0x508];
	(v2sf) =	vpush v45, $0x0  }
0x1e1: {  	v45 =	vld [tilespmem:s29+$0x509];
	(v2sf) =	vpush v46, $0x0  }
0x1e2: {  	v46 =	vld [tilespmem:s29+$0x50A];
	(v2sf) =	vpush v47, $0x0  }
0x1e3: {  	v47 =	vld [tilespmem:s29+$0x50B];
	(v2sf) =	vpush v48, $0x0  }
0x1e4: {  	v48 =	vld [tilespmem:s29+$0x50C];
	(v2sf) =	vpush v49, $0x0  }
0x1e5: {  	v49 =	vld [tilespmem:s29+$0x50D];
	(v2sf) =	vpush v44, $0x0  }
0x1e6: {  	v44 =	vld [tilespmem:s29+$0x50E];
	(v2sf) =	vpush v45, $0x0  }
0x1e7: {  	v45 =	vld [tilespmem:s29+$0x50F];
	(v2sf) =	vpush v46, $0x0  }
0x1e8: {  	v46 =	vld [tilespmem:s29+$0x510];
	(v2sf) =	vpush v47, $0x0;
	s28 =	spop (v2sf)  }
0x1e9: {  	v47 =	vld [tilespmem:s29+$0x511];
	(v2sf) =	vpush v48, $0x0;
	s30 =	spop (v2sf)  }
0x1ea: {  	v48 =	vld [tilespmem:s29+$0xB10];
	(v2sf) =	vpush v49, $0x0;
	s16 =	spop (v2sf)  }
0x1eb: {  	v49 =	vld [tilespmem:s29+$0xB0F];
	(v2sf) =	vpush v44, $0x0;
	s31 =	spop (v2sf)  }
0x1ec: {  	v44 =	vld [tilespmem:s29+$0xB0E];
	(v2sf) =	vpush v45, $0x0;
	s17 =	spop (v2sf)  }
0x1ed: {  	v45 =	vld [tilespmem:s29+$0xB0D];
	(v2sf) =	vpush v46, $0x0;
	s2 =	spop (v2sf)  }
0x1ee: {  	v46 =	vld [tilespmem:s29+$0xB0C];
	(v2sf) =	vpush v47, $0x0;
	s18 =	spop (v2sf)  }
0x1ef: {  	v47 =	vld [tilespmem:s29+$0xB0B];
	(v2sf) =	vpush v48, $0x0;
	s13 =	spop (v2sf)  }
0x1f0: {  	v48 =	vld [tilespmem:s29+$0xB0A];
	(v2sf) =	vpush v49, $0x0;
	s19 =	spop (v2sf)  }
0x1f1: {  	v49 =	vld [tilespmem:s29+$0xB09];
	(v2sf) =	vpush v44, $0x0;
	s0 =	spop (v2sf)  }
0x1f2: {  	v44 =	vld [tilespmem:s29+$0xB08];
	(v2sf) =	vpush v45, $0x0;
	s3 =	spop (v2sf)  }
0x1f3: {  	v45 =	vld [tilespmem:s29+$0xB17];
	(v2sf) =	vpush v46, $0x0;
	s20 =	spop (v2sf)  }
0x1f4: {  	v46 =	vld [tilespmem:s20+$0x4C88];
	s20 =	spop (v2sf);
	(v2sf) =	vpush v47, $0x0  }
0x1f5: {  	v47 =	vld [tilespmem:s20+$0x4C88];
	s20 =	spop (v2sf);
	(v2sf) =	vpush v48, $0x0  }
0x1f6: {  	v48 =	vld [tilespmem:s20+$0x4C88];
	(v2sf) =	vpush v49, $0x0;
	s20 =	spop (v2sf)  }
0x1f7: {  	v49 =	vld [tilespmem:s20+$0x4C88];
	(v2sf) =	vpush v44, $0x0;
	s20 =	spop (v2sf)  }
0x1f8: {  	v44 =	vld [tilespmem:s20+$0x4C88];
	s20 =	spop (v2sf);
	(v2sf) =	vpush v45, $0x0  }
0x1f9: {  	v45 =	vld [tilespmem:s20+$0x4C88];
	s20 =	spop (v2sf);
	(v2sf) =	vpush v46, $0x0  }
0x1fa: {  	v46 =	vld [tilespmem:s20+$0x4C88];
	(v2sf) =	vpush v47, $0x0;
	s20 =	spop (v2sf)  }
0x1fb: {  	v47 =	vld [tilespmem:s20+$0x4C88];
	(v2sf) =	vpush v48, $0x0;
	s20 =	spop (v2sf)  }
0x1fc: {  	v48 =	vld [tilespmem:s20+$0x4C88];
	(v2sf) =	vpush v49, $0x0;
	s20 =	spop (v2sf)  }
0x1fd: {  	v49 =	vld [tilespmem:s20+$0x4C88];
	(v2sf) =	vpush v44, $0x0;
	s20 =	spop (v2sf)  }
0x1fe: {  	v44 =	vld [tilespmem:s20+$0x4C88];
	(v2sf) =	vpush v45, $0x0;
	s29 =	spop (v2sf)  }
0x1ff: {  	v45 =	vld [tilespmem:s3+$0x4C88];
	(v2sf) =	vpush v46, $0x0;
	s3 =	spop (v2sf)  }
0x200: {  	v46 =	vld [tilespmem:s19+$0x4C88];
	(v2sf) =	vpush v47, $0x0;
	s19 =	spop (v2sf)  }
0x201: {  	v47 =	vld [tilespmem:s18+$0x4C88];
	s18 =	spop (v2sf);
	(v2sf) =	vpush v48, $0x0  }
0x202: {  	v48 =	vld [tilespmem:s17+$0x4C88];
	s17 =	spop (v2sf);
	(v2sf) =	vpush v49, $0x0  }
0x203: {  	v49 =	vld [tilespmem:s16+$0x4C88];
	s16 =	spop (v2sf);
	(v2sf) =	vpush v44, $0x0  }
0x204: {  	s20 =	spop (v2sf);
	(v2sf) =	vpush v45, $0x0  }
0x205: {  	s21 =	spop (v2sf);
	(v2sf) =	vpush v46, $0x0  }
0x206: {  	s22 =	spop (v2sf);
	(v2sf) =	vpush v47, $0x0  }
0x207: {  	(v2sf) =	vpush v48, $0x0;
	s5 =	spop (v2sf)  }
0x208: {  	(v2sf) =	vpush v49, $0x0;
	s6 =	spop (v2sf)  }
0x209: {  	s5 =	sadd.s32 s6, s5;
	s6 =	spop (v2sf)  }
0x20a: {  	s6 =	sadd.s32 s6, s22;
	v44 =	vmov s5;
	s5 =	spop (v2sf)  }
0x20b: {  	s5 =	sadd.s32 s5, s21;
	v44 =	vsel vm5, s6, v44;
	s6 =	spop (v2sf)  }
0x20c: {  	s6 =	sadd.s32 s6, s20;
	v44 =	vsel vm6, s5, v44;
	s5 =	spop (v2sf)  }
0x20d: {  	s5 =	sadd.s32 s5, s16;
	v44 =	vsel vm7, s6, v44;
	s6 =	spop (v2sf)  }
0x20e: {  	s6 =	sadd.s32 s6, s17;
	v44 =	vsel vm8, s5, v44;
	s5 =	spop (v2sf)  }
0x20f: {  	s5 =	sadd.s32 s5, s18;
	v44 =	vsel vm9, s6, v44;
	s6 =	spop (v2sf)  }
0x210: {  	s6 =	sadd.s32 s6, s19;
	v44 =	vsel vm10, s5, v44;
	s5 =	spop (v2sf)  }
0x211: {  	s3 =	sadd.s32 s5, s3;
	v44 =	vsel vm11, s6, v44;
	s5 =	spop (v2sf)  }
0x212: {  	s5 =	sadd.s32 s5, s29;
	v44 =	vsel vm12, s3, v44;
	s3 =	spop (v2sf)  }
0x213: {  	s0 =	sadd.s32 s3, s0;
	v44 =	vsel vm13, s5, v44;
	s3 =	spop (v2sf)  }
0x214: {  	s3 =	sadd.s32 s3, s13;
	v44 =	vsel vm14, s0, v44;
	s0 =	spop (v2sf)  }
0x215: {  	s0 =	sadd.s32 s0, s2;
	v44 =	vsel vm15, s3, v44;
	s2 =	spop (v2sf)  }
0x216: {  	s24 =	sadd.s32 $0x10, s24;
	s2 =	sadd.s32 s2, s31;
	v44 =	vsel vm3, s0, v44;
	s0 =	spop (v2sf)  }
0x217: {  	s0 =	sadd.s32 s0, s30;
	v44 =	vsel vm4, s2, v44;
	s2 =	sand.u32 $0x200, s25;
	s3 =	spop (v2sf)  }
0x218: {  	s3 =	sadd.s32 s3, s28;
	v44 =	vsel vm0, s0, v44;
	s0 =	sand.u32 $0x70, s24;
	s2 =	sshrl.u32 s2, $0x2  }
0x219: {  	s25 =	smov.u32 s26;
	v44 =	vsel vm1, s3, v44;
	s0 =	sor.u32 s0, s2  }
0x21a: {  	s29 =	sshra.s32 s26, $0x2;
	[tilespmem:s0+$0x5A08] =	vst v44  }
0x21b: {  	v44 =	vld [tilespmem:s29+$0xB16]  }
0x21c: {  	v45 =	vld [tilespmem:s29+$0xB15]  }
0x21d: {  	v46 =	vld [tilespmem:s29+$0x516]  }
0x21e: {  	v47 =	vld [tilespmem:s29+$0xB14]  }
0x21f: {  	v48 =	vld [tilespmem:s29+$0x515]  }
0x220: {  	v49 =	vld [tilespmem:s29+$0xB13];
	(v2sf) =	vpush v44, $0x0  }
.Ltmp5:
0x221: {  	v44 =	vld [tilespmem:s29+$0x514];
	(v2sf) =	vpush v45, $0x0;
	(pc) =	sbr.rel @p2 .LBB2_8-.Ltmp5, $4  }
0x222: {  	v45 =	vld [tilespmem:s29+$0xB12];
	(v2sf) =	vpush v46, $0x0  }
0x223: {  	v46 =	vld [tilespmem:s29+$0x513];
	(v2sf) =	vpush v47, $0x0  }
0x224: {  	v47 =	vld [tilespmem:s29+$0xB11];
	(v2sf) =	vpush v48, $0x0  }
0x225: {  	s26 =	sadd.s32 $0x40, s26;
	v48 =	vld [tilespmem:s29+$0x512];
	(v2sf) =	vpush v49, $0x0  }
0x226: {  	v49 =	vld [tilespmem:s29+$0x517];
	(v2sf) =	vpush v44, $0x0  }
0x227: {  	v63 =	vld [tilespmem:s29+$0x508];
	(v2sf) =	vpush v45, $0x0  }
0x228: {  	v52 =	vld [tilespmem:s29+$0x509];
	(v2sf) =	vpush v46, $0x0  }
0x229: {  	v53 =	vld [tilespmem:s29+$0x50A];
	(v2sf) =	vpush v47, $0x0  }
0x22a: {  	v54 =	vld [tilespmem:s29+$0x50B];
	(v2sf) =	vpush v48, $0x0  }
0x22b: {  	v55 =	vld [tilespmem:s29+$0x50C];
	(v2sf) =	vpush v49, $0x0  }
0x22c: {  	v56 =	vld [tilespmem:s29+$0x50D];
	(v2sf) =	vpush v63, $0x0  }
0x22d: {  	v57 =	vld [tilespmem:s29+$0x50E];
	(v2sf) =	vpush v52, $0x0  }
0x22e: {  	v58 =	vld [tilespmem:s29+$0x50F];
	(v2sf) =	vpush v53, $0x0  }
0x22f: {  	v59 =	vld [tilespmem:s29+$0x510];
	(v2sf) =	vpush v54, $0x0;
	s2 =	spop (v2sf)  }
0x230: {  	v60 =	vld [tilespmem:s29+$0x511];
	(v2sf) =	vpush v55, $0x0;
	s13 =	spop (v2sf)  }
0x231: {  	v61 =	vld [tilespmem:s29+$0xB10];
	(v2sf) =	vpush v56, $0x0;
	s17 =	spop (v2sf)  }
0x232: {  	v62 =	vld [tilespmem:s29+$0xB0F];
	(v2sf) =	vpush v57, $0x0;
	s0 =	spop (v2sf)  }
0x233: {  	v63 =	vld [tilespmem:s29+$0xB0E];
	(v2sf) =	vpush v58, $0x0;
	s3 =	spop (v2sf)  }
0x234: {  	v52 =	vld [tilespmem:s29+$0xB0D];
	(v2sf) =	vpush v59, $0x0;
	s26 =	spop (v2sf)  }
0x235: {  	v53 =	vld [tilespmem:s29+$0xB0C];
	(v2sf) =	vpush v60, $0x0;
	s5 =	spop (v2sf)  }
0x236: {  	v54 =	vld [tilespmem:s29+$0xB0B];
	(v2sf) =	vpush v61, $0x0;
	s28 =	spop (v2sf)  }
0x237: {  	v55 =	vld [tilespmem:s29+$0xB0A];
	(v2sf) =	vpush v62, $0x0;
	s6 =	spop (v2sf)  }
0x238: {  	v56 =	vld [tilespmem:s29+$0xB09];
	(v2sf) =	vpush v63, $0x0;
	s16 =	spop (v2sf)  }
0x239: {  	v57 =	vld [tilespmem:s29+$0xB08];
	(v2sf) =	vpush v52, $0x0;
	s18 =	spop (v2sf)  }
0x23a: {  	v58 =	vld [tilespmem:s29+$0xB17];
	(v2sf) =	vpush v53, $0x0;
	s19 =	spop (v2sf)  }
0x23b: {  	v59 =	vld [tilespmem:s19+$0x4C88];
	s21 =	spop (v2sf);
	(v2sf) =	vpush v54, $0x0  }
0x23c: {  	v60 =	vld [tilespmem:s21+$0x4C88];
	s22 =	spop (v2sf);
	(v2sf) =	vpush v55, $0x0  }
0x23d: {  	v61 =	vld [tilespmem:s22+$0x4C88];
	(v2sf) =	vpush v56, $0x0;
	s29 =	spop (v2sf)  }
0x23e: {  	v62 =	vld [tilespmem:s29+$0x4C88];
	(v2sf) =	vpush v57, $0x0;
	s30 =	spop (v2sf)  }
0x23f: {  	v63 =	vld [tilespmem:s30+$0x4C88];
	s31 =	spop (v2sf);
	(v2sf) =	vpush v58, $0x0  }
0x240: {  	v52 =	vld [tilespmem:s31+$0x4C88];
	s20 =	spop (v2sf);
	(v2sf) =	vpush v59, $0x0  }
0x241: {  	v53 =	vld [tilespmem:s20+$0x4C88];
	(v2sf) =	vpush v60, $0x0;
	s21 =	spop (v2sf)  }
0x242: {  	v54 =	vld [tilespmem:s21+$0x4C88];
	(v2sf) =	vpush v61, $0x0;
	s22 =	spop (v2sf)  }
0x243: {  	v55 =	vld [tilespmem:s22+$0x4C88];
	(v2sf) =	vpush v62, $0x0;
	s29 =	spop (v2sf)  }
0x244: {  	v56 =	vld [tilespmem:s29+$0x4C88];
	(v2sf) =	vpush v63, $0x0;
	s30 =	spop (v2sf)  }
0x245: {  	v57 =	vld [tilespmem:s30+$0x4C88];
	(v2sf) =	vpush v52, $0x0;
	s19 =	spop (v2sf)  }
0x246: {  	v58 =	vld [tilespmem:s18+$0x4C88];
	(v2sf) =	vpush v53, $0x0;
	s18 =	spop (v2sf)  }
0x247: {  	v59 =	vld [tilespmem:s6+$0x4C88];
	(v2sf) =	vpush v54, $0x0;
	s6 =	spop (v2sf)  }
0x248: {  	v60 =	vld [tilespmem:s5+$0x4C88];
	s5 =	spop (v2sf);
	(v2sf) =	vpush v55, $0x0  }
0x249: {  	v61 =	vld [tilespmem:s3+$0x4C88];
	s3 =	spop (v2sf);
	(v2sf) =	vpush v56, $0x0  }
0x24a: {  	v62 =	vld [tilespmem:s17+$0x4C88];
	s20 =	spop (v2sf);
	(v2sf) =	vpush v57, $0x0  }
0x24b: {  	s17 =	spop (v2sf);
	(v2sf) =	vpush v58, $0x0  }
0x24c: {  	s21 =	spop (v2sf);
	(v2sf) =	vpush v59, $0x0  }
0x24d: {  	s22 =	spop (v2sf);
	(v2sf) =	vpush v60, $0x0  }
0x24e: {  	(v2sf) =	vpush v61, $0x0;
	s29 =	spop (v2sf)  }
0x24f: {  	s30 =	spop (v2sf);
	(v2sf) =	vpush v62, $0x0  }
0x250: {  	s31 =	spop (v2sf);
	s29 =	sadd.s32 s30, s29  }
0x251: {  	s30 =	spop (v2sf);
	s22 =	sadd.s32 s31, s22;
	v63 =	vmov s29  }
0x252: {  	s31 =	spop (v2sf);
	s21 =	sadd.s32 s30, s21;
	v44 =	vsel vm5, s22, v63  }
0x253: {  	s30 =	spop (v2sf);
	s17 =	sadd.s32 s31, s17;
	v44 =	vsel vm6, s21, v44  }
0x254: {  	s31 =	spop (v2sf);
	s20 =	sadd.s32 s30, s20;
	v44 =	vsel vm7, s17, v44  }
0x255: {  	s22 =	spop (v2sf);
	s3 =	sadd.s32 s31, s3;
	v44 =	vsel vm8, s20, v44  }
0x256: {  	s29 =	spop (v2sf);
	s5 =	sadd.s32 s22, s5;
	v44 =	vsel vm9, s3, v44  }
0x257: {  	s30 =	spop (v2sf);
	s6 =	sadd.s32 s29, s6;
	v44 =	vsel vm10, s5, v44  }
0x258: {  	s31 =	spop (v2sf);
	s3 =	sadd.s32 s30, s18;
	v44 =	vsel vm11, s6, v44  }
0x259: {  	s17 =	spop (v2sf);
	s5 =	sadd.s32 s31, s19;
	v44 =	vsel vm12, s3, v44  }
0x25a: {  	s18 =	spop (v2sf);
	s6 =	sadd.s32 s17, s16;
	v44 =	vsel vm13, s5, v44  }
0x25b: {  	s19 =	spop (v2sf);
	s3 =	sadd.s32 s18, s28;
	v44 =	vsel vm14, s6, v44  }
0x25c: {  	s20 =	spop (v2sf);
	s5 =	sadd.s32 s19, s26;
	v44 =	vsel vm15, s3, v44  }
0x25d: {  	v16 =	vld [tilespmem:$0x1FFA0];
	s22 =	sadd.s32 $0x10, s24;
	s21 =	spop (v2sf);
	s0 =	sadd.s32 s20, s0;
	v44 =	vsel vm3, s5, v44  }
0x25e: {  	s24 =	sand.u32 $0x200, s25;
	s3 =	sadd.s32 s21, s13;
	v44 =	vsel vm4, s0, v44;
	s25 =	spop (v2sf)  }
0x25f: {  	s26 =	sand.u32 $0x70, s22;
	s0 =	sshrl.u32 s24, $0x2;
	s2 =	sadd.s32 s25, s2;
	v44 =	vsel vm0, s3, v44  }
0x260: {  	s0 =	sor.u32 s26, s0;
	v44 =	vsel vm1, s2, v44  }
0x261: {  	[tilespmem:s0+$0x5A08] =	vst v44  }
0x262: {  	[tilespmem:$0x5B08] =	vst v16;
	v16 =	vld [tilespmem:$0x1FFB0]  }
0x263: {  	[tilespmem:$0x5B48] =	vst v20  }
0x264: {  	[tilespmem:$0x5B58] =	vst v21  }
0x265: {  	[tilespmem:$0x5B68] =	vst v22  }
0x266: {  	[tilespmem:$0x5B78] =	vst v23  }
0x267: {  	[tilespmem:$0x5B18] =	vst v16;
	v16 =	vld [tilespmem:$0x1FFC0]  }
0x268: {  	[tilespmem:$0x5B88] =	vst v24  }
0x269: {  	[tilespmem:$0x5B98] =	vst v25  }
0x26a: {  	[tilespmem:$0x5BA8] =	vst v26  }
0x26b: {  	[tilespmem:$0x5BB8] =	vst v27  }
0x26c: {  	[tilespmem:$0x5B28] =	vst v16;
	v16 =	vld [tilespmem:$0x1FFD0]  }
0x26d: {  	[tilespmem:$0x5BC8] =	vst v28  }
0x26e: {  	[tilespmem:$0x5BD8] =	vst v29  }
0x26f: {  	[tilespmem:$0x5BE8] =	vst v30  }
0x270: {  	[tilespmem:$0x5BF8] =	vst v31  }
0x271: {  	s29 =	simm.s32 $0x5B08;
	s28 =	simm.s32 $0x5A08;
	[tilespmem:$0x5B38] =	vst v16  }
0x272: {  	[spmem:s1] =	stream.indirect.scatter [tilespmem:s29], [sflag:$0x2], $0x1, s28, s15, $0xb8;
	[tilespmem:$0xAD08] =	vst v63  }
0x273: {  	_ =	swait.ge [sflag:s14], $0x80  }
0x274: {  	[sflag:s14] =	ssyncset.done $0x0  }
0x275: {  	s30 =	simm.s32 $0x5A88;
	s31 =	simm.s32 $0x5B88;
	[sflag:s14] =	ssyncadd.s32 $0xFFFFFF80  }
0x276: {  	[spmem:s1] =	stream.indirect.scatter [tilespmem:s31], [sflag:$0x2], $0x1, s30, s15, $0xb8;
	[tilespmem:$0xAD08] =	vst v63  }
0x277: {  	_ =	swait.ge [sflag:s14], $0x80  }
0x278: {  	[sflag:s14] =	ssyncset.done $0x0  }
0x279: {  	[sflag:s14] =	ssyncadd.s32 $0xFFFFFF80  }
0x27a: {  	s2 =	simm.s32 @p1 $0x9C88;
	s0 =	simm.s32 @p1 $0x0;
	[bflag:$0x0] =	sbarrier.arrive $0xFFFF  }
0x27b: {  	[tilespmem:s2], [sflag:$0x2] =	stream.linear.gather @p1 [hbm4b:s9+s0], $0x400, $0x38;
	[tilespmem:$0xAD08] =	vst v63  }
0x27c: {  	s0 =	simm.s32 @p1 $0x2  }
0x27d: {  	_ =	swait.ge @p1 [sflag:s0], $0x400  }
0x27e: {  	[sflag:s0] =	ssyncset.done @p1 $0x0  }
0x27f: {  	s2 =	simm.s32 @!p1 $0x9C88;
	[sflag:s0] =	ssyncadd.s32 @p1 $0xFFFFFC00;
	s0 =	simm.s32 @!p1 $0x0  }
0x280: {  	[tilespmem:s2], [sflag:$0x2] =	stream.linear.gather @!p1 [hbm4b:s8+s0], $0x1000, $0x38;
	[tilespmem:$0xAD08] =	vst v63  }
0x281: {  	s0 =	simm.s32 @!p1 $0x2  }
0x282: {  	_ =	swait.ge @!p1 [sflag:s0], $0x1000  }
0x283: {  	v16 =	vld [tilespmem:$0x1FFE0];
	_ =	sdelay $0x4  }
0x284: {  	vm0 =	vnez.u8 v16;
	v16 =	vld [tilespmem:$0x1FFF0]  }
.Ltmp6:
0x285: {  	_ = 	snop;
	(pc) =	sbr.rel .LBB2_10-.Ltmp6, $3  }
0x286: {  	_ =	sdelay $0x1  }
0x287: {  	[sflag:s0] =	ssyncset.done @!p1 $0x0  }
0x288: {  	s24 =	simm.s32 $0x0;
	s2 =	simm.s32 $0xC0000000;
	[sflag:s0] =	ssyncadd.s32 @!p1 $0xFFFFF000;
	vm1 =	vnez.u8 v16  }
.LBB2_12:
0x289: {  	_ = 	snop  }
.LBB2_17:
0x28a: {  	v16 =	vadd.f32 @p2 v60, v61;
	_ =	sdelay $0x1  }
0x28b: {  	(v2sf) =	vpush @p2 v16, $0x0;
	_ =	sdelay $0xe  }
0x28c: {  	s0 =	spop @p2 (v2sf)  }
0x28d: {  	s0 =	smax.f32 @p2 s0, $1.000000020e-24  }
0x28e: {  	s3 =	sshrl.u32 @p2 s0, $0x1;
	s0 =	smul.f32 @p2 $5.000000000e-01, s0  }
0x28f: {  	s3 =	ssub.s32 @p2 $0x5F3759DF, s3  }
0x290: {  	s5 =	smul.f32 @p2 s3, s0;
	_ =	sdelay $0x1  }
0x291: {  	s5 =	smul.f32 @p2 s3, s5;
	_ =	sdelay $0x1  }
0x292: {  	s5 =	ssub.f32 @p2 $1.500000000e+00, s5;
	_ =	sdelay $0x1  }
0x293: {  	s3 =	smul.f32 @p2 s3, s5;
	_ =	sdelay $0x1  }
0x294: {  	s5 =	smul.f32 @p2 s3, s0;
	_ =	sdelay $0x1  }
0x295: {  	s5 =	smul.f32 @p2 s5, s3;
	_ =	sdelay $0x1  }
0x296: {  	s5 =	ssub.f32 @p2 $1.500000000e+00, s5;
	_ =	sdelay $0x1  }
0x297: {  	s3 =	smul.f32 @p2 s5, s3  }
0x298: {  	[sflag:s2] =	ssyncadd.s32 @!p3 $0xFFFFC000;
	s26 =	sadd.s32 s13, s26  }
0x299: {  	v17 =	vld [tilespmem:s26+$0x10];
	s0 =	smul.f32 @p2 s3, s0  }
0x29a: {  	v18 =	vld [tilespmem:s26+$0x40]  }
0x29b: {  	v19 =	vld [tilespmem:s26+$0x20];
	s0 =	smul.f32 @p2 s0, s3  }
0x29c: {  	v60 =	vld [tilespmem:s26+$0x30]  }
0x29d: {  	s0 =	ssub.f32 @p2 $1.500000000e+00, s0  }
0x29e: {  	v16 =	vld [tilespmem:s26+$0x0]  }
0x29f: {  	s0 =	smul.f32 @p2 s0, s3  }
0x2a0: {  	v17 =	vmul.f32 $5.000000070e-02, v17;
	v18 =	vmul.f32 $5.000000070e-02, v18  }
0x2a1: {  	v19 =	vmul.f32 $5.000000070e-02, v19;
	v61 =	vmul.f32 $5.000000070e-02, v60;
	s0 =	smin.f32 @p2 s0, $9.999999950e+11  }
0x2a2: {  	v52 =	vmul.f32 @p2 s0, v52;
	v53 =	vmul.f32 @p2 s0, v53  }
0x2a3: {  	v16 =	vmul.f32 $5.000000070e-02, v16;
	v54 =	vmul.f32 @p2 s0, v54  }
0x2a4: {  	v51 =	vpsel p2, v52, v51;
	v50 =	vpsel p2, v53, v50;
	v53 =	vmul.f32 @p2 s0, v55  }
0x2a5: {  	v49 =	vpsel p2, v54, v49;
	v51 =	vmul.f32 $9.499999880e-01, v51;
	v50 =	vmul.f32 $9.499999880e-01, v50  }
0x2a6: {  	v54 =	vmul.f32 @p2 s0, v58;
	v49 =	vmul.f32 $9.499999880e-01, v49;
	v48 =	vpsel p2, v53, v48  }
0x2a7: {  	v53 =	vmul.f32 @p2 s0, v57;
	v16 =	vadd.f32 v16, v51;
	v17 =	vadd.f32 v17, v50  }
0x2a8: {  	v50 =	vmul.f32 @p2 s0, v56;
	v51 =	vld [tilespmem:s26+$0x50];
	v19 =	vadd.f32 v19, v49;
	v48 =	vmul.f32 $9.499999880e-01, v48  }
0x2a9: {  	v49 =	vld [tilespmem:s26+$0x60];
	v46 =	vpsel p2, v53, v46;
	v62 =	vmul.f32 v16, v16;
	v63 =	vmul.f32 v17, v17  }
0x2aa: {  	v47 =	vpsel p2, v50, v47;
	v50 =	vmul.f32 @p2 s0, v59;
	v48 =	vadd.f32 v61, v48  }
0x2ab: {  	v60 =	vmul.f32 v19, v19;
	v47 =	vmul.f32 $9.499999880e-01, v47;
	v61 =	vadd.f32 v63, v62  }
0x2ac: {  	v45 =	vpsel p2, v54, v45;
	v46 =	vmul.f32 $9.499999880e-01, v46;
	v62 =	vld [tilespmem:s26+$0x70];
	v56 =	vmul.f32 v48, v48  }
0x2ad: {  	v18 =	vadd.f32 v18, v47;
	v63 =	vmul.f32 $5.000000070e-02, v51;
	v52 =	vadd.f32 v60, v61  }
0x2ae: {  	v45 =	vmul.f32 $9.499999880e-01, v45;
	v44 =	vpsel p2, v50, v44;
	v49 =	vmul.f32 $5.000000070e-02, v49  }
0x2af: {  	v46 =	vadd.f32 v63, v46;
	v57 =	vmul.f32 v18, v18;
	v58 =	vadd.f32 v56, v52  }
0x2b0: {  	v44 =	vmul.f32 $9.499999880e-01, v44;
	v45 =	vadd.f32 v49, v45  }
0x2b1: {  	v59 =	vmul.f32 $5.000000070e-02, v62;
	v60 =	vmul.f32 v46, v46;
	v47 =	vadd.f32 v57, v58;
	_ =	sdelay $0x1  }
0x2b2: {  	v61 =	vmul.f32 v45, v45;
	v44 =	vadd.f32 v59, v44;
	v47 =	vadd.f32 v60, v47;
	_ =	sdelay $0x1  }
0x2b3: {  	v62 =	vmul.f32 v44, v44;
	v47 =	vadd.f32 v61, v47;
	_ =	sdelay $0x1  }
0x2b4: {  	v47 =	vadd.f32 v62, v47;
	_ =	sdelay $0x1  }
0x2b5: {  	v63 =	vperm.xlane v47, v32;
	_ =	sdelay $0x1  }
0x2b6: {  	v47 =	vadd.f32 v47, v63;
	_ =	sdelay $0x1  }
0x2b7: {  	v49 =	vperm.xlane v47, v34;
	_ =	sdelay $0x1  }
0x2b8: {  	v47 =	vadd.f32 v47, v49;
	_ =	sdelay $0x1  }
0x2b9: {  	v49 =	vperm.xlane v47, v36;
	_ =	sdelay $0x1  }
0x2ba: {  	v47 =	vadd.f32 v47, v49;
	_ =	sdelay $0x1  }
0x2bb: {  	v49 =	vperm.xlane v47, v37;
	_ =	sdelay $0x1  }
0x2bc: {  	v47 =	vadd.f32 v47, v49;
	_ =	sdelay $0x1  }
0x2bd: {  	(v2sf) =	vpush v47, $0x0;
	_ =	sdelay $0xe  }
0x2be: {  	s28 =	spop (v2sf)  }
0x2bf: {  	s0 =	smax.f32 s28, $1.000000020e-24  }
0x2c0: {  	s30 =	sshrl.u32 s0, $0x1;
	s0 =	smul.f32 $5.000000000e-01, s0  }
0x2c1: {  	s2 =	ssub.s32 $0x5F3759DF, s30  }
0x2c2: {  	s31 =	smul.f32 s2, s0;
	_ =	sdelay $0x1  }
0x2c3: {  	s3 =	smul.f32 s2, s31;
	_ =	sdelay $0x1  }
0x2c4: {  	s3 =	ssub.f32 $1.500000000e+00, s3;
	_ =	sdelay $0x1  }
0x2c5: {  	s2 =	smul.f32 s2, s3;
	_ =	sdelay $0x1  }
0x2c6: {  	s3 =	smul.f32 s2, s0;
	_ =	sdelay $0x1  }
0x2c7: {  	s3 =	smul.f32 s3, s2;
	_ =	sdelay $0x1  }
0x2c8: {  	s3 =	ssub.f32 $1.500000000e+00, s3;
	_ =	sdelay $0x1  }
0x2c9: {  	s2 =	smul.f32 s3, s2;
	_ =	sdelay $0x1  }
0x2ca: {  	s0 =	smul.f32 s2, s0;
	_ =	sdelay $0x1  }
0x2cb: {  	s0 =	smul.f32 s0, s2;
	_ =	sdelay $0x1  }
0x2cc: {  	s0 =	ssub.f32 $1.500000000e+00, s0;
	_ =	sdelay $0x1  }
0x2cd: {  	s0 =	smul.f32 s0, s2;
	_ =	sdelay $0x1  }
0x2ce: {  	s0 =	smin.f32 s0, $9.999999950e+11  }
0x2cf: {  	v51 =	vmul.f32 s0, v16;
	v45 =	vmul.f32 s0, v45  }
0x2d0: {  	v50 =	vmul.f32 s0, v17;
	v49 =	vmul.f32 s0, v19  }
0x2d1: {  	v44 =	vmul.f32 s0, v44;
	v48 =	vmul.f32 s0, v48  }
0x2d2: {  	s2 =	smov.u32 s29;
	v46 =	vmul.f32 s0, v46;
	v47 =	vmul.f32 s0, v18  }
.LBB2_18:
0x2d3: {  	[tilespmem:s25+$0x9C88] =	vst v51  }
0x2d4: {  	[tilespmem:s25+$0x9C98] =	vst v50;
	s24 =	sadd.s32 $0x1, s24  }
0x2d5: {  	[tilespmem:s25+$0x9CA8] =	vst v49;
	p2 =	sne.s32 s24, $0x20  }
.Ltmp7:
0x2d6: {  	[tilespmem:s25+$0x9CB8] =	vst v48;
	(pc) =	sbr.rel @!p2 .LBB2_19-.Ltmp7, $4  }
0x2d7: {  	[tilespmem:s25+$0x9CE8] =	vst v45  }
0x2d8: {  	[tilespmem:s25+$0x9CF8] =	vst v44  }
0x2d9: {  	[tilespmem:s25+$0x9CC8] =	vst v47  }
0x2da: {  	[tilespmem:s25+$0x9CD8] =	vst v46  }
.LBB2_10:
0x2db: {  	s0 =	sor.u32 s4, s24  }
0x2dc: {  	v44 =	vld [tilespmem:s0+$0x5588];
	_ =	sdelay $0x4  }
0x2dd: {  	(v2sf) =	vpush v44, $0x0  }
0x2de: {  	v45 =	vld [tilespmem:s0+$0x5108];
	_ =	sdelay $0x4  }
0x2df: {  	(v2sf) =	vpush v45, $0x0;
	_ =	sdelay $0x5  }
0x2e0: {  	s31 =	sshll.u32 s24, $0x7  }
0x2e1: {  	s25 =	sand.u32 $0x3FFFFF80, s31  }
0x2e2: {  	v51 =	vld [tilespmem:s25+$0x9C88]  }
0x2e3: {  	v50 =	vld [tilespmem:s25+$0x9C98];
	s0 =	spop (v2sf)  }
0x2e4: {  	v49 =	vld [tilespmem:s25+$0x9CA8];
	p2 =	slt.s32 s0, $0x1  }
.Ltmp8:
0x2e5: {  	v48 =	vld [tilespmem:s25+$0x9CB8];
	(pc) =	sbr.rel @p2 .LBB2_18-.Ltmp8, $4  }
0x2e6: {  	v47 =	vld [tilespmem:s25+$0x9CC8]  }
0x2e7: {  	v46 =	vld [tilespmem:s25+$0x9CD8]  }
0x2e8: {  	v44 =	vld [tilespmem:s25+$0x9CF8]  }
0x2e9: {  	v45 =	vld [tilespmem:s25+$0x9CE8];
	s16 =	spop (v2sf)  }
0x2ea: {  	s3 =	sadd.s32 $0x80, s2  }
0x2eb: {  	p3 =	slt.s32 s16, s3  }
0x2ec: {  	s3 =	sand.u32 @!p3 $0x7F, s16  }
0x2ed: {  	p2 =	slt.s32 @!p3 s16, $0x1;
	p4 =	sne.s32 @!p3 s3, $0x0  }
0x2ee: {  	s3 =	sshra.s32 @!p3 s16, $0x1F;
	p2 =	por @!p3 !p2, !p4  }
0x2ef: {  	s3 =	sshrl.u32 @!p3 s3, $0x19;
	p2 =	por @!p3 !p2, !p2  }
0x2f0: {  	s5 =	simm.s32 @!p3 $0x1;
	s3 =	sadd.s32 @!p3 s3, s16;
	p2 =	por !p2, p3  }
0x2f1: {  	s3 =	sshra.s32 @!p3 s3, $0x7;
	s5 =	simm.s32 @p2 $0x0  }
0x2f2: {  	s28 =	sshll.u32 s16, $0x9;
	s0 =	sadd.s32 $0xFFFFFFFF, s0;
	s3 =	ssub.s32 @!p3 s3, s5  }
0x2f3: {  	s13 =	simm.s32 @!p3 $0x5C08;
	s17 =	simm.s32 @!p3 $0x2;
	s6 =	sshll.u32 @!p3 s3, $0x9  }
0x2f4: {  	p4 =	sne.s32 s0, $0x0;
	s29 =	sshll.u32 @!p3 s3, $0x7;
	s6 =	sshra.s32 @!p3 s6, $0x2  }
0x2f5: {  	p2 =	por $0x0, $0x0;
	s29 =	smov.u32 @p3 s2;
	s6 =	sadd.s32 @!p3 s6, s1  }
0x2f6: {  	[tilespmem:s13], [sflag:$0x2] =	stream.linear.gather @!p3 [spmem:s6], $0x80, $0x38;
	[tilespmem:$0xAD08] =	vst v63  }
0x2f7: {  	s2 =	simm.s32 @!p3 $0x1;
	s30 =	sshll.u32 s29, $0x9;
	_ =	swait.ge @!p3 [sflag:s17], $0x80  }
.Ltmp9:
0x2f8: {  	s6 =	simm.s32 @!p3 $0x80;
	[sflag:s17] =	ssyncset.done @!p3 $0x0;
	(pc) =	sbr.rel @!p4 .LBB2_12-.Ltmp9, $4  }
0x2f9: {  	s3 =	rddreg [dreg:$0x7];
	[sflag:s17] =	ssyncadd.s32 @!p3 $0xFFFFFF80;
	s17 =	simm.s32 @!p3 $0x5C88  }
0x2fa: {  	[tilespmem:s17], [sflag:$0x1] =	stream.indirect.gather @!p3 [hbm4b:s3+s6], $0x80, s13, s6, $0xb8;
	[tilespmem:$0xAD08] =	vst v63  }
0x2fb: {  	s5 =	sshra.s32 s28, $0x2;
	s31 =	ssub.s32 $0x0, s30;
	_ =	swait.ge @!p3 [sflag:s2], $0x4000  }
0x2fc: {  	s26 =	sadd.s32 $0x5C88, s5;
	s13 =	sshra.s32 s31, $0x2;
	[sflag:s2] =	ssyncset.done @!p3 $0x0  }
0x2fd: {  	[sflag:s2] =	ssyncadd.s32 @!p3 $0xFFFFC000;
	s22 =	sadd.s32 s13, s26  }
0x2fe: {  	v52 =	vld [tilespmem:s22+$0x0]  }
0x2ff: {  	v53 =	vld [tilespmem:s22+$0x10]  }
0x300: {  	v54 =	vld [tilespmem:s22+$0x20];
	_ =	sdelay $0x1  }
0x301: {  	v55 =	vld [tilespmem:s22+$0x30]  }
0x302: {  	v57 =	vmul.f32 $9.499999880e-01, v51;
	v58 =	vmul.f32 $9.499999880e-01, v50  }
0x303: {  	v56 =	vld [tilespmem:s22+$0x40];
	v52 =	vmul.f32 $5.000000070e-02, v52;
	v53 =	vmul.f32 $5.000000070e-02, v53  }
0x304: {  	v54 =	vmul.f32 $5.000000070e-02, v54  }
0x305: {  	v52 =	vadd.f32 v52, v57;
	v57 =	vmul.f32 $9.499999880e-01, v49;
	v53 =	vadd.f32 v53, v58  }
0x306: {  	v59 =	vmul.f32 $9.499999880e-01, v48;
	v55 =	vmul.f32 $5.000000070e-02, v55;
	v58 =	vld [tilespmem:s22+$0x50]  }
0x307: {  	v60 =	vld [tilespmem:s22+$0x60];
	v54 =	vadd.f32 v54, v57;
	v57 =	vmul.f32 v52, v52;
	v61 =	vmul.f32 v53, v53  }
0x308: {  	v62 =	vmul.f32 $9.499999880e-01, v47;
	v56 =	vmul.f32 $5.000000070e-02, v56  }
0x309: {  	v55 =	vadd.f32 v55, v59;
	v59 =	vmul.f32 v54, v54;
	v57 =	vadd.f32 v61, v57  }
0x30a: {  	v63 =	vmul.f32 $9.499999880e-01, v46;
	v56 =	vadd.f32 v56, v62;
	v61 =	vld [tilespmem:s22+$0x70]  }
0x30b: {  	v62 =	vmul.f32 v55, v55;
	v58 =	vmul.f32 $5.000000070e-02, v58;
	v59 =	vadd.f32 v59, v57  }
0x30c: {  	v16 =	vmul.f32 $9.499999880e-01, v45;
	v60 =	vmul.f32 $5.000000070e-02, v60  }
0x30d: {  	v57 =	vadd.f32 v58, v63;
	v63 =	vmul.f32 v56, v56;
	v59 =	vadd.f32 v62, v59  }
0x30e: {  	v58 =	vadd.f32 v60, v16;
	v62 =	vmul.f32 $9.499999880e-01, v44  }
0x30f: {  	v16 =	vmul.f32 $5.000000070e-02, v61;
	v60 =	vmul.f32 v57, v57;
	v61 =	vadd.f32 v63, v59;
	_ =	sdelay $0x1  }
0x310: {  	v59 =	vadd.f32 v16, v62;
	v16 =	vmul.f32 v58, v58;
	v60 =	vadd.f32 v60, v61  }
0x311: {  	s30 =	sadd.s32 $0x80, s29;
	s28 =	sadd.s32 $0x1, s16  }
0x312: {  	p3 =	slt.s32 s28, s30;
	v61 =	vmul.f32 v59, v59;
	v16 =	vadd.f32 v16, v60  }
0x313: {  	s2 =	sand.u32 @!p3 $0x7F, s28  }
0x314: {  	p2 =	slt.s32 @!p3 s28, $0x1;
	p4 =	sne.s32 @!p3 s2, $0x0;
	v16 =	vadd.f32 v61, v16  }
0x315: {  	s2 =	sshra.s32 @!p3 s28, $0x1F;
	p2 =	por @!p3 !p2, !p4  }
0x316: {  	s2 =	sshrl.u32 @!p3 s2, $0x19;
	p2 =	por @!p3 !p2, !p2;
	v60 =	vperm.xlane v16, v32  }
0x317: {  	s3 =	simm.s32 @!p3 $0x1;
	s2 =	sadd.s32 @!p3 s2, s28;
	p2 =	por !p2, p3  }
0x318: {  	s2 =	sshra.s32 @!p3 s2, $0x7;
	s3 =	simm.s32 @p2 $0x0;
	v16 =	vadd.f32 v16, v60  }
0x319: {  	s2 =	ssub.s32 @!p3 s2, s3  }
0x31a: {  	s5 =	simm.s32 @!p3 $0x2;
	s13 =	simm.s32 @!p3 $0x5C88;
	s3 =	sshll.u32 @!p3 s2, $0x9;
	v60 =	vperm.xlane v16, v34  }
0x31b: {  	s16 =	sshll.u32 @!p3 s2, $0x7;
	s2 =	sshra.s32 @!p3 s3, $0x2;
	s3 =	simm.s32 @!p3 $0x5C08  }
0x31c: {  	s16 =	smov.u32 @p3 s29;
	s29 =	sadd.s32 $0xFFFFFFFF, s0;
	s2 =	sadd.s32 @!p3 s2, s1;
	v16 =	vadd.f32 v16, v60  }
0x31d: {  	[tilespmem:s3], [sflag:$0x2] =	stream.linear.gather @!p3 [spmem:s2], $0x80, $0x38;
	[tilespmem:$0xAD08] =	vst v63  }
0x31e: {  	s31 =	sshll.u32 s16, $0x9;
	p4 =	sne.s32 s29, $0x0;
	_ =	swait.ge @!p3 [sflag:s5], $0x80;
	v60 =	vperm.xlane v16, v36  }
.Ltmp10:
0x31f: {  	s2 =	simm.s32 @!p3 $0x1;
	[sflag:s5] =	ssyncset.done @!p3 $0x0;
	(pc) =	sbr.rel @!p4 .LBB2_14-.Ltmp10, $4  }
0x320: {  	s6 =	rddreg [dreg:$0x7];
	[sflag:s5] =	ssyncadd.s32 @!p3 $0xFFFFFF80;
	s5 =	simm.s32 @!p3 $0x80;
	v60 =	vadd.f32 v16, v60  }
0x321: {  	[tilespmem:s13], [sflag:$0x1] =	stream.indirect.gather @!p3 [hbm4b:s6+s5], $0x80, s3, s5, $0xb8;
	[tilespmem:$0xAD08] =	vst v63  }
0x322: {  	s26 =	sadd.s32 $0x80, s26;
	s0 =	ssub.s32 $0x0, s31;
	_ =	swait.ge @!p3 [sflag:s2], $0x4000;
	v61 =	vperm.xlane v60, v37  }
0x323: {  	p2 =	por $0x1, $0x1;
	s13 =	sshra.s32 s0, $0x2;
	[sflag:s2] =	ssyncset.done @!p3 $0x0  }
.LBB2_15:
0x324: {  	_ = 	snop  }
0x325: {  	v16 =	vadd.f32 v60, v61;
	_ =	sdelay $0x1  }
0x326: {  	(v2sf) =	vpush v16, $0x0;
	_ =	sdelay $0xe  }
0x327: {  	s0 =	spop (v2sf)  }
0x328: {  	s0 =	smax.f32 s0, $1.000000020e-24  }
0x329: {  	s3 =	sshrl.u32 s0, $0x1;
	s0 =	smul.f32 $5.000000000e-01, s0  }
0x32a: {  	s3 =	ssub.s32 $0x5F3759DF, s3  }
0x32b: {  	s5 =	smul.f32 s3, s0;
	_ =	sdelay $0x1  }
0x32c: {  	s5 =	smul.f32 s3, s5;
	_ =	sdelay $0x1  }
0x32d: {  	s5 =	ssub.f32 $1.500000000e+00, s5;
	_ =	sdelay $0x1  }
0x32e: {  	s21 =	smul.f32 s3, s5;
	_ =	sdelay $0x1  }
0x32f: {  	s3 =	smul.f32 s21, s0;
	_ =	sdelay $0x1  }
0x330: {  	s3 =	smul.f32 s3, s21;
	_ =	sdelay $0x1  }
0x331: {  	s3 =	ssub.f32 $1.500000000e+00, s3;
	_ =	sdelay $0x1  }
0x332: {  	[sflag:s2] =	ssyncadd.s32 @!p3 $0xFFFFC000;
	s2 =	smul.f32 s3, s21;
	_ =	sdelay $0x1  }
0x333: {  	s0 =	smul.f32 s2, s0;
	_ =	sdelay $0x1  }
0x334: {  	s0 =	smul.f32 s0, s2  }
0x335: {  	s20 =	sadd.s32 s13, s26  }
0x336: {  	v60 =	vld [tilespmem:s20+$0x10];
	s0 =	ssub.f32 $1.500000000e+00, s0  }
0x337: {  	v16 =	vld [tilespmem:s20+$0x0]  }
0x338: {  	s0 =	smul.f32 s0, s2  }
0x339: {  	v61 =	vld [tilespmem:s20+$0x20]  }
0x33a: {  	v62 =	vld [tilespmem:s20+$0x30];
	s0 =	smin.f32 s0, $9.999999950e+11  }
0x33b: {  	v63 =	vld [tilespmem:s20+$0x40];
	v60 =	vmul.f32 $5.000000070e-02, v60;
	v52 =	vmul.f32 s0, v52  }
0x33c: {  	v16 =	vmul.f32 $5.000000070e-02, v16;
	v53 =	vmul.f32 s0, v53  }
0x33d: {  	v54 =	vmul.f32 s0, v54;
	v52 =	vmul.f32 $9.499999880e-01, v52  }
0x33e: {  	v61 =	vmul.f32 $5.000000070e-02, v61;
	v53 =	vmul.f32 $9.499999880e-01, v53  }
0x33f: {  	v55 =	vmul.f32 s0, v55;
	v52 =	vadd.f32 v16, v52;
	v16 =	vmul.f32 $9.499999880e-01, v54  }
0x340: {  	v17 =	vld [tilespmem:s20+$0x50];
	v63 =	vmul.f32 $5.000000070e-02, v63;
	v62 =	vmul.f32 $5.000000070e-02, v62;
	v53 =	vadd.f32 v60, v53  }
0x341: {  	v56 =	vmul.f32 s0, v56;
	v54 =	vadd.f32 v61, v16;
	v16 =	vmul.f32 $9.499999880e-01, v55  }
0x342: {  	v18 =	vld [tilespmem:s20+$0x60];
	v60 =	vmul.f32 v52, v52;
	v61 =	vmul.f32 v53, v53  }
0x343: {  	v57 =	vmul.f32 s0, v57;
	v55 =	vadd.f32 v62, v16;
	v16 =	vmul.f32 $9.499999880e-01, v56  }
0x344: {  	v58 =	vmul.f32 s0, v58;
	v62 =	vmul.f32 v54, v54;
	v60 =	vadd.f32 v61, v60  }
0x345: {  	v19 =	vld [tilespmem:s20+$0x70];
	v57 =	vmul.f32 $9.499999880e-01, v57;
	v56 =	vadd.f32 v63, v16;
	v16 =	vmul.f32 $5.000000070e-02, v17  }
0x346: {  	v59 =	vmul.f32 s0, v59;
	v17 =	vmul.f32 v55, v55;
	v60 =	vadd.f32 v62, v60  }
0x347: {  	v58 =	vmul.f32 $9.499999880e-01, v58;
	v57 =	vadd.f32 v16, v57;
	v16 =	vmul.f32 $5.000000070e-02, v18  }
0x348: {  	v18 =	vmul.f32 v56, v56;
	v17 =	vadd.f32 v17, v60  }
0x349: {  	v59 =	vmul.f32 $9.499999880e-01, v59;
	v58 =	vadd.f32 v16, v58  }
0x34a: {  	v16 =	vmul.f32 $5.000000070e-02, v19;
	v19 =	vmul.f32 v57, v57;
	v17 =	vadd.f32 v18, v17  }
0x34b: {  	s22 =	sadd.s32 $0x80, s16;
	s28 =	sadd.s32 $0x1, s28  }
0x34c: {  	p3 =	slt.s32 s28, s22;
	v59 =	vadd.f32 v16, v59;
	v16 =	vmul.f32 v58, v58;
	v17 =	vadd.f32 v19, v17  }
0x34d: {  	s2 =	sand.u32 @!p3 $0x7F, s28  }
0x34e: {  	p5 =	slt.s32 @!p3 s28, $0x1;
	p6 =	sne.s32 @!p3 s2, $0x0;
	v18 =	vmul.f32 v59, v59;
	v16 =	vadd.f32 v16, v17  }
0x34f: {  	p5 =	por @!p3 !p5, !p6;
	s0 =	sshra.s32 @!p3 s28, $0x1F  }
0x350: {  	p5 =	por @!p3 !p5, !p5;
	s0 =	sshrl.u32 @!p3 s0, $0x19;
	v16 =	vadd.f32 v18, v16  }
0x351: {  	s3 =	simm.s32 @!p3 $0x1;
	p5 =	por !p5, p3;
	s0 =	sadd.s32 @!p3 s0, s28  }
0x352: {  	s3 =	simm.s32 @p5 $0x0;
	s0 =	sshra.s32 @!p3 s0, $0x7;
	v17 =	vperm.xlane v16, v32  }
0x353: {  	s0 =	ssub.s32 @!p3 s0, s3  }
0x354: {  	s30 =	smov.u32 s16;
	s16 =	sshll.u32 @!p3 s0, $0x7;
	s0 =	sshll.u32 @!p3 s0, $0x9;
	v16 =	vadd.f32 v16, v17  }
0x355: {  	s29 =	sadd.s32 $0xFFFFFFFF, s29;
	s0 =	sshra.s32 @!p3 s0, $0x2;
	s16 =	smov.u32 @p3 s30  }
0x356: {  	s3 =	simm.s32 @!p3 $0x5C08;
	s0 =	sadd.s32 @!p3 s0, s1;
	s31 =	sshll.u32 s16, $0x9;
	v17 =	vperm.xlane v16, v34  }
0x357: {  	[tilespmem:s3], [sflag:$0x2] =	stream.linear.gather @!p3 [spmem:s0], $0x80, $0x38;
	[tilespmem:$0xAD08] =	vst v63  }
0x358: {  	p4 =	sne.s32 s29, $0x0;
	s5 =	simm.s32 @!p3 $0x2;
	s0 =	ssub.s32 $0x0, s31;
	v16 =	vadd.f32 v16, v17  }
0x359: {  	s2 =	simm.s32 @!p3 $0x1;
	_ =	swait.ge @!p3 [sflag:s5], $0x80;
	s13 =	sshra.s32 s0, $0x2  }
.Ltmp11:
0x35a: {  	s0 =	simm.s32 @!p3 $0x80;
	[sflag:s5] =	ssyncset.done @!p3 $0x0;
	v17 =	vperm.xlane v16, v36;
	(pc) =	sbr.rel @p4 .LBB2_15-.Ltmp11, $4  }
0x35b: {  	s6 =	rddreg [dreg:$0x7];
	[sflag:s5] =	ssyncadd.s32 @!p3 $0xFFFFFF80;
	s5 =	simm.s32 @!p3 $0x5C88  }
0x35c: {  	[tilespmem:s5], [sflag:$0x1] =	stream.indirect.gather @!p3 [hbm4b:s6+s0], $0x80, s3, s0, $0xb8;
	v60 =	vadd.f32 v16, v17;
	[tilespmem:$0xAD08] =	vst v63  }
0x35d: {  	_ =	swait.ge @!p3 [sflag:s2], $0x4000  }
0x35e: {  	s26 =	sadd.s32 $0x80, s26;
	[sflag:s2] =	ssyncset.done @!p3 $0x0;
	v61 =	vperm.xlane v60, v37  }
.Ltmp12:
0x35f: {  	(pc) =	sbr.rel .LBB2_17-.Ltmp12, $2  }
0x360: {  	_ =	sdelay $0x2  }
0x361: {  	s29 =	smov.u32 s16  }
.LBB2_14:
.Ltmp13:
0x362: {  	(pc) =	sbr.rel .LBB2_17-.Ltmp13, $2  }
0x363: {  	_ =	sdelay $0x2  }
0x364: {  	s29 =	smov.u32 s16  }
.LBB2_20:
0x365: {  	_ =	sfence.sel $0x180000  }
0x366: {  	[bflag:$0x0] =	sbarrier.arrive $0xFFFF  }
0x367: {  	_ =	strace $0x90000047  }
0x368: {  	[bflag:$0x2] =	sbarrier.arrive $0xFFFF  }
0x369: {  	s0 =	rddreg [dreg:$0x6]  }
0x36a: {  	s0 =	sadd.s32 @!p0 $0x100000, s0  }
0x36b: {  	[sflag:s0] =	ssyncadd.tile.s32 @!p0 $0x1;
	_ =	shalt  }
.Lfunc_end2:
_tile_overlayer_lowered:
.L_overlay_start_2:
0x36c: {  	(tag) =	ssettag $0x2  }
0x36d: {  	s0 =	rddreg [dreg:$0x0];
	s2 =	stileid.u32  }
0x36e: {  	s1 =	rddreg [dreg:$0x1];
	p0 =	sne.s32 s2, $0x0  }
0x36f: {  	s3 =	rddreg [dreg:$0x2];
	[bflag:$0x3] =	sbarrier.arrive $0xFFFF;
	s2 =	simm.s32 @!p0 $0x1C02  }
0x370: {  	[timem:s3], [sflag:s2] =	dma.local @!p0 [hbm:s0], s1  }
0x371: {  	s0 =	simm.s32 @!p0 $0x2  }
0x372: {  	_ =	swait.ge @!p0 [sflag:s0], s1  }
0x373: {  	s1 =	ssub.s32 @!p0 $0x0, s1;
	[sflag:s0] =	ssyncset.done @!p0 $0x0  }
0x374: {  	[sflag:s0] =	ssyncadd.s32 @!p0 s1  }
0x375: {  	[bflag:$0x3] =	sbarrier.arrive $0xFFFF  }
0x376: {  	_ =	shalt  }

</sc_bundles>
